<compile_context>
chip_gen: v7x
topology: tpu7x:2x2x1
jax: 0.10.2.dev20260603
libtpu: 0.0.44.dev20260713+nightly
codegen_flags: <defaults>
</compile_context>

<pallas_src>
import functools

import jax
import jax.numpy as jnp
from jax import lax
from jax.experimental import pallas as pl
from jax.experimental.pallas import tpu as pltpu
from jax.experimental.pallas import tpu_sc as plsc

N = 10000
B = 8
E = 128
H = 8
D_H = 16
L = 16
NE = 320000

NW = 32
EPT = NE // NW
CH = 128
NCH = EPT // CH
TAIL = EPT - NCH * CH
NPAD = 10240
RB = 1000
NBLK = N // RB

_sc_mesh = dict(core_axis_name="c", subcore_axis_name="s")


def _deg_body(dst_hbm, out_hbm, idx_v, acc_v):
    cid = lax.axis_index("c")
    sid = lax.axis_index("s")
    wid = sid * 2 + cid
    pltpu.sync_copy(dst_hbm.at[pl.ds(wid * EPT, EPT)], idx_v)
    zeros16 = jnp.zeros((16,), jnp.float32)
    ones16 = jnp.ones((16,), jnp.float32)

    def zero(k, c):
        acc_v[pl.ds(k * 16, 16)] = zeros16
        return c

    lax.fori_loop(0, EPT // 16, zero, 0)

    def add(k, c):
        dvec = idx_v[pl.ds(k * 16, 16)]
        plsc.addupdate_scatter(acc_v, [dvec], ones16)
        return c

    lax.fori_loop(0, EPT // 16, add, 0)
    pltpu.sync_copy(acc_v, out_hbm.at[wid])


@functools.cache
def _deg():
    return functools.partial(
        pl.kernel,
        mesh=plsc.VectorSubcoreMesh(**_sc_mesh),
        out_type=jax.ShapeDtypeStruct((NW, N), jnp.float32),
        scratch_types=[
            pltpu.VMEM((EPT,), jnp.int32),
            pltpu.VMEM((N,), jnp.float32),
        ],
        compiler_params=pltpu.CompilerParams(needs_layout_passes=False),
    )(_deg_body)


def _scale_body(dp_ref, x_ref, y_ref, dinvb_ref):
    ones = jnp.ones((NW, 1), jnp.float32)
    deg = lax.dot_general(dp_ref[...], ones, (((0,), (0,)), ((), ())),
                          preferred_element_type=jnp.float32) + 1.0
    dinv = lax.rsqrt(deg)
    y_ref[...] = dinv * x_ref[...]
    dinvb_ref[...] = jnp.broadcast_to(dinv, (N, E))


def _scale(dp, x):
    return pl.pallas_call(
        _scale_body,
        out_shape=(
            jax.ShapeDtypeStruct((N, E), jnp.float32),
            jax.ShapeDtypeStruct((N, E), jnp.float32),
        ),
    )(dp, x)


def _agg_body(src_hbm, dst_hbm, y_hbm, out_hbm,
              sall_v, didx0_v, didx1_v, didxt_v, rows0_v, rows1_v, shacc,
              gsem0, gsem1, isem0, isem1):
    cid = lax.axis_index("c")
    sid = lax.axis_index("s")
    wid = sid * 2 + cid
    base = wid * EPT
    zeros16 = jnp.zeros((16,), jnp.float32)

    def zero(k, c):
        rows0_v[k // 8, pl.ds((k % 8) * 16, 16)] = zeros16
        return c

    lax.fori_loop(0, CH * 8, zero, 0)
    zbase = pl.multiple_of(sid * 640, 8)
    for b in range(5):
        pltpu.sync_copy(rows0_v, shacc.at[pl.ds(zbase + b * CH, CH)])
    plsc.subcore_barrier()

    pltpu.sync_copy(src_hbm.at[pl.ds(base, EPT)], sall_v)

    def issue(ci, didx_v, rows_v, gsem, isem):
        off = pl.multiple_of(ci * CH, 8)
        pltpu.async_copy(dst_hbm.at[pl.ds(base + off, CH)], didx_v, isem)
        pltpu.async_copy(y_hbm.at[sall_v.at[pl.ds(off, CH)]], rows_v, gsem)

    def drain(ci, didx_v, rows_v, gsem, isem):
        off = pl.multiple_of(ci * CH, 8)
        pltpu.make_async_copy(dst_hbm.at[pl.ds(base + off, CH)],
                              didx_v, isem).wait()
        pltpu.make_async_copy(y_hbm.at[sall_v.at[pl.ds(off, CH)]],
                              rows_v, gsem).wait()
        pltpu.sync_copy(rows_v, shacc.at[didx_v], add=True)

    issue(0, didx0_v, rows0_v, gsem0, isem0)

    def chunk(ci, c):
        @pl.when(ci % 2 == 0)
        def _even():
            @pl.when(ci + 1 < NCH)
            def _pref():
                issue(ci + 1, didx1_v, rows1_v, gsem1, isem1)
            drain(ci, didx0_v, rows0_v, gsem0, isem0)

        @pl.when(ci % 2 == 1)
        def _odd():
            @pl.when(ci + 1 < NCH)
            def _pref():
                issue(ci + 1, didx0_v, rows0_v, gsem0, isem0)
            drain(ci, didx1_v, rows1_v, gsem1, isem1)

        return c

    lax.fori_loop(0, NCH, chunk, 0)

    toff = pl.multiple_of(NCH * CH, 8)
    pltpu.sync_copy(dst_hbm.at[pl.ds(base + toff, TAIL)], didxt_v)
    pltpu.async_copy(y_hbm.at[sall_v.at[pl.ds(toff, TAIL)]],
                     rows0_v.at[pl.ds(0, TAIL)], gsem0).wait()
    pltpu.sync_copy(rows0_v.at[pl.ds(0, TAIL)], shacc.at[didxt_v], add=True)
    plsc.subcore_barrier()

    obase = pl.multiple_of(sid * 624, 8)

    @pl.when(sid < 15)
    def _cp():
        pltpu.sync_copy(shacc.at[pl.ds(obase, 624)],
                        out_hbm.at[cid, pl.ds(obase, 624)])

    @pl.when(sid == 15)
    def _cp_tail():
        pltpu.sync_copy(shacc.at[pl.ds(15 * 624, 640)],
                        out_hbm.at[cid, pl.ds(15 * 624, 640)])


@functools.cache
def _agg():
    return functools.partial(
        pl.kernel,
        mesh=plsc.VectorSubcoreMesh(**_sc_mesh),
        out_type=jax.ShapeDtypeStruct((2, N, E), jnp.float32),
        scratch_types=[
            pltpu.VMEM((EPT,), jnp.int32),
            pltpu.VMEM((CH,), jnp.int32),
            pltpu.VMEM((CH,), jnp.int32),
            pltpu.VMEM((TAIL,), jnp.int32),
            pltpu.VMEM((CH, E), jnp.float32),
            pltpu.VMEM((CH, E), jnp.float32),
            pltpu.VMEM_SHARED((NPAD, E), jnp.float32),
            pltpu.SemaphoreType.DMA,
            pltpu.SemaphoreType.DMA,
            pltpu.SemaphoreType.DMA,
            pltpu.SemaphoreType.DMA,
        ],
    )(_agg_body)


def _dense_body(aggp_ref, y_ref, dinvb_ref, batch_ref, seed_ref, qp_ref,
                wk_ref, bk_ref, wv_ref, bv_ref, ow_ref, ob_ref,
                fw_ref, fb_ref, l1g_ref, l1b_ref, l2g_ref, l2b_ref,
                out_ref, qt_ref, m_ref, den_ref, num_ref, cnt_ref):
    i = pl.program_id(0)
    f32 = jnp.float32

    @pl.when(i == 0)
    def _init():
        m_ref[...] = jnp.full((B, E), -1e30, f32)
        den_ref[...] = jnp.zeros((B, E), f32)
        num_ref[...] = jnp.zeros((B, E, E), f32)
        cnt_ref[...] = jnp.zeros((B, E), f32)
        q2 = lax.dot_general(seed_ref[...], qp_ref[...],
                             (((1,), (1,)), ((), ())),
                             preferred_element_type=f32) * (D_H ** -0.5)
        rep = jnp.concatenate([q2] * H, axis=0)
        rh = lax.broadcasted_iota(jnp.int32, (E, E), 0) // D_H
        eh = lax.broadcasted_iota(jnp.int32, (E, E), 1) // D_H
        qt_ref[...] = jnp.where(rh == eh, rep, 0.0)

    pre = dinvb_ref[...] * (aggp_ref[0] + aggp_ref[1] + y_ref[...])
    k = lax.dot_general(pre, wk_ref[...], (((1,), (1,)), ((), ())),
                        preferred_element_type=f32) + bk_ref[...]
    v = lax.dot_general(pre, wv_ref[...], (((1,), (1,)), ((), ())),
                        preferred_element_type=f32) + bv_ref[...]
    logits = lax.dot_general(k, qt_ref[...], (((1,), (1,)), ((), ())),
                             preferred_element_type=f32)

    b_blk = batch_ref[0, 0, :]
    gid = lax.broadcasted_iota(jnp.int32, (RB, B), 1)
    bm = b_blk[:, None] == gid
    bmf = bm.astype(f32)
    cnt_ref[...] = cnt_ref[...] + jnp.sum(bmf, axis=0)[:, None]

    for g in range(B):
        mk = bm[:, g:g + 1]

        @pl.when(jnp.sum(bmf[:, g]) > 0.0)
        def _upd(g=g, mk=mk):
            lg = jnp.where(mk, logits, -1e30)
            bmax = jnp.max(lg, axis=0)
            mold = m_ref[g, :]
            mnew = jnp.maximum(mold, bmax)
            adj = jnp.exp(mold - mnew)
            w = jnp.where(mk, jnp.exp(logits - mnew[None, :]), 0.0)
            den_ref[g, :] = den_ref[g, :] * adj + jnp.sum(w, axis=0)
            num_ref[g, :, :] = (num_ref[g, :, :] * adj[:, None] +
                                lax.dot_general(w, v,
                                                (((0,), (0,)), ((), ())),
                                                preferred_element_type=f32))
            m_ref[g, :] = mnew

    @pl.when(i == NBLK - 1)
    def _fin():
        counts = cnt_ref[...][:, 0]
        nmax = jnp.max(counts)
        pad = nmax - counts
        mfin = m_ref[...]
        padterm = jnp.where(pad[:, None] > 0.0,
                            pad[:, None] * jnp.exp(-mfin), 0.0)
        denf = den_ref[...] + padterm

        rows = []
        for g in range(B):
            segs = []
            for h in range(H):
                sub = num_ref[g, h * D_H:(h + 1) * D_H,
                              h * D_H:(h + 1) * D_H]
                dsub = denf[g, h * D_H:(h + 1) * D_H]
                segs.append(sub / dsub[:, None])
            rows.append(jnp.concatenate(segs, axis=1))
        ao = jnp.concatenate(rows, axis=0)

        qm = jnp.broadcast_to(seed_ref[...][None, :, :],
                              (B, L, E)).reshape(B * L, E)
        ao2 = lax.dot_general(ao, ow_ref[...], (((1,), (1,)), ((), ())),
                              preferred_element_type=f32) + ob_ref[...]
        s1 = qm + ao2
        mu1 = jnp.mean(s1, axis=1, keepdims=True)
        va1 = jnp.mean((s1 - mu1) ** 2, axis=1, keepdims=True)
        e1 = ((s1 - mu1) / jnp.sqrt(va1 + 1e-5)) * l1g_ref[...] + l1b_ref[...]
        ff = lax.dot_general(e1, fw_ref[...], (((1,), (1,)), ((), ())),
                             preferred_element_type=f32) + fb_ref[...]
        s2 = e1 + ff
        mu2 = jnp.mean(s2, axis=1, keepdims=True)
        va2 = jnp.mean((s2 - mu2) ** 2, axis=1, keepdims=True)
        e2 = ((s2 - mu2) / jnp.sqrt(va2 + 1e-5)) * l2g_ref[...] + l2b_ref[...]
        out_ref[...] = e2.reshape(B, L, E)


def _full(shape):
    nd = len(shape)
    return pl.BlockSpec(shape, lambda i, _n=nd: (0,) * _n)


def _dense(aggp, y, dinvb, batch3, seedf, qp, wkf, bkf, wvf, bvf,
           ow, ob, fw, fb, l1g, l1b, l2g, l2b):
    return pl.pallas_call(
        _dense_body,
        grid=(NBLK,),
        in_specs=[
            pl.BlockSpec((2, RB, E), lambda i: (0, i, 0)),
            pl.BlockSpec((RB, E), lambda i: (i, 0)),
            pl.BlockSpec((RB, E), lambda i: (i, 0)),
            pl.BlockSpec((1, 1, RB), lambda i: (i, 0, 0)),
            _full((L, E)), _full((E, E)),
            _full((E, E)), _full((1, E)), _full((E, E)), _full((1, E)),
            _full((E, E)), _full((1, E)), _full((E, E)), _full((1, E)),
            _full((1, E)), _full((1, E)), _full((1, E)), _full((1, E)),
        ],
        out_specs=pl.BlockSpec((B, L, E), lambda i: (0, 0, 0)),
        out_shape=jax.ShapeDtypeStruct((B, L, E), jnp.float32),
        scratch_shapes=[
            pltpu.VMEM((E, E), jnp.float32),
            pltpu.VMEM((B, E), jnp.float32),
            pltpu.VMEM((B, E), jnp.float32),
            pltpu.VMEM((B, E, E), jnp.float32),
            pltpu.VMEM((B, E), jnp.float32),
        ],
        compiler_params=pltpu.CompilerParams(
            dimension_semantics=("arbitrary",)),
    )(aggp, y, dinvb, batch3, seedf, qp, wkf, bkf, wvf, bvf,
      ow, ob, fw, fb, l1g, l1b, l2g, l2b)


def kernel(x_dense, x, edge_index, batch, seed, Wk, bk, Wv, bv,
           q_proj_weight, out_w, out_b, ff_w, ff_b,
           ln1_g, ln1_b, ln2_g, ln2_b):
    src = edge_index[0]
    dst = edge_index[1]

    deg_part = _deg()(dst)
    y, dinvb = _scale(deg_part, x)
    aggp = _agg()(src, dst, y)

    return _dense(
        aggp, y, dinvb,
        batch.reshape(NBLK, 1, RB),
        seed.reshape(L, E), q_proj_weight,
        Wk.reshape(E, E), bk.reshape(1, E),
        Wv.reshape(E, E), bv.reshape(1, E),
        out_w, out_b.reshape(1, E), ff_w, ff_b.reshape(1, E),
        ln1_g.reshape(1, E), ln1_b.reshape(1, E),
        ln2_g.reshape(1, E), ln2_b.reshape(1, E),
    )

# --- scband reference (transcript-rebuilt; emitter-appended) ---
"""Pipeline reference for scband-gmtconv-attention-936302870759 (READ-ONLY COPY).

The authoritative reference and input builder live on the scoring server;
editing this copy changes nothing except your own understanding.
"""

import jax, jax.numpy as jnp
import numpy as np

N_NODES = 10000
B = 8
E_DIM = 128
H = 8
D_H = 16
L_SEEDS = 16
N_EDGES = 320000


def layer_norm(x, g, b):
    m = x.mean(-1, keepdims=True)
    v = ((x - m) ** 2).mean(-1, keepdims=True)
    return (x - m) / jnp.sqrt(v + 1e-5) * g + b


def gcn_conv(x, src, dst, W, b, n):
    # PyG GCNConv: h = x W^T ; symmetric norm with self-loops ; scatter-add to dst ; + bias
    h = x @ W.T
    deg = jnp.zeros((n,), x.dtype).at[dst].add(1.0) + 1.0  # +1 for self loop
    dinv = jax.lax.rsqrt(deg)
    norm = dinv[src] * dinv[dst]
    out = jnp.zeros((n, W.shape[0]), x.dtype).at[dst].add(norm[:, None] * h[src])
    out = out + (dinv * dinv)[:, None] * h  # self-loop contribution
    return out + b


def to_dense_batch(xf, batch, b):
    counts = jnp.bincount(batch, length=b)
    n_max = xf.shape[0]
    offs = jnp.concatenate([jnp.zeros((1,), counts.dtype), jnp.cumsum(counts)[:-1]])
    pos = jnp.arange(batch.shape[0]) - offs[batch]
    return jnp.zeros((b, n_max, xf.shape[-1]), xf.dtype).at[batch, pos].set(xf)


def setup_inputs(seed: int = 0):
    key = jax.random.key(seed)
    ks = jax.random.split(key, 16)
    x_dense = jax.random.normal(ks[0], (B, 1250, E_DIM), jnp.float32)
    x = jax.random.normal(ks[1], (N_NODES, E_DIM), jnp.float32)
    edge_index = jax.random.randint(ks[2], (2, N_EDGES), 0, N_NODES, dtype=jnp.int32)
    batch = jnp.sort(jax.random.randint(ks[3], (N_NODES,), 0, B, dtype=jnp.int32))
    seed = jax.random.normal(ks[4], (L_SEEDS, 1, E_DIM), jnp.float32) * 0.1
    Wk = jax.random.normal(ks[5], (H, D_H, E_DIM), jnp.float32) * 0.05
    bk = jnp.zeros((H, D_H), jnp.float32)
    Wv = jax.random.normal(ks[6], (H, D_H, E_DIM), jnp.float32) * 0.05
    bv = jnp.zeros((H, D_H), jnp.float32)
    q_proj_weight = jax.random.normal(ks[7], (E_DIM, E_DIM), jnp.float32) * 0.05
    out_w = jax.random.normal(ks[8], (E_DIM, E_DIM), jnp.float32) * 0.05
    out_b = jnp.zeros((E_DIM,), jnp.float32)
    ff_w = jax.random.normal(ks[9], (E_DIM, E_DIM), jnp.float32) * 0.05
    ff_b = jnp.zeros((E_DIM,), jnp.float32)
    ln1_g = jnp.ones((E_DIM,), jnp.float32)
    ln1_b = jnp.zeros((E_DIM,), jnp.float32)
    ln2_g = jnp.ones((E_DIM,), jnp.float32)
    ln2_b = jnp.zeros((E_DIM,), jnp.float32)
    return {"x_dense": x_dense, "x": x, "edge_index": edge_index, "batch": batch,
            "seed": seed, "Wk": Wk, "bk": bk, "Wv": Wv, "bv": bv,
            "q_proj_weight": q_proj_weight, "out_w": out_w, "out_b": out_b,
            "ff_w": ff_w, "ff_b": ff_b, "ln1_g": ln1_g, "ln1_b": ln1_b,
            "ln2_g": ln2_g, "ln2_b": ln2_b}


def reference(x_dense, x, edge_index, batch, seed, Wk, bk, Wv, bv, q_proj_weight,
              out_w, out_b, ff_w, ff_b, ln1_g, ln1_b, ln2_g, ln2_b):
    b = x_dense.shape[0]
    n = x.shape[0]
    src, dst = edge_index[0], edge_index[1]
    static_k = jnp.concatenate([gcn_conv(x, src, dst, Wk[h], bk[h], n) for h in range(H)], axis=1)
    static_v = jnp.concatenate([gcn_conv(x, src, dst, Wv[h], bv[h], n) for h in range(H)], axis=1)
    kd = to_dense_batch(static_k, batch, b)
    vd = to_dense_batch(static_v, batch, b)
    counts = jnp.bincount(batch, length=b)
    n_max_t = jnp.max(counts)
    n_max = kd.shape[1]
    k = kd.transpose(0, 2, 1).reshape(b * H, D_H, n_max).transpose(0, 2, 1)
    v = vd.transpose(0, 2, 1).reshape(b * H, D_H, n_max).transpose(0, 2, 1)
    query = jnp.tile(seed, (1, b, 1))  # [L, B, E]
    q = (query @ q_proj_weight.T) * (D_H ** -0.5)
    q = q.reshape(L_SEEDS, b * H, D_H).transpose(1, 0, 2)  # [B*H, L, d_h]
    logits = q @ k.transpose(0, 2, 1)
    col_mask = jnp.arange(n_max) < n_max_t
    attn = jax.nn.softmax(jnp.where(col_mask, logits, -jnp.inf), axis=-1)
    ao = attn @ v  # [B*H, L, d_h]
    ao = ao.transpose(1, 0, 2).reshape(L_SEEDS, b, E_DIM)
    ao = ao @ out_w.T + out_b
    qq = query.transpose(1, 0, 2)   # [B, L, E]
    aa = ao.transpose(1, 0, 2)      # [B, L, E]
    embed = layer_norm(qq + aa, ln1_g, ln1_b)
    embed = layer_norm(embed + (embed @ ff_w.T + ff_b), ln2_g, ln2_b)
    return embed

if __name__ == "__main__":
    import jax
    _d = setup_inputs()
    print(jax.jit(kernel)(*tuple(_d.values())))

</pallas_src>

<mosaic_0001>
#map = affine_map<(d0, d1) -> (0)>
#map1 = affine_map<(d0, d1) -> (0, 0)>
module attributes {stable_mosaic.version = 14 : i64} {
  func.func @_deg_body(%arg0: i32, %arg1: i32, %arg2: memref<320000xi32, #tpu.memory_space<hbm>>, %arg3: memref<32x10000xf32, #tpu.memory_space<hbm>>, %arg4: memref<10000xi32, #tpu.memory_space<vmem>>, %arg5: memref<10000xf32, #tpu.memory_space<vmem>>) attributes {dimension_semantics = [#tpu.dimension_semantics<core_parallel>, #tpu.dimension_semantics<subcore_parallel>], iteration_bounds = array<i64: 2, 16>, scalar_prefetch = 0 : i64, scratch_operands = 2 : i64, tpu.core_type = #tpu.core_type<sc_vector_subcore>, window_params = [{transform_indices = #map}, {transform_indices = #map1}]} {
    %mul3A = arith.constant 2 : i32
    %mul3A_0 = arith.muli %arg1, %mul3A : i32
    %add3A = arith.addi %mul3A_0, %arg0 : i32
    %mul3A_1 = arith.constant 10000 : i32
    %mul3A_2 = arith.muli %add3A, %mul3A_1 : i32
    "tpu.region"() ({
      %run_scoped3A = tpu.sem_alloc : memref<!tpu.dma_semaphore, #tpu.memory_space<semaphore_mem>>
      %dma_start3A = tpu.memref_slice %arg2[%mul3A_2] : memref<320000xi32, #tpu.memory_space<hbm>> -> memref<10000xi32, #tpu.memory_space<hbm>>
      %dma_start3A_17 = tpu.memref_slice %arg2[%mul3A_2] : memref<320000xi32, #tpu.memory_space<hbm>> -> memref<10000xi32, #tpu.memory_space<hbm>>
      tpu.enqueue_dma source(%dma_start3A_17 : memref<10000xi32, #tpu.memory_space<hbm>>) target(%arg4 : memref<10000xi32, #tpu.memory_space<vmem>>) target_semaphore(%run_scoped3A : memref<!tpu.dma_semaphore, #tpu.memory_space<semaphore_mem>>)
      %dma_wait3A = tpu.memref_slice %arg2[%mul3A_2] : memref<320000xi32, #tpu.memory_space<hbm>> -> memref<10000xi32, #tpu.memory_space<hbm>>
      %dma_wait3A_18 = tpu.memref_slice %arg2[%mul3A_2] : memref<320000xi32, #tpu.memory_space<hbm>> -> memref<10000xi32, #tpu.memory_space<hbm>>
      tpu.wait_dma2 semaphore(%run_scoped3A : memref<!tpu.dma_semaphore, #tpu.memory_space<semaphore_mem>>) src(%dma_wait3A_18 : memref<10000xi32, #tpu.memory_space<hbm>>) dst(%arg4 : memref<10000xi32, #tpu.memory_space<vmem>>)
      tpu.yield
    }) : () -> ()
    %broadcast_in_dim3A = arith.constant 0.000000e+00 : f32
    %broadcast_in_dim3A_3 = vector.broadcast %broadcast_in_dim3A : f32 to vector<16xf32>
    %broadcast_in_dim3A_4 = arith.constant 1.000000e+00 : f32
    %broadcast_in_dim3A_5 = vector.broadcast %broadcast_in_dim3A_4 : f32 to vector<16xf32>
    %scan3A = arith.constant 0 : i32
    %scan3A_6 = arith.constant 0 : i32
    %scan3A_7 = arith.constant 625 : i32
    %scan3A_8 = arith.addi %scan3A_6, %scan3A_7 : i32
    %scan3A_9 = arith.constant 1 : i32
    scf.for %scan3A_17 = %scan3A_6 to %scan3A_8 step %scan3A_9  : i32 {
      %mul3A_18 = arith.constant 16 : i32
      %mul3A_19 = arith.muli %scan3A_17, %mul3A_18 : i32
      %swap3A = arith.index_cast %mul3A_19 : i32 to index
      %swap3A_20 = tpu.vector_load %arg5[%swap3A] {strides = array<i32>} : memref<10000xf32, #tpu.memory_space<vmem>>, vector<16xf32>,
      tpu.vector_store %arg5[%swap3A], %broadcast_in_dim3A_3 {strides = array<i32>} : memref<10000xf32, #tpu.memory_space<vmem>>, vector<16xf32>,
    }
    %scan3A_10 = arith.constant 625 : i32
    %scan3A_11 = arith.constant 0 : i32
    %scan3A_12 = arith.constant 0 : i32
    %scan3A_13 = arith.constant 625 : i32
    %scan3A_14 = arith.addi %scan3A_12, %scan3A_13 : i32
    %scan3A_15 = arith.constant 1 : i32
    scf.for %scan3A_17 = %scan3A_12 to %scan3A_14 step %scan3A_15  : i32 {
      %mul3A_18 = arith.constant 16 : i32
      %mul3A_19 = arith.muli %scan3A_17, %mul3A_18 : i32
      %get3A = arith.index_cast %mul3A_19 : i32 to index
      %get3A_20 = tpu.vector_load %arg4[%get3A] {strides = array<i32>} : memref<10000xi32, #tpu.memory_space<vmem>>, vector<16xi32>,
      tpu.vector_store_idx %arg5[%get3A_20], %broadcast_in_dim3A_5 {add = true} : memref<10000xf32, #tpu.memory_space<vmem>>[vector<16xi32>], vector<16xf32>,
    }
    %scan3A_16 = arith.constant 625 : i32
    "tpu.region"() ({
      %run_scoped3A = tpu.sem_alloc : memref<!tpu.dma_semaphore, #tpu.memory_space<semaphore_mem>>
      %dma_start3A = arith.constant 0 : i32
      %dma_start3A_17 = tpu.memref_slice %arg3[%add3A, %dma_start3A] : memref<32x10000xf32, #tpu.memory_space<hbm>> -> memref<1x10000xf32, #tpu.memory_space<hbm>>
      %dma_start3A_18 = tpu.memref_squeeze %dma_start3A_17 : memref<1x10000xf32, #tpu.memory_space<hbm>> -> memref<10000xf32, #tpu.memory_space<hbm>>
      %dma_start3A_19 = arith.constant 0 : i32
      %dma_start3A_20 = tpu.memref_slice %arg3[%add3A, %dma_start3A_19] : memref<32x10000xf32, #tpu.memory_space<hbm>> -> memref<1x10000xf32, #tpu.memory_space<hbm>>
      %dma_start3A_21 = tpu.memref_squeeze %dma_start3A_20 : memref<1x10000xf32, #tpu.memory_space<hbm>> -> memref<10000xf32, #tpu.memory_space<hbm>>
      tpu.enqueue_dma source(%arg5 : memref<10000xf32, #tpu.memory_space<vmem>>) target(%dma_start3A_21 : memref<10000xf32, #tpu.memory_space<hbm>>) target_semaphore(%run_scoped3A : memref<!tpu.dma_semaphore, #tpu.memory_space<semaphore_mem>>)
      %dma_wait3A = arith.constant 0 : i32
      %dma_wait3A_22 = tpu.memref_slice %arg3[%add3A, %dma_wait3A] : memref<32x10000xf32, #tpu.memory_space<hbm>> -> memref<1x10000xf32, #tpu.memory_space<hbm>>
      %dma_wait3A_23 = tpu.memref_squeeze %dma_wait3A_22 : memref<1x10000xf32, #tpu.memory_space<hbm>> -> memref<10000xf32, #tpu.memory_space<hbm>>
      %dma_wait3A_24 = arith.constant 0 : i32
      %dma_wait3A_25 = tpu.memref_slice %arg3[%add3A, %dma_wait3A_24] : memref<32x10000xf32, #tpu.memory_space<hbm>> -> memref<1x10000xf32, #tpu.memory_space<hbm>>
      %dma_wait3A_26 = tpu.memref_squeeze %dma_wait3A_25 : memref<1x10000xf32, #tpu.memory_space<hbm>> -> memref<10000xf32, #tpu.memory_space<hbm>>
      tpu.wait_dma2 semaphore(%run_scoped3A : memref<!tpu.dma_semaphore, #tpu.memory_space<semaphore_mem>>) src(%arg5 : memref<10000xf32, #tpu.memory_space<vmem>>) dst(%dma_wait3A_26 : memref<10000xf32, #tpu.memory_space<hbm>>)
      tpu.yield
    }) : () -> ()
    return
  }
}

#map = affine_map<(d0, d1) -> (0)>
#map1 = affine_map<(d0, d1) -> (0, 0)>
#map2 = affine_map<(d0, d1) -> (0, 0, 0)>
module attributes {stable_mosaic.version = 14 : i64} {
  func.func @_agg_body(%arg0: i32, %arg1: i32, %arg2: memref<320000xi32, #tpu.memory_space<hbm>>, %arg3: memref<320000xi32, #tpu.memory_space<hbm>>, %arg4: memref<10000x128xf32, #tpu.memory_space<hbm>>, %arg5: memref<2x10000x128xf32, #tpu.memory_space<hbm>>, %arg6: memref<10000xi32, #tpu.memory_space<vmem>>, %arg7: memref<128xi32, #tpu.memory_space<vmem>>, %arg8: memref<128xi32, #tpu.memory_space<vmem>>, %arg9: memref<16xi32, #tpu.memory_space<vmem>>, %arg10: memref<128x128xf32, #tpu.memory_space<vmem>>, %arg11: memref<128x128xf32, #tpu.memory_space<vmem>>, %arg12: memref<10240x128xf32, #tpu.memory_space<vmem_shared>>, %arg13: memref<!tpu.dma_semaphore, #tpu.memory_space<semaphore_mem>>, %arg14: memref<!tpu.dma_semaphore, #tpu.memory_space<semaphore_mem>>, %arg15: memref<!tpu.dma_semaphore, #tpu.memory_space<semaphore_mem>>, %arg16: memref<!tpu.dma_semaphore, #tpu.memory_space<semaphore_mem>>) attributes {dimension_semantics = [#tpu.dimension_semantics<core_parallel>, #tpu.dimension_semantics<subcore_parallel>], iteration_bounds = array<i64: 2, 16>, scalar_prefetch = 0 : i64, scratch_operands = 11 : i64, tpu.core_type = #tpu.core_type<sc_vector_subcore>, window_params = [{transform_indices = #map}, {transform_indices = #map}, {transform_indices = #map1}, {transform_indices = #map2}]} {
    %mul3A = arith.constant 2 : i32
    %mul3A_0 = arith.muli %arg1, %mul3A : i32
    %add3A = arith.addi %mul3A_0, %arg0 : i32
    %mul3A_1 = arith.constant 10000 : i32
    %mul3A_2 = arith.muli %add3A, %mul3A_1 : i32
    %broadcast_in_dim3A = arith.constant 0.000000e+00 : f32
    %broadcast_in_dim3A_3 = vector.broadcast %broadcast_in_dim3A : f32 to vector<16xf32>
    %scan3A = arith.constant 0 : i32
    %scan3A_4 = arith.constant 0 : i32
    %scan3A_5 = arith.constant 1024 : i32
    %scan3A_6 = arith.addi %scan3A_4, %scan3A_5 : i32
    %scan3A_7 = arith.constant 1 : i32
    scf.for %scan3A_61 = %scan3A_4 to %scan3A_6 step %scan3A_7  : i32 {
      %jit3A = arith.constant 8 : i32
      %div3A = arith.divsi %scan3A_61, %jit3A : i32
      %sign3A = arith.constant 0 : i32
      %sign3A_62 = arith.cmpi sgt, %scan3A_61, %sign3A : i32
      %sign3A_63 = arith.extui %sign3A_62 : i1 to i32
      %sign3A_64 = arith.constant 0 : i32
      %sign3A_65 = arith.cmpi slt, %scan3A_61, %sign3A_64 : i32
      %sign3A_66 = arith.extui %sign3A_65 : i1 to i32
      %sign3A_67 = arith.subi %sign3A_63, %sign3A_66 : i32
      %sign3A_68 = arith.constant 0 : i32
      %sign3A_69 = arith.cmpi sgt, %jit3A, %sign3A_68 : i32
      %sign3A_70 = arith.extui %sign3A_69 : i1 to i32
      %sign3A_71 = arith.constant 0 : i32
      %sign3A_72 = arith.cmpi slt, %jit3A, %sign3A_71 : i32
      %sign3A_73 = arith.extui %sign3A_72 : i1 to i32
      %sign3A_74 = arith.subi %sign3A_70, %sign3A_73 : i32
      %ne3A = arith.cmpi ne, %sign3A_67, %sign3A_74 : i32
      %rem3A = arith.remsi %scan3A_61, %jit3A : i32
      %ne3A_75 = arith.constant 0 : i32
      %ne3A_76 = arith.cmpi ne, %rem3A, %ne3A_75 : i32
      %and3A = arith.andi %ne3A, %ne3A_76 : i1
      %sub3A = arith.constant 1 : i32
      %sub3A_77 = arith.subi %div3A, %sub3A : i32
      %select_n3A = arith.select %and3A, %sub3A_77, %div3A : i32
      %jit3A_78 = arith.constant 8 : i32
      %eq3A_79 = arith.constant 0 : i32
      %eq3A_80 = arith.cmpi eq, %jit3A_78, %eq3A_79 : i32
      %jit3A_81 = arith.constant 1 : i32
      %select_n3A_82 = arith.select %eq3A_80, %jit3A_81, %jit3A_78 : i32
      %rem3A_83 = arith.remsi %scan3A_61, %select_n3A_82 : i32
      %ne3A_84 = arith.constant 0 : i32
      %ne3A_85 = arith.cmpi ne, %rem3A_83, %ne3A_84 : i32
      %lt3A_86 = arith.constant 0 : i32
      %lt3A_87 = arith.cmpi slt, %rem3A_83, %lt3A_86 : i32
      %lt3A_88 = arith.constant 0 : i32
      %lt3A_89 = arith.cmpi slt, %select_n3A_82, %lt3A_88 : i32
      %ne3A_90 = arith.xori %lt3A_87, %lt3A_89 : i1
      %and3A_91 = arith.andi %ne3A_90, %ne3A_85 : i1
      %add3A_92 = arith.addi %rem3A_83, %select_n3A_82 : i32
      %select_n3A_93 = arith.select %and3A_91, %add3A_92, %rem3A_83 : i32
      %mul3A_94 = arith.constant 16 : i32
      %mul3A_95 = arith.muli %select_n3A_93, %mul3A_94 : i32
      %swap3A = arith.index_cast %select_n3A : i32 to index
      %swap3A_96 = arith.index_cast %mul3A_95 : i32 to index
      %swap3A_97 = tpu.vector_load %arg10[%swap3A, %swap3A_96] {strides = array<i32>} : memref<128x128xf32, #tpu.memory_space<vmem>>, vector<1x16xf32>,
      %swap3A_98 = vector.shape_cast %swap3A_97 : vector<1x16xf32> to vector<16xf32>
      %swap3A_99 = vector.shape_cast %broadcast_in_dim3A_3 : vector<16xf32> to vector<1x16xf32>
      tpu.vector_store %arg10[%swap3A, %swap3A_96], %swap3A_99 {strides = array<i32>} : memref<128x128xf32, #tpu.memory_space<vmem>>, vector<1x16xf32>,
    }
    %scan3A_8 = arith.constant 1024 : i32
    %mul3A_9 = arith.constant 640 : i32
    %mul3A_10 = arith.muli %arg1, %mul3A_9 : i32
    %multiple_of3A = tpu.assume_multiple %mul3A_10, 8 : i32
    %add3A_11 = arith.constant 0 : i32
    %add3A_12 = arith.addi %multiple_of3A, %add3A_11 : i32
    "tpu.region"() ({
      %run_scoped3A = tpu.sem_alloc : memref<!tpu.dma_semaphore, #tpu.memory_space<semaphore_mem>>
      %dma_start3A_61 = arith.constant 0 : i32
      %dma_start3A_62 = tpu.memref_slice %arg12[%add3A_12, %dma_start3A_61] : memref<10240x128xf32, #tpu.memory_space<vmem_shared>> -> memref<128x128xf32, #tpu.memory_space<vmem_shared>>
      %dma_start3A_63 = arith.constant 0 : i32
      %dma_start3A_64 = tpu.memref_slice %arg12[%add3A_12, %dma_start3A_63] : memref<10240x128xf32, #tpu.memory_space<vmem_shared>> -> memref<128x128xf32, #tpu.memory_space<vmem_shared>>
      tpu.enqueue_dma source(%arg10 : memref<128x128xf32, #tpu.memory_space<vmem>>) target(%dma_start3A_64 : memref<128x128xf32, #tpu.memory_space<vmem_shared>>) target_semaphore(%run_scoped3A : memref<!tpu.dma_semaphore, #tpu.memory_space<semaphore_mem>>)
      %dma_wait3A_65 = arith.constant 0 : i32
      %dma_wait3A_66 = tpu.memref_slice %arg12[%add3A_12, %dma_wait3A_65] : memref<10240x128xf32, #tpu.memory_space<vmem_shared>> -> memref<128x128xf32, #tpu.memory_space<vmem_shared>>
      %dma_wait3A_67 = arith.constant 0 : i32
      %dma_wait3A_68 = tpu.memref_slice %arg12[%add3A_12, %dma_wait3A_67] : memref<10240x128xf32, #tpu.memory_space<vmem_shared>> -> memref<128x128xf32, #tpu.memory_space<vmem_shared>>
      tpu.wait_dma2 semaphore(%run_scoped3A : memref<!tpu.dma_semaphore, #tpu.memory_space<semaphore_mem>>) src(%arg10 : memref<128x128xf32, #tpu.memory_space<vmem>>) dst(%dma_wait3A_68 : memref<128x128xf32, #tpu.memory_space<vmem_shared>>)
      tpu.yield
    }) : () -> ()
    %add3A_13 = arith.constant 128 : i32
    %add3A_14 = arith.addi %multiple_of3A, %add3A_13 : i32
    "tpu.region"() ({
      %run_scoped3A = tpu.sem_alloc : memref<!tpu.dma_semaphore, #tpu.memory_space<semaphore_mem>>
      %dma_start3A_61 = arith.constant 0 : i32
      %dma_start3A_62 = tpu.memref_slice %arg12[%add3A_14, %dma_start3A_61] : memref<10240x128xf32, #tpu.memory_space<vmem_shared>> -> memref<128x128xf32, #tpu.memory_space<vmem_shared>>
      %dma_start3A_63 = arith.constant 0 : i32
      %dma_start3A_64 = tpu.memref_slice %arg12[%add3A_14, %dma_start3A_63] : memref<10240x128xf32, #tpu.memory_space<vmem_shared>> -> memref<128x128xf32, #tpu.memory_space<vmem_shared>>
      tpu.enqueue_dma source(%arg10 : memref<128x128xf32, #tpu.memory_space<vmem>>) target(%dma_start3A_64 : memref<128x128xf32, #tpu.memory_space<vmem_shared>>) target_semaphore(%run_scoped3A : memref<!tpu.dma_semaphore, #tpu.memory_space<semaphore_mem>>)
      %dma_wait3A_65 = arith.constant 0 : i32
      %dma_wait3A_66 = tpu.memref_slice %arg12[%add3A_14, %dma_wait3A_65] : memref<10240x128xf32, #tpu.memory_space<vmem_shared>> -> memref<128x128xf32, #tpu.memory_space<vmem_shared>>
      %dma_wait3A_67 = arith.constant 0 : i32
      %dma_wait3A_68 = tpu.memref_slice %arg12[%add3A_14, %dma_wait3A_67] : memref<10240x128xf32, #tpu.memory_space<vmem_shared>> -> memref<128x128xf32, #tpu.memory_space<vmem_shared>>
      tpu.wait_dma2 semaphore(%run_scoped3A : memref<!tpu.dma_semaphore, #tpu.memory_space<semaphore_mem>>) src(%arg10 : memref<128x128xf32, #tpu.memory_space<vmem>>) dst(%dma_wait3A_68 : memref<128x128xf32, #tpu.memory_space<vmem_shared>>)
      tpu.yield
    }) : () -> ()
    %add3A_15 = arith.constant 256 : i32
    %add3A_16 = arith.addi %multiple_of3A, %add3A_15 : i32
    "tpu.region"() ({
      %run_scoped3A = tpu.sem_alloc : memref<!tpu.dma_semaphore, #tpu.memory_space<semaphore_mem>>
      %dma_start3A_61 = arith.constant 0 : i32
      %dma_start3A_62 = tpu.memref_slice %arg12[%add3A_16, %dma_start3A_61] : memref<10240x128xf32, #tpu.memory_space<vmem_shared>> -> memref<128x128xf32, #tpu.memory_space<vmem_shared>>
      %dma_start3A_63 = arith.constant 0 : i32
      %dma_start3A_64 = tpu.memref_slice %arg12[%add3A_16, %dma_start3A_63] : memref<10240x128xf32, #tpu.memory_space<vmem_shared>> -> memref<128x128xf32, #tpu.memory_space<vmem_shared>>
      tpu.enqueue_dma source(%arg10 : memref<128x128xf32, #tpu.memory_space<vmem>>) target(%dma_start3A_64 : memref<128x128xf32, #tpu.memory_space<vmem_shared>>) target_semaphore(%run_scoped3A : memref<!tpu.dma_semaphore, #tpu.memory_space<semaphore_mem>>)
      %dma_wait3A_65 = arith.constant 0 : i32
      %dma_wait3A_66 = tpu.memref_slice %arg12[%add3A_16, %dma_wait3A_65] : memref<10240x128xf32, #tpu.memory_space<vmem_shared>> -> memref<128x128xf32, #tpu.memory_space<vmem_shared>>
      %dma_wait3A_67 = arith.constant 0 : i32
      %dma_wait3A_68 = tpu.memref_slice %arg12[%add3A_16, %dma_wait3A_67] : memref<10240x128xf32, #tpu.memory_space<vmem_shared>> -> memref<128x128xf32, #tpu.memory_space<vmem_shared>>
      tpu.wait_dma2 semaphore(%run_scoped3A : memref<!tpu.dma_semaphore, #tpu.memory_space<semaphore_mem>>) src(%arg10 : memref<128x128xf32, #tpu.memory_space<vmem>>) dst(%dma_wait3A_68 : memref<128x128xf32, #tpu.memory_space<vmem_shared>>)
      tpu.yield
    }) : () -> ()
    %add3A_17 = arith.constant 384 : i32
    %add3A_18 = arith.addi %multiple_of3A, %add3A_17 : i32
    "tpu.region"() ({
      %run_scoped3A = tpu.sem_alloc : memref<!tpu.dma_semaphore, #tpu.memory_space<semaphore_mem>>
      %dma_start3A_61 = arith.constant 0 : i32
      %dma_start3A_62 = tpu.memref_slice %arg12[%add3A_18, %dma_start3A_61] : memref<10240x128xf32, #tpu.memory_space<vmem_shared>> -> memref<128x128xf32, #tpu.memory_space<vmem_shared>>
      %dma_start3A_63 = arith.constant 0 : i32
      %dma_start3A_64 = tpu.memref_slice %arg12[%add3A_18, %dma_start3A_63] : memref<10240x128xf32, #tpu.memory_space<vmem_shared>> -> memref<128x128xf32, #tpu.memory_space<vmem_shared>>
      tpu.enqueue_dma source(%arg10 : memref<128x128xf32, #tpu.memory_space<vmem>>) target(%dma_start3A_64 : memref<128x128xf32, #tpu.memory_space<vmem_shared>>) target_semaphore(%run_scoped3A : memref<!tpu.dma_semaphore, #tpu.memory_space<semaphore_mem>>)
      %dma_wait3A_65 = arith.constant 0 : i32
      %dma_wait3A_66 = tpu.memref_slice %arg12[%add3A_18, %dma_wait3A_65] : memref<10240x128xf32, #tpu.memory_space<vmem_shared>> -> memref<128x128xf32, #tpu.memory_space<vmem_shared>>
      %dma_wait3A_67 = arith.constant 0 : i32
      %dma_wait3A_68 = tpu.memref_slice %arg12[%add3A_18, %dma_wait3A_67] : memref<10240x128xf32, #tpu.memory_space<vmem_shared>> -> memref<128x128xf32, #tpu.memory_space<vmem_shared>>
      tpu.wait_dma2 semaphore(%run_scoped3A : memref<!tpu.dma_semaphore, #tpu.memory_space<semaphore_mem>>) src(%arg10 : memref<128x128xf32, #tpu.memory_space<vmem>>) dst(%dma_wait3A_68 : memref<128x128xf32, #tpu.memory_space<vmem_shared>>)
      tpu.yield
    }) : () -> ()
    %add3A_19 = arith.constant 512 : i32
    %add3A_20 = arith.addi %multiple_of3A, %add3A_19 : i32
    "tpu.region"() ({
      %run_scoped3A = tpu.sem_alloc : memref<!tpu.dma_semaphore, #tpu.memory_space<semaphore_mem>>
      %dma_start3A_61 = arith.constant 0 : i32
      %dma_start3A_62 = tpu.memref_slice %arg12[%add3A_20, %dma_start3A_61] : memref<10240x128xf32, #tpu.memory_space<vmem_shared>> -> memref<128x128xf32, #tpu.memory_space<vmem_shared>>
      %dma_start3A_63 = arith.constant 0 : i32
      %dma_start3A_64 = tpu.memref_slice %arg12[%add3A_20, %dma_start3A_63] : memref<10240x128xf32, #tpu.memory_space<vmem_shared>> -> memref<128x128xf32, #tpu.memory_space<vmem_shared>>
      tpu.enqueue_dma source(%arg10 : memref<128x128xf32, #tpu.memory_space<vmem>>) target(%dma_start3A_64 : memref<128x128xf32, #tpu.memory_space<vmem_shared>>) target_semaphore(%run_scoped3A : memref<!tpu.dma_semaphore, #tpu.memory_space<semaphore_mem>>)
      %dma_wait3A_65 = arith.constant 0 : i32
      %dma_wait3A_66 = tpu.memref_slice %arg12[%add3A_20, %dma_wait3A_65] : memref<10240x128xf32, #tpu.memory_space<vmem_shared>> -> memref<128x128xf32, #tpu.memory_space<vmem_shared>>
      %dma_wait3A_67 = arith.constant 0 : i32
      %dma_wait3A_68 = tpu.memref_slice %arg12[%add3A_20, %dma_wait3A_67] : memref<10240x128xf32, #tpu.memory_space<vmem_shared>> -> memref<128x128xf32, #tpu.memory_space<vmem_shared>>
      tpu.wait_dma2 semaphore(%run_scoped3A : memref<!tpu.dma_semaphore, #tpu.memory_space<semaphore_mem>>) src(%arg10 : memref<128x128xf32, #tpu.memory_space<vmem>>) dst(%dma_wait3A_68 : memref<128x128xf32, #tpu.memory_space<vmem_shared>>)
      tpu.yield
    }) : () -> ()
    %barrier3A = arith.constant 0 : index
    tpu.barrier barrier_id(%barrier3A)
    "tpu.region"() ({
      %run_scoped3A = tpu.sem_alloc : memref<!tpu.dma_semaphore, #tpu.memory_space<semaphore_mem>>
      %dma_start3A_61 = tpu.memref_slice %arg2[%mul3A_2] : memref<320000xi32, #tpu.memory_space<hbm>> -> memref<10000xi32, #tpu.memory_space<hbm>>
      %dma_start3A_62 = tpu.memref_slice %arg2[%mul3A_2] : memref<320000xi32, #tpu.memory_space<hbm>> -> memref<10000xi32, #tpu.memory_space<hbm>>
      tpu.enqueue_dma source(%dma_start3A_62 : memref<10000xi32, #tpu.memory_space<hbm>>) target(%arg6 : memref<10000xi32, #tpu.memory_space<vmem>>) target_semaphore(%run_scoped3A : memref<!tpu.dma_semaphore, #tpu.memory_space<semaphore_mem>>)
      %dma_wait3A_63 = tpu.memref_slice %arg2[%mul3A_2] : memref<320000xi32, #tpu.memory_space<hbm>> -> memref<10000xi32, #tpu.memory_space<hbm>>
      %dma_wait3A_64 = tpu.memref_slice %arg2[%mul3A_2] : memref<320000xi32, #tpu.memory_space<hbm>> -> memref<10000xi32, #tpu.memory_space<hbm>>
      tpu.wait_dma2 semaphore(%run_scoped3A : memref<!tpu.dma_semaphore, #tpu.memory_space<semaphore_mem>>) src(%dma_wait3A_64 : memref<10000xi32, #tpu.memory_space<hbm>>) dst(%arg6 : memref<10000xi32, #tpu.memory_space<vmem>>)
      tpu.yield
    }) : () -> ()
    %multiple_of3A_21 = arith.constant 0 : i32
    %multiple_of3A_22 = tpu.assume_multiple %multiple_of3A_21, 8 : i32
    %add3A_23 = arith.addi %mul3A_2, %multiple_of3A_22 : i32
    %dma_start3A = tpu.memref_slice %arg3[%add3A_23] : memref<320000xi32, #tpu.memory_space<hbm>> -> memref<128xi32, #tpu.memory_space<hbm>>
    %dma_start3A_24 = tpu.memref_slice %arg3[%add3A_23] : memref<320000xi32, #tpu.memory_space<hbm>> -> memref<128xi32, #tpu.memory_space<hbm>>
    tpu.enqueue_dma source(%dma_start3A_24 : memref<128xi32, #tpu.memory_space<hbm>>) target(%arg7 : memref<128xi32, #tpu.memory_space<vmem>>) target_semaphore(%arg15 : memref<!tpu.dma_semaphore, #tpu.memory_space<semaphore_mem>>)
    %dma_start3A_25 = tpu.memref_slice %arg6[%multiple_of3A_22] : memref<10000xi32, #tpu.memory_space<vmem>> -> memref<128xi32, #tpu.memory_space<vmem>>
    %dma_start3A_26 = arith.constant 0 : i32
    %dma_start3A_27 = arith.constant 0 : i32
    %dma_start3A_28 = tpu.memref_slice %arg4[%dma_start3A_26, %dma_start3A_27] : memref<10000x128xf32, #tpu.memory_space<hbm>> -> memref<10000x128xf32, #tpu.memory_space<hbm>>
    tpu.enqueue_indirect_dma source(%dma_start3A_28 : memref<10000x128xf32, #tpu.memory_space<hbm>>) target(%arg10 : memref<128x128xf32, #tpu.memory_space<vmem>>) offsets(%dma_start3A_25 : memref<128xi32, #tpu.memory_space<vmem>>) semaphore(%arg13 : memref<!tpu.dma_semaphore, #tpu.memory_space<semaphore_mem>>)
    %scan3A_29 = arith.constant 0 : i32
    %scan3A_30 = arith.constant 0 : i32
    %scan3A_31 = arith.constant 78 : i32
    %scan3A_32 = arith.addi %scan3A_30, %scan3A_31 : i32
    %scan3A_33 = arith.constant 1 : i32
    scf.for %scan3A_61 = %scan3A_30 to %scan3A_32 step %scan3A_33  : i32 {
      %jit3A = arith.constant 2 : i32
      %eq3A_62 = arith.constant 0 : i32
      %eq3A_63 = arith.cmpi eq, %jit3A, %eq3A_62 : i32
      %jit3A_64 = arith.constant 1 : i32
      %select_n3A = arith.select %eq3A_63, %jit3A_64, %jit3A : i32
      %rem3A = arith.remsi %scan3A_61, %select_n3A : i32
      %ne3A = arith.constant 0 : i32
      %ne3A_65 = arith.cmpi ne, %rem3A, %ne3A : i32
      %lt3A_66 = arith.constant 0 : i32
      %lt3A_67 = arith.cmpi slt, %rem3A, %lt3A_66 : i32
      %lt3A_68 = arith.constant 0 : i32
      %lt3A_69 = arith.cmpi slt, %select_n3A, %lt3A_68 : i32
      %ne3A_70 = arith.xori %lt3A_67, %lt3A_69 : i1
      %and3A = arith.andi %ne3A_70, %ne3A_65 : i1
      %add3A_71 = arith.addi %rem3A, %select_n3A : i32
      %select_n3A_72 = arith.select %and3A, %add3A_71, %rem3A : i32
      %eq3A_73 = arith.constant 0 : i32
      %eq3A_74 = arith.cmpi eq, %select_n3A_72, %eq3A_73 : i32
      %convert_element_type3A_75 = arith.extui %eq3A_74 : i1 to i32
      %cond3A_76 = arith.constant 0 : i32
      %cond3A_77 = arith.cmpi ne, %convert_element_type3A_75, %cond3A_76 : i32
      scf.if %cond3A_77 {
        %add3A_99 = arith.constant 1 : i32
        %add3A_100 = arith.addi %scan3A_61, %add3A_99 : i32
        %lt3A_101 = arith.constant 78 : i32
        %lt3A_102 = arith.cmpi slt, %add3A_100, %lt3A_101 : i32
        %convert_element_type3A_103 = arith.extui %lt3A_102 : i1 to i32
        %cond3A_104 = arith.constant 0 : i32
        %cond3A_105 = arith.cmpi ne, %convert_element_type3A_103, %cond3A_104 : i32
        scf.if %cond3A_105 {
          %add3A_116 = arith.constant 1 : i32
          %add3A_117 = arith.addi %scan3A_61, %add3A_116 : i32
          %mul3A_118 = arith.constant 128 : i32
          %mul3A_119 = arith.muli %add3A_117, %mul3A_118 : i32
          %multiple_of3A_120 = tpu.assume_multiple %mul3A_119, 8 : i32
          %add3A_121 = arith.addi %mul3A_2, %multiple_of3A_120 : i32
          %dma_start3A_122 = tpu.memref_slice %arg3[%add3A_121] : memref<320000xi32, #tpu.memory_space<hbm>> -> memref<128xi32, #tpu.memory_space<hbm>>
          %dma_start3A_123 = tpu.memref_slice %arg3[%add3A_121] : memref<320000xi32, #tpu.memory_space<hbm>> -> memref<128xi32, #tpu.memory_space<hbm>>
          tpu.enqueue_dma source(%dma_start3A_123 : memref<128xi32, #tpu.memory_space<hbm>>) target(%arg8 : memref<128xi32, #tpu.memory_space<vmem>>) target_semaphore(%arg16 : memref<!tpu.dma_semaphore, #tpu.memory_space<semaphore_mem>>)
          %dma_start3A_124 = tpu.memref_slice %arg6[%multiple_of3A_120] : memref<10000xi32, #tpu.memory_space<vmem>> -> memref<128xi32, #tpu.memory_space<vmem>>
          %dma_start3A_125 = arith.constant 0 : i32
          %dma_start3A_126 = arith.constant 0 : i32
          %dma_start3A_127 = tpu.memref_slice %arg4[%dma_start3A_125, %dma_start3A_126] : memref<10000x128xf32, #tpu.memory_space<hbm>> -> memref<10000x128xf32, #tpu.memory_space<hbm>>
          tpu.enqueue_indirect_dma source(%dma_start3A_127 : memref<10000x128xf32, #tpu.memory_space<hbm>>) target(%arg11 : memref<128x128xf32, #tpu.memory_space<vmem>>) offsets(%dma_start3A_124 : memref<128xi32, #tpu.memory_space<vmem>>) semaphore(%arg14 : memref<!tpu.dma_semaphore, #tpu.memory_space<semaphore_mem>>)
        } else {
        }
        %mul3A_106 = arith.constant 128 : i32
        %mul3A_107 = arith.muli %scan3A_61, %mul3A_106 : i32
        %multiple_of3A_108 = tpu.assume_multiple %mul3A_107, 8 : i32
        %add3A_109 = arith.addi %mul3A_2, %multiple_of3A_108 : i32
        %dma_wait3A_110 = tpu.memref_slice %arg3[%add3A_109] : memref<320000xi32, #tpu.memory_space<hbm>> -> memref<128xi32, #tpu.memory_space<hbm>>
        %dma_wait3A_111 = tpu.memref_slice %arg3[%add3A_109] : memref<320000xi32, #tpu.memory_space<hbm>> -> memref<128xi32, #tpu.memory_space<hbm>>
        tpu.wait_dma2 semaphore(%arg15 : memref<!tpu.dma_semaphore, #tpu.memory_space<semaphore_mem>>) src(%dma_wait3A_111 : memref<128xi32, #tpu.memory_space<hbm>>) dst(%arg7 : memref<128xi32, #tpu.memory_space<vmem>>)
        %dma_wait3A_112 = tpu.memref_slice %arg6[%multiple_of3A_108] : memref<10000xi32, #tpu.memory_space<vmem>> -> memref<128xi32, #tpu.memory_space<vmem>>
        %dma_wait3A_113 = arith.constant 0 : i32
        %dma_wait3A_114 = arith.constant 0 : i32
        %dma_wait3A_115 = tpu.memref_slice %arg4[%dma_wait3A_113, %dma_wait3A_114] : memref<10000x128xf32, #tpu.memory_space<hbm>> -> memref<10000x128xf32, #tpu.memory_space<hbm>>
        tpu.wait_indirect_dma semaphore(%arg13 : memref<!tpu.dma_semaphore, #tpu.memory_space<semaphore_mem>>) src(%dma_wait3A_115 : memref<10000x128xf32, #tpu.memory_space<hbm>>) dst(%arg10 : memref<128x128xf32, #tpu.memory_space<vmem>>)
        "tpu.region"() ({
          %run_scoped3A = tpu.sem_alloc : memref<!tpu.dma_semaphore, #tpu.memory_space<semaphore_mem>>
          %dma_start3A_116 = arith.constant 0 : i32
          %dma_start3A_117 = arith.constant 0 : i32
          %dma_start3A_118 = tpu.memref_slice %arg12[%dma_start3A_116, %dma_start3A_117] : memref<10240x128xf32, #tpu.memory_space<vmem_shared>> -> memref<10240x128xf32, #tpu.memory_space<vmem_shared>>
          tpu.enqueue_indirect_dma source(%arg10 : memref<128x128xf32, #tpu.memory_space<vmem>>) target(%dma_start3A_118 : memref<10240x128xf32, #tpu.memory_space<vmem_shared>>) offsets(%arg7 : memref<128xi32, #tpu.memory_space<vmem>>) semaphore(%run_scoped3A : memref<!tpu.dma_semaphore, #tpu.memory_space<semaphore_mem>>) {add = true}
          %dma_wait3A_119 = arith.constant 0 : i32
          %dma_wait3A_120 = arith.constant 0 : i32
          %dma_wait3A_121 = tpu.memref_slice %arg12[%dma_wait3A_119, %dma_wait3A_120] : memref<10240x128xf32, #tpu.memory_space<vmem_shared>> -> memref<10240x128xf32, #tpu.memory_space<vmem_shared>>
          tpu.wait_indirect_dma semaphore(%run_scoped3A : memref<!tpu.dma_semaphore, #tpu.memory_space<semaphore_mem>>) src(%arg10 : memref<128x128xf32, #tpu.memory_space<vmem>>) dst(%dma_wait3A_121 : memref<10240x128xf32, #tpu.memory_space<vmem_shared>>)
          tpu.yield
        }) : () -> ()
      } else {
      }
      %jit3A_78 = arith.constant 2 : i32
      %eq3A_79 = arith.constant 0 : i32
      %eq3A_80 = arith.cmpi eq, %jit3A_78, %eq3A_79 : i32
      %jit3A_81 = arith.constant 1 : i32
      %select_n3A_82 = arith.select %eq3A_80, %jit3A_81, %jit3A_78 : i32
      %rem3A_83 = arith.remsi %scan3A_61, %select_n3A_82 : i32
      %ne3A_84 = arith.constant 0 : i32
      %ne3A_85 = arith.cmpi ne, %rem3A_83, %ne3A_84 : i32
      %lt3A_86 = arith.constant 0 : i32
      %lt3A_87 = arith.cmpi slt, %rem3A_83, %lt3A_86 : i32
      %lt3A_88 = arith.constant 0 : i32
      %lt3A_89 = arith.cmpi slt, %select_n3A_82, %lt3A_88 : i32
      %ne3A_90 = arith.xori %lt3A_87, %lt3A_89 : i1
      %and3A_91 = arith.andi %ne3A_90, %ne3A_85 : i1
      %add3A_92 = arith.addi %rem3A_83, %select_n3A_82 : i32
      %select_n3A_93 = arith.select %and3A_91, %add3A_92, %rem3A_83 : i32
      %eq3A_94 = arith.constant 1 : i32
      %eq3A_95 = arith.cmpi eq, %select_n3A_93, %eq3A_94 : i32
      %convert_element_type3A_96 = arith.extui %eq3A_95 : i1 to i32
      %cond3A_97 = arith.constant 0 : i32
      %cond3A_98 = arith.cmpi ne, %convert_element_type3A_96, %cond3A_97 : i32
      scf.if %cond3A_98 {
        %add3A_99 = arith.constant 1 : i32
        %add3A_100 = arith.addi %scan3A_61, %add3A_99 : i32
        %lt3A_101 = arith.constant 78 : i32
        %lt3A_102 = arith.cmpi slt, %add3A_100, %lt3A_101 : i32
        %convert_element_type3A_103 = arith.extui %lt3A_102 : i1 to i32
        %cond3A_104 = arith.constant 0 : i32
        %cond3A_105 = arith.cmpi ne, %convert_element_type3A_103, %cond3A_104 : i32
        scf.if %cond3A_105 {
          %add3A_116 = arith.constant 1 : i32
          %add3A_117 = arith.addi %scan3A_61, %add3A_116 : i32
          %mul3A_118 = arith.constant 128 : i32
          %mul3A_119 = arith.muli %add3A_117, %mul3A_118 : i32
          %multiple_of3A_120 = tpu.assume_multiple %mul3A_119, 8 : i32
          %add3A_121 = arith.addi %mul3A_2, %multiple_of3A_120 : i32
          %dma_start3A_122 = tpu.memref_slice %arg3[%add3A_121] : memref<320000xi32, #tpu.memory_space<hbm>> -> memref<128xi32, #tpu.memory_space<hbm>>
          %dma_start3A_123 = tpu.memref_slice %arg3[%add3A_121] : memref<320000xi32, #tpu.memory_space<hbm>> -> memref<128xi32, #tpu.memory_space<hbm>>
          tpu.enqueue_dma source(%dma_start3A_123 : memref<128xi32, #tpu.memory_space<hbm>>) target(%arg7 : memref<128xi32, #tpu.memory_space<vmem>>) target_semaphore(%arg15 : memref<!tpu.dma_semaphore, #tpu.memory_space<semaphore_mem>>)
          %dma_start3A_124 = tpu.memref_slice %arg6[%multiple_of3A_120] : memref<10000xi32, #tpu.memory_space<vmem>> -> memref<128xi32, #tpu.memory_space<vmem>>
          %dma_start3A_125 = arith.constant 0 : i32
          %dma_start3A_126 = arith.constant 0 : i32
          %dma_start3A_127 = tpu.memref_slice %arg4[%dma_start3A_125, %dma_start3A_126] : memref<10000x128xf32, #tpu.memory_space<hbm>> -> memref<10000x128xf32, #tpu.memory_space<hbm>>
          tpu.enqueue_indirect_dma source(%dma_start3A_127 : memref<10000x128xf32, #tpu.memory_space<hbm>>) target(%arg10 : memref<128x128xf32, #tpu.memory_space<vmem>>) offsets(%dma_start3A_124 : memref<128xi32, #tpu.memory_space<vmem>>) semaphore(%arg13 : memref<!tpu.dma_semaphore, #tpu.memory_space<semaphore_mem>>)
        } else {
        }
        %mul3A_106 = arith.constant 128 : i32
        %mul3A_107 = arith.muli %scan3A_61, %mul3A_106 : i32
        %multiple_of3A_108 = tpu.assume_multiple %mul3A_107, 8 : i32
        %add3A_109 = arith.addi %mul3A_2, %multiple_of3A_108 : i32
        %dma_wait3A_110 = tpu.memref_slice %arg3[%add3A_109] : memref<320000xi32, #tpu.memory_space<hbm>> -> memref<128xi32, #tpu.memory_space<hbm>>
        %dma_wait3A_111 = tpu.memref_slice %arg3[%add3A_109] : memref<320000xi32, #tpu.memory_space<hbm>> -> memref<128xi32, #tpu.memory_space<hbm>>
        tpu.wait_dma2 semaphore(%arg16 : memref<!tpu.dma_semaphore, #tpu.memory_space<semaphore_mem>>) src(%dma_wait3A_111 : memref<128xi32, #tpu.memory_space<hbm>>) dst(%arg8 : memref<128xi32, #tpu.memory_space<vmem>>)
        %dma_wait3A_112 = tpu.memref_slice %arg6[%multiple_of3A_108] : memref<10000xi32, #tpu.memory_space<vmem>> -> memref<128xi32, #tpu.memory_space<vmem>>
        %dma_wait3A_113 = arith.constant 0 : i32
        %dma_wait3A_114 = arith.constant 0 : i32
        %dma_wait3A_115 = tpu.memref_slice %arg4[%dma_wait3A_113, %dma_wait3A_114] : memref<10000x128xf32, #tpu.memory_space<hbm>> -> memref<10000x128xf32, #tpu.memory_space<hbm>>
        tpu.wait_indirect_dma semaphore(%arg14 : memref<!tpu.dma_semaphore, #tpu.memory_space<semaphore_mem>>) src(%dma_wait3A_115 : memref<10000x128xf32, #tpu.memory_space<hbm>>) dst(%arg11 : memref<128x128xf32, #tpu.memory_space<vmem>>)
        "tpu.region"() ({
          %run_scoped3A = tpu.sem_alloc : memref<!tpu.dma_semaphore, #tpu.memory_space<semaphore_mem>>
          %dma_start3A_116 = arith.constant 0 : i32
          %dma_start3A_117 = arith.constant 0 : i32
          %dma_start3A_118 = tpu.memref_slice %arg12[%dma_start3A_116, %dma_start3A_117] : memref<10240x128xf32, #tpu.memory_space<vmem_shared>> -> memref<10240x128xf32, #tpu.memory_space<vmem_shared>>
          tpu.enqueue_indirect_dma source(%arg11 : memref<128x128xf32, #tpu.memory_space<vmem>>) target(%dma_start3A_118 : memref<10240x128xf32, #tpu.memory_space<vmem_shared>>) offsets(%arg8 : memref<128xi32, #tpu.memory_space<vmem>>) semaphore(%run_scoped3A : memref<!tpu.dma_semaphore, #tpu.memory_space<semaphore_mem>>) {add = true}
          %dma_wait3A_119 = arith.constant 0 : i32
          %dma_wait3A_120 = arith.constant 0 : i32
          %dma_wait3A_121 = tpu.memref_slice %arg12[%dma_wait3A_119, %dma_wait3A_120] : memref<10240x128xf32, #tpu.memory_space<vmem_shared>> -> memref<10240x128xf32, #tpu.memory_space<vmem_shared>>
          tpu.wait_indirect_dma semaphore(%run_scoped3A : memref<!tpu.dma_semaphore, #tpu.memory_space<semaphore_mem>>) src(%arg11 : memref<128x128xf32, #tpu.memory_space<vmem>>) dst(%dma_wait3A_121 : memref<10240x128xf32, #tpu.memory_space<vmem_shared>>)
          tpu.yield
        }) : () -> ()
      } else {
      }
    }
    %scan3A_34 = arith.constant 78 : i32
    %multiple_of3A_35 = arith.constant 9984 : i32
    %multiple_of3A_36 = tpu.assume_multiple %multiple_of3A_35, 8 : i32
    %add3A_37 = arith.addi %mul3A_2, %multiple_of3A_36 : i32
    "tpu.region"() ({
      %run_scoped3A = tpu.sem_alloc : memref<!tpu.dma_semaphore, #tpu.memory_space<semaphore_mem>>
      %dma_start3A_61 = tpu.memref_slice %arg3[%add3A_37] : memref<320000xi32, #tpu.memory_space<hbm>> -> memref<16xi32, #tpu.memory_space<hbm>>
      %dma_start3A_62 = tpu.memref_slice %arg3[%add3A_37] : memref<320000xi32, #tpu.memory_space<hbm>> -> memref<16xi32, #tpu.memory_space<hbm>>
      tpu.enqueue_dma source(%dma_start3A_62 : memref<16xi32, #tpu.memory_space<hbm>>) target(%arg9 : memref<16xi32, #tpu.memory_space<vmem>>) target_semaphore(%run_scoped3A : memref<!tpu.dma_semaphore, #tpu.memory_space<semaphore_mem>>)
      %dma_wait3A_63 = tpu.memref_slice %arg3[%add3A_37] : memref<320000xi32, #tpu.memory_space<hbm>> -> memref<16xi32, #tpu.memory_space<hbm>>
      %dma_wait3A_64 = tpu.memref_slice %arg3[%add3A_37] : memref<320000xi32, #tpu.memory_space<hbm>> -> memref<16xi32, #tpu.memory_space<hbm>>
      tpu.wait_dma2 semaphore(%run_scoped3A : memref<!tpu.dma_semaphore, #tpu.memory_space<semaphore_mem>>) src(%dma_wait3A_64 : memref<16xi32, #tpu.memory_space<hbm>>) dst(%arg9 : memref<16xi32, #tpu.memory_space<vmem>>)
      tpu.yield
    }) : () -> ()
    %dma_start3A_38 = arith.constant 0 : i32
    %dma_start3A_39 = arith.constant 0 : i32
    %dma_start3A_40 = tpu.memref_slice %arg10[%dma_start3A_38, %dma_start3A_39] : memref<128x128xf32, #tpu.memory_space<vmem>> -> memref<16x128xf32, #tpu.memory_space<vmem>>
    %dma_start3A_41 = tpu.memref_slice %arg6[%multiple_of3A_36] : memref<10000xi32, #tpu.memory_space<vmem>> -> memref<16xi32, #tpu.memory_space<vmem>>
    %dma_start3A_42 = arith.constant 0 : i32
    %dma_start3A_43 = arith.constant 0 : i32
    %dma_start3A_44 = tpu.memref_slice %arg4[%dma_start3A_42, %dma_start3A_43] : memref<10000x128xf32, #tpu.memory_space<hbm>> -> memref<10000x128xf32, #tpu.memory_space<hbm>>
    tpu.enqueue_indirect_dma source(%dma_start3A_44 : memref<10000x128xf32, #tpu.memory_space<hbm>>) target(%dma_start3A_40 : memref<16x128xf32, #tpu.memory_space<vmem>>) offsets(%dma_start3A_41 : memref<16xi32, #tpu.memory_space<vmem>>) semaphore(%arg13 : memref<!tpu.dma_semaphore, #tpu.memory_space<semaphore_mem>>)
    %dma_wait3A = arith.constant 0 : i32
    %dma_wait3A_45 = arith.constant 0 : i32
    %dma_wait3A_46 = tpu.memref_slice %arg10[%dma_wait3A, %dma_wait3A_45] : memref<128x128xf32, #tpu.memory_space<vmem>> -> memref<16x128xf32, #tpu.memory_space<vmem>>
    %dma_wait3A_47 = tpu.memref_slice %arg6[%multiple_of3A_36] : memref<10000xi32, #tpu.memory_space<vmem>> -> memref<16xi32, #tpu.memory_space<vmem>>
    %dma_wait3A_48 = arith.constant 0 : i32
    %dma_wait3A_49 = arith.constant 0 : i32
    %dma_wait3A_50 = tpu.memref_slice %arg4[%dma_wait3A_48, %dma_wait3A_49] : memref<10000x128xf32, #tpu.memory_space<hbm>> -> memref<10000x128xf32, #tpu.memory_space<hbm>>
    tpu.wait_indirect_dma semaphore(%arg13 : memref<!tpu.dma_semaphore, #tpu.memory_space<semaphore_mem>>) src(%dma_wait3A_50 : memref<10000x128xf32, #tpu.memory_space<hbm>>) dst(%dma_wait3A_46 : memref<16x128xf32, #tpu.memory_space<vmem>>)
    "tpu.region"() ({
      %run_scoped3A = tpu.sem_alloc : memref<!tpu.dma_semaphore, #tpu.memory_space<semaphore_mem>>
      %dma_start3A_61 = arith.constant 0 : i32
      %dma_start3A_62 = arith.constant 0 : i32
      %dma_start3A_63 = tpu.memref_slice %arg10[%dma_start3A_61, %dma_start3A_62] : memref<128x128xf32, #tpu.memory_space<vmem>> -> memref<16x128xf32, #tpu.memory_space<vmem>>
      %dma_start3A_64 = arith.constant 0 : i32
      %dma_start3A_65 = arith.constant 0 : i32
      %dma_start3A_66 = tpu.memref_slice %arg12[%dma_start3A_64, %dma_start3A_65] : memref<10240x128xf32, #tpu.memory_space<vmem_shared>> -> memref<10240x128xf32, #tpu.memory_space<vmem_shared>>
      tpu.enqueue_indirect_dma source(%dma_start3A_63 : memref<16x128xf32, #tpu.memory_space<vmem>>) target(%dma_start3A_66 : memref<10240x128xf32, #tpu.memory_space<vmem_shared>>) offsets(%arg9 : memref<16xi32, #tpu.memory_space<vmem>>) semaphore(%run_scoped3A : memref<!tpu.dma_semaphore, #tpu.memory_space<semaphore_mem>>) {add = true}
      %dma_wait3A_67 = arith.constant 0 : i32
      %dma_wait3A_68 = arith.constant 0 : i32
      %dma_wait3A_69 = tpu.memref_slice %arg10[%dma_wait3A_67, %dma_wait3A_68] : memref<128x128xf32, #tpu.memory_space<vmem>> -> memref<16x128xf32, #tpu.memory_space<vmem>>
      %dma_wait3A_70 = arith.constant 0 : i32
      %dma_wait3A_71 = arith.constant 0 : i32
      %dma_wait3A_72 = tpu.memref_slice %arg12[%dma_wait3A_70, %dma_wait3A_71] : memref<10240x128xf32, #tpu.memory_space<vmem_shared>> -> memref<10240x128xf32, #tpu.memory_space<vmem_shared>>
      tpu.wait_indirect_dma semaphore(%run_scoped3A : memref<!tpu.dma_semaphore, #tpu.memory_space<semaphore_mem>>) src(%dma_wait3A_69 : memref<16x128xf32, #tpu.memory_space<vmem>>) dst(%dma_wait3A_72 : memref<10240x128xf32, #tpu.memory_space<vmem_shared>>)
      tpu.yield
    }) : () -> ()
    %barrier3A_51 = arith.constant 0 : index
    tpu.barrier barrier_id(%barrier3A_51)
    %mul3A_52 = arith.constant 624 : i32
    %mul3A_53 = arith.muli %arg1, %mul3A_52 : i32
    %multiple_of3A_54 = tpu.assume_multiple %mul3A_53, 8 : i32
    %lt3A = arith.constant 15 : i32
    %lt3A_55 = arith.cmpi slt, %arg1, %lt3A : i32
    %convert_element_type3A = arith.extui %lt3A_55 : i1 to i32
    %cond3A = arith.constant 0 : i32
    %cond3A_56 = arith.cmpi ne, %convert_element_type3A, %cond3A : i32
    scf.if %cond3A_56 {
      "tpu.region"() ({
        %run_scoped3A = tpu.sem_alloc : memref<!tpu.dma_semaphore, #tpu.memory_space<semaphore_mem>>
        %dma_start3A_61 = arith.constant 0 : i32
        %dma_start3A_62 = tpu.memref_slice %arg5[%arg0, %multiple_of3A_54, %dma_start3A_61] : memref<2x10000x128xf32, #tpu.memory_space<hbm>> -> memref<1x624x128xf32, #tpu.memory_space<hbm>>
        %dma_start3A_63 = tpu.memref_squeeze %dma_start3A_62 : memref<1x624x128xf32, #tpu.memory_space<hbm>> -> memref<624x128xf32, #tpu.memory_space<hbm>>
        %dma_start3A_64 = arith.constant 0 : i32
        %dma_start3A_65 = tpu.memref_slice %arg12[%multiple_of3A_54, %dma_start3A_64] : memref<10240x128xf32, #tpu.memory_space<vmem_shared>> -> memref<624x128xf32, #tpu.memory_space<vmem_shared>>
        tpu.enqueue_dma source(%dma_start3A_65 : memref<624x128xf32, #tpu.memory_space<vmem_shared>>) target(%dma_start3A_63 : memref<624x128xf32, #tpu.memory_space<hbm>>) target_semaphore(%run_scoped3A : memref<!tpu.dma_semaphore, #tpu.memory_space<semaphore_mem>>)
        %dma_wait3A_66 = arith.constant 0 : i32
        %dma_wait3A_67 = tpu.memref_slice %arg5[%arg0, %multiple_of3A_54, %dma_wait3A_66] : memref<2x10000x128xf32, #tpu.memory_space<hbm>> -> memref<1x624x128xf32, #tpu.memory_space<hbm>>
        %dma_wait3A_68 = tpu.memref_squeeze %dma_wait3A_67 : memref<1x624x128xf32, #tpu.memory_space<hbm>> -> memref<624x128xf32, #tpu.memory_space<hbm>>
        %dma_wait3A_69 = arith.constant 0 : i32
        %dma_wait3A_70 = tpu.memref_slice %arg12[%multiple_of3A_54, %dma_wait3A_69] : memref<10240x128xf32, #tpu.memory_space<vmem_shared>> -> memref<624x128xf32, #tpu.memory_space<vmem_shared>>
        tpu.wait_dma2 semaphore(%run_scoped3A : memref<!tpu.dma_semaphore, #tpu.memory_space<semaphore_mem>>) src(%dma_wait3A_70 : memref<624x128xf32, #tpu.memory_space<vmem_shared>>) dst(%dma_wait3A_68 : memref<624x128xf32, #tpu.memory_space<hbm>>)
        tpu.yield
      }) : () -> ()
    } else {
    }
    %eq3A = arith.constant 15 : i32
    %eq3A_57 = arith.cmpi eq, %arg1, %eq3A : i32
    %convert_element_type3A_58 = arith.extui %eq3A_57 : i1 to i32
    %cond3A_59 = arith.constant 0 : i32
    %cond3A_60 = arith.cmpi ne, %convert_element_type3A_58, %cond3A_59 : i32
    scf.if %cond3A_60 {
      "tpu.region"() ({
        %run_scoped3A = tpu.sem_alloc : memref<!tpu.dma_semaphore, #tpu.memory_space<semaphore_mem>>
        %dma_start3A_61 = arith.constant 9360 : i32
        %dma_start3A_62 = arith.constant 0 : i32
        %dma_start3A_63 = tpu.memref_slice %arg5[%arg0, %dma_start3A_61, %dma_start3A_62] : memref<2x10000x128xf32, #tpu.memory_space<hbm>> -> memref<1x640x128xf32, #tpu.memory_space<hbm>>
        %dma_start3A_64 = tpu.memref_squeeze %dma_start3A_63 : memref<1x640x128xf32, #tpu.memory_space<hbm>> -> memref<640x128xf32, #tpu.memory_space<hbm>>
        %dma_start3A_65 = arith.constant 9360 : i32
        %dma_start3A_66 = arith.constant 0 : i32
        %dma_start3A_67 = tpu.memref_slice %arg12[%dma_start3A_65, %dma_start3A_66] : memref<10240x128xf32, #tpu.memory_space<vmem_shared>> -> memref<640x128xf32, #tpu.memory_space<vmem_shared>>
        tpu.enqueue_dma source(%dma_start3A_67 : memref<640x128xf32, #tpu.memory_space<vmem_shared>>) target(%dma_start3A_64 : memref<640x128xf32, #tpu.memory_space<hbm>>) target_semaphore(%run_scoped3A : memref<!tpu.dma_semaphore, #tpu.memory_space<semaphore_mem>>)
        %dma_wait3A_68 = arith.constant 9360 : i32
        %dma_wait3A_69 = arith.constant 0 : i32
        %dma_wait3A_70 = tpu.memref_slice %arg5[%arg0, %dma_wait3A_68, %dma_wait3A_69] : memref<2x10000x128xf32, #tpu.memory_space<hbm>> -> memref<1x640x128xf32, #tpu.memory_space<hbm>>
        %dma_wait3A_71 = tpu.memref_squeeze %dma_wait3A_70 : memref<1x640x128xf32, #tpu.memory_space<hbm>> -> memref<640x128xf32, #tpu.memory_space<hbm>>
        %dma_wait3A_72 = arith.constant 9360 : i32
        %dma_wait3A_73 = arith.constant 0 : i32
        %dma_wait3A_74 = tpu.memref_slice %arg12[%dma_wait3A_72, %dma_wait3A_73] : memref<10240x128xf32, #tpu.memory_space<vmem_shared>> -> memref<640x128xf32, #tpu.memory_space<vmem_shared>>
        tpu.wait_dma2 semaphore(%run_scoped3A : memref<!tpu.dma_semaphore, #tpu.memory_space<semaphore_mem>>) src(%dma_wait3A_74 : memref<640x128xf32, #tpu.memory_space<vmem_shared>>) dst(%dma_wait3A_71 : memref<640x128xf32, #tpu.memory_space<hbm>>)
        tpu.yield
      }) : () -> ()
    } else {
    }
    return
  }
}

module attributes {stable_mosaic.version = 14 : i64} {
  func.func @_scale_body(%arg0: memref<32x10000xf32, #tpu.memory_space<vmem>>, %arg1: memref<10000x128xf32, #tpu.memory_space<vmem>>, %arg2: memref<10000x128xf32, #tpu.memory_space<vmem>>, %arg3: memref<10000x128xf32, #tpu.memory_space<vmem>>) attributes {dimension_semantics = [], scalar_prefetch = 0 : i64, scratch_operands = 0 : i64, tpu.core_type = #tpu.core_type<tc>} {
    %broadcast_in_dim3A = arith.constant 1.000000e+00 : f32
    %broadcast_in_dim3A_0 = vector.broadcast %broadcast_in_dim3A : f32 to vector<32x1xf32>
    %get3A = arith.constant 0 : index
    %get3A_1 = arith.constant 0 : index
    %get3A_2 = vector.load %arg0[%get3A, %get3A_1] : memref<32x10000xf32, #tpu.memory_space<vmem>>, vector<32x10000xf32>
    %dot_general3A = arith.constant dense<0.000000e+00> : vector<10000x1xf32>
    %dot_general3A_3 = tpu.matmul %get3A_2, %broadcast_in_dim3A_0, %dot_general3A {dimension_numbers = #tpu.dot_dimension_numbers<[0], [0], [1], [1], [0, 1, 1, 1], [], []>, transpose_lhs_hint = false} : vector<32x10000xf32>, vector<32x1xf32>, vector<10000x1xf32> -> vector<10000x1xf32>
    %add3A = arith.constant 1.000000e+00 : f32
    %add3A_4 = vector.broadcast %add3A : f32 to vector<10000x1xf32>
    %add3A_5 = arith.addf %dot_general3A_3, %add3A_4 : vector<10000x1xf32>
    %rsqrt3A = math.rsqrt %add3A_5 : vector<10000x1xf32>
    %get3A_6 = arith.constant 0 : index
    %get3A_7 = arith.constant 0 : index
    %get3A_8 = vector.load %arg1[%get3A_6, %get3A_7] : memref<10000x128xf32, #tpu.memory_space<vmem>>, vector<10000x128xf32>
    %mul3A = vector.broadcast %rsqrt3A : vector<10000x1xf32> to vector<10000x128xf32>
    %mul3A_9 = arith.mulf %mul3A, %get3A_8 : vector<10000x128xf32>
    %swap3A = arith.constant 0 : index
    %swap3A_10 = arith.constant 0 : index
    %swap3A_11 = vector.load %arg2[%swap3A, %swap3A_10] : memref<10000x128xf32, #tpu.memory_space<vmem>>, vector<10000x128xf32>
    tpu.vector_store %arg2[%swap3A, %swap3A_10], %mul3A_9 {strides = array<i32>} : memref<10000x128xf32, #tpu.memory_space<vmem>>, vector<10000x128xf32>,
    %broadcast_in_dim3A_12 = vector.shape_cast %rsqrt3A : vector<10000x1xf32> to vector<10000x1xf32>
    %broadcast_in_dim3A_13 = vector.broadcast %broadcast_in_dim3A_12 : vector<10000x1xf32> to vector<10000x128xf32>
    %swap3A_14 = arith.constant 0 : index
    %swap3A_15 = arith.constant 0 : index
    %swap3A_16 = vector.load %arg3[%swap3A_14, %swap3A_15] : memref<10000x128xf32, #tpu.memory_space<vmem>>, vector<10000x128xf32>
    tpu.vector_store %arg3[%swap3A_14, %swap3A_15], %broadcast_in_dim3A_13 {strides = array<i32>} : memref<10000x128xf32, #tpu.memory_space<vmem>>, vector<10000x128xf32>,
    return
  }
}

module attributes {stable_mosaic.version = 14 : i64} {
  func.func @_dense_body(%arg0: i32, %arg1: memref<2x1000x128xf32, #tpu.memory_space<vmem>>, %arg2: memref<1000x128xf32, #tpu.memory_space<vmem>>, %arg3: memref<1000x128xf32, #tpu.memory_space<vmem>>, %arg4: memref<1x1x1000xi32, #tpu.memory_space<vmem>>, %arg5: memref<16x128xf32, #tpu.memory_space<vmem>>, %arg6: memref<128x128xf32, #tpu.memory_space<vmem>>, %arg7: memref<128x128xf32, #tpu.memory_space<vmem>>, %arg8: memref<1x128xf32, #tpu.memory_space<vmem>>, %arg9: memref<128x128xf32, #tpu.memory_space<vmem>>, %arg10: memref<1x128xf32, #tpu.memory_space<vmem>>, %arg11: memref<128x128xf32, #tpu.memory_space<vmem>>, %arg12: memref<1x128xf32, #tpu.memory_space<vmem>>, %arg13: memref<128x128xf32, #tpu.memory_space<vmem>>, %arg14: memref<1x128xf32, #tpu.memory_space<vmem>>, %arg15: memref<1x128xf32, #tpu.memory_space<vmem>>, %arg16: memref<1x128xf32, #tpu.memory_space<vmem>>, %arg17: memref<1x128xf32, #tpu.memory_space<vmem>>, %arg18: memref<1x128xf32, #tpu.memory_space<vmem>>, %arg19: memref<8x16x128xf32, #tpu.memory_space<vmem>>, %arg20: memref<128x128xf32, #tpu.memory_space<vmem>>, %arg21: memref<8x128xf32, #tpu.memory_space<vmem>>, %arg22: memref<8x128xf32, #tpu.memory_space<vmem>>, %arg23: memref<8x128x128xf32, #tpu.memory_space<vmem>>, %arg24: memref<8x128xf32, #tpu.memory_space<vmem>>) attributes {dimension_semantics = [#tpu.dimension_semantics<arbitrary>], iteration_bounds = array<i64: 10>, scalar_prefetch = 0 : i64, scratch_operands = 5 : i64, tpu.core_type = #tpu.core_type<tc>, window_params = [{transform_indices = @transform_0, window_bounds = array<i64: 2, 1000, 128>}, {transform_indices = @transform_1, window_bounds = array<i64: 1000, 128>}, {transform_indices = @transform_2, window_bounds = array<i64: 1000, 128>}, {transform_indices = @transform_3, window_bounds = array<i64: 1, 1, 1000>}, {pipeline_mode = #tpu.pipeline_mode<synchronous>, transform_indices = @transform_4, window_bounds = array<i64: 16, 128>}, {pipeline_mode = #tpu.pipeline_mode<synchronous>, transform_indices = @transform_5, window_bounds = array<i64: 128, 128>}, {pipeline_mode = #tpu.pipeline_mode<synchronous>, transform_indices = @transform_6, window_bounds = array<i64: 128, 128>}, {pipeline_mode = #tpu.pipeline_mode<synchronous>, transform_indices = @transform_7, window_bounds = array<i64: 1, 128>}, {pipeline_mode = #tpu.pipeline_mode<synchronous>, transform_indices = @transform_8, window_bounds = array<i64: 128, 128>}, {pipeline_mode = #tpu.pipeline_mode<synchronous>, transform_indices = @transform_9, window_bounds = array<i64: 1, 128>}, {pipeline_mode = #tpu.pipeline_mode<synchronous>, transform_indices = @transform_10, window_bounds = array<i64: 128, 128>}, {pipeline_mode = #tpu.pipeline_mode<synchronous>, transform_indices = @transform_11, window_bounds = array<i64: 1, 128>}, {pipeline_mode = #tpu.pipeline_mode<synchronous>, transform_indices = @transform_12, window_bounds = array<i64: 128, 128>}, {pipeline_mode = #tpu.pipeline_mode<synchronous>, transform_indices = @transform_13, window_bounds = array<i64: 1, 128>}, {pipeline_mode = #tpu.pipeline_mode<synchronous>, transform_indices = @transform_14, window_bounds = array<i64: 1, 128>}, {pipeline_mode = #tpu.pipeline_mode<synchronous>, transform_indices = @transform_15, window_bounds = array<i64: 1, 128>}, {pipeline_mode = #tpu.pipeline_mode<synchronous>, transform_indices = @transform_16, window_bounds = array<i64: 1, 128>}, {pipeline_mode = #tpu.pipeline_mode<synchronous>, transform_indices = @transform_17, window_bounds = array<i64: 1, 128>}, {pipeline_mode = #tpu.pipeline_mode<synchronous>, transform_indices = @transform_18, window_bounds = array<i64: 8, 16, 128>}]} {
    %eq3A = arith.constant 0 : i32
    %eq3A_0 = arith.cmpi eq, %arg0, %eq3A : i32
    %convert_element_type3A = arith.extui %eq3A_0 : i1 to i32
    %cond3A = arith.constant 0 : i32
    %cond3A_1 = arith.cmpi ne, %convert_element_type3A, %cond3A : i32
    scf.if %cond3A_1 {
      %broadcast_in_dim3A_166 = arith.constant -1.000000e+30 : f32
      %broadcast_in_dim3A_167 = vector.broadcast %broadcast_in_dim3A_166 : f32 to vector<8x128xf32>
      %swap3A_168 = arith.constant 0 : index
      %swap3A_169 = arith.constant 0 : index
      %swap3A_170 = vector.load %arg21[%swap3A_168, %swap3A_169] : memref<8x128xf32, #tpu.memory_space<vmem>>, vector<8x128xf32>
      tpu.vector_store %arg21[%swap3A_168, %swap3A_169], %broadcast_in_dim3A_167 {strides = array<i32>} : memref<8x128xf32, #tpu.memory_space<vmem>>, vector<8x128xf32>,
      %broadcast_in_dim3A_171 = arith.constant 0.000000e+00 : f32
      %broadcast_in_dim3A_172 = vector.broadcast %broadcast_in_dim3A_171 : f32 to vector<8x128xf32>
      %swap3A_173 = arith.constant 0 : index
      %swap3A_174 = arith.constant 0 : index
      %swap3A_175 = vector.load %arg22[%swap3A_173, %swap3A_174] : memref<8x128xf32, #tpu.memory_space<vmem>>, vector<8x128xf32>
      tpu.vector_store %arg22[%swap3A_173, %swap3A_174], %broadcast_in_dim3A_172 {strides = array<i32>} : memref<8x128xf32, #tpu.memory_space<vmem>>, vector<8x128xf32>,
      %broadcast_in_dim3A_176 = arith.constant 0.000000e+00 : f32
      %broadcast_in_dim3A_177 = vector.broadcast %broadcast_in_dim3A_176 : f32 to vector<8x128x128xf32>
      %swap3A_178 = arith.constant 0 : index
      %swap3A_179 = arith.constant 0 : index
      %swap3A_180 = arith.constant 0 : index
      %swap3A_181 = vector.load %arg23[%swap3A_178, %swap3A_179, %swap3A_180] : memref<8x128x128xf32, #tpu.memory_space<vmem>>, vector<8x128x128xf32>
      tpu.vector_store %arg23[%swap3A_178, %swap3A_179, %swap3A_180], %broadcast_in_dim3A_177 {strides = array<i32>} : memref<8x128x128xf32, #tpu.memory_space<vmem>>, vector<8x128x128xf32>,
      %broadcast_in_dim3A_182 = arith.constant 0.000000e+00 : f32
      %broadcast_in_dim3A_183 = vector.broadcast %broadcast_in_dim3A_182 : f32 to vector<8x128xf32>
      %swap3A_184 = arith.constant 0 : index
      %swap3A_185 = arith.constant 0 : index
      %swap3A_186 = vector.load %arg24[%swap3A_184, %swap3A_185] : memref<8x128xf32, #tpu.memory_space<vmem>>, vector<8x128xf32>
      tpu.vector_store %arg24[%swap3A_184, %swap3A_185], %broadcast_in_dim3A_183 {strides = array<i32>} : memref<8x128xf32, #tpu.memory_space<vmem>>, vector<8x128xf32>,
      %get3A_187 = arith.constant 0 : index
      %get3A_188 = arith.constant 0 : index
      %get3A_189 = vector.load %arg5[%get3A_187, %get3A_188] : memref<16x128xf32, #tpu.memory_space<vmem>>, vector<16x128xf32>
      %get3A_190 = arith.constant 0 : index
      %get3A_191 = arith.constant 0 : index
      %get3A_192 = vector.load %arg6[%get3A_190, %get3A_191] : memref<128x128xf32, #tpu.memory_space<vmem>>, vector<128x128xf32>
      %dot_general3A_193 = arith.constant dense<0.000000e+00> : vector<16x128xf32>
      %dot_general3A_194 = tpu.matmul %get3A_189, %get3A_192, %dot_general3A_193 {dimension_numbers = #tpu.dot_dimension_numbers<[1], [1], [0], [0], [0, 0, 1, 0], [], []>, transpose_lhs_hint = false} : vector<16x128xf32>, vector<128x128xf32>, vector<16x128xf32> -> vector<16x128xf32>
      %mul3A_195 = arith.constant 2.500000e-01 : f32
      %mul3A_196 = vector.broadcast %mul3A_195 : f32 to vector<16x128xf32>
      %mul3A_197 = arith.mulf %dot_general3A_194, %mul3A_196 : vector<16x128xf32>
      %concatenate3A = tpu.concatenate %mul3A_197, %mul3A_197, %mul3A_197, %mul3A_197, %mul3A_197, %mul3A_197, %mul3A_197, %mul3A_197 in 0 : vector<16x128xf32>, vector<16x128xf32>, vector<16x128xf32>, vector<16x128xf32>, vector<16x128xf32>, vector<16x128xf32>, vector<16x128xf32>, vector<16x128xf32> -> vector<128x128xf32>
      %iota3A_198 = tpu.iota {dimensions = array<i32: 0>} : vector<128x128xi32>
      %jit3A = arith.constant 16 : i32
      %div3A = vector.broadcast %jit3A : i32 to vector<128x128xi32>
      %div3A_199 = arith.divsi %iota3A_198, %div3A : vector<128x128xi32>
      %sign3A = arith.constant 0 : i32
      %sign3A_200 = vector.broadcast %sign3A : i32 to vector<128x128xi32>
      %sign3A_201 = arith.cmpi sgt, %iota3A_198, %sign3A_200 : vector<128x128xi32>
      %sign3A_202 = arith.extui %sign3A_201 : vector<128x128xi1> to vector<128x128xi32>
      %sign3A_203 = arith.constant 0 : i32
      %sign3A_204 = vector.broadcast %sign3A_203 : i32 to vector<128x128xi32>
      %sign3A_205 = arith.cmpi slt, %iota3A_198, %sign3A_204 : vector<128x128xi32>
      %sign3A_206 = arith.extui %sign3A_205 : vector<128x128xi1> to vector<128x128xi32>
      %sign3A_207 = arith.subi %sign3A_202, %sign3A_206 : vector<128x128xi32>
      %sign3A_208 = arith.constant 0 : i32
      %sign3A_209 = arith.cmpi sgt, %jit3A, %sign3A_208 : i32
      %sign3A_210 = arith.extui %sign3A_209 : i1 to i32
      %sign3A_211 = arith.constant 0 : i32
      %sign3A_212 = arith.cmpi slt, %jit3A, %sign3A_211 : i32
      %sign3A_213 = arith.extui %sign3A_212 : i1 to i32
      %sign3A_214 = arith.subi %sign3A_210, %sign3A_213 : i32
      %ne3A = vector.broadcast %sign3A_214 : i32 to vector<128x128xi32>
      %ne3A_215 = arith.cmpi ne, %sign3A_207, %ne3A : vector<128x128xi32>
      %rem3A = vector.broadcast %jit3A : i32 to vector<128x128xi32>
      %rem3A_216 = arith.remsi %iota3A_198, %rem3A : vector<128x128xi32>
      %ne3A_217 = arith.constant 0 : i32
      %ne3A_218 = vector.broadcast %ne3A_217 : i32 to vector<128x128xi32>
      %ne3A_219 = arith.cmpi ne, %rem3A_216, %ne3A_218 : vector<128x128xi32>
      %and3A = arith.andi %ne3A_215, %ne3A_219 : vector<128x128xi1>
      %sub3A = arith.constant 1 : i32
      %sub3A_220 = vector.broadcast %sub3A : i32 to vector<128x128xi32>
      %sub3A_221 = arith.subi %div3A_199, %sub3A_220 : vector<128x128xi32>
      %select_n3A = arith.select %and3A, %sub3A_221, %div3A_199 : vector<128x128xi1>, vector<128x128xi32>
      %iota3A_222 = tpu.iota {dimensions = array<i32: 1>} : vector<128x128xi32>
      %jit3A_223 = arith.constant 16 : i32
      %div3A_224 = vector.broadcast %jit3A_223 : i32 to vector<128x128xi32>
      %div3A_225 = arith.divsi %iota3A_222, %div3A_224 : vector<128x128xi32>
      %sign3A_226 = arith.constant 0 : i32
      %sign3A_227 = vector.broadcast %sign3A_226 : i32 to vector<128x128xi32>
      %sign3A_228 = arith.cmpi sgt, %iota3A_222, %sign3A_227 : vector<128x128xi32>
      %sign3A_229 = arith.extui %sign3A_228 : vector<128x128xi1> to vector<128x128xi32>
      %sign3A_230 = arith.constant 0 : i32
      %sign3A_231 = vector.broadcast %sign3A_230 : i32 to vector<128x128xi32>
      %sign3A_232 = arith.cmpi slt, %iota3A_222, %sign3A_231 : vector<128x128xi32>
      %sign3A_233 = arith.extui %sign3A_232 : vector<128x128xi1> to vector<128x128xi32>
      %sign3A_234 = arith.subi %sign3A_229, %sign3A_233 : vector<128x128xi32>
      %sign3A_235 = arith.constant 0 : i32
      %sign3A_236 = arith.cmpi sgt, %jit3A_223, %sign3A_235 : i32
      %sign3A_237 = arith.extui %sign3A_236 : i1 to i32
      %sign3A_238 = arith.constant 0 : i32
      %sign3A_239 = arith.cmpi slt, %jit3A_223, %sign3A_238 : i32
      %sign3A_240 = arith.extui %sign3A_239 : i1 to i32
      %sign3A_241 = arith.subi %sign3A_237, %sign3A_240 : i32
      %ne3A_242 = vector.broadcast %sign3A_241 : i32 to vector<128x128xi32>
      %ne3A_243 = arith.cmpi ne, %sign3A_234, %ne3A_242 : vector<128x128xi32>
      %rem3A_244 = vector.broadcast %jit3A_223 : i32 to vector<128x128xi32>
      %rem3A_245 = arith.remsi %iota3A_222, %rem3A_244 : vector<128x128xi32>
      %ne3A_246 = arith.constant 0 : i32
      %ne3A_247 = vector.broadcast %ne3A_246 : i32 to vector<128x128xi32>
      %ne3A_248 = arith.cmpi ne, %rem3A_245, %ne3A_247 : vector<128x128xi32>
      %and3A_249 = arith.andi %ne3A_243, %ne3A_248 : vector<128x128xi1>
      %sub3A_250 = arith.constant 1 : i32
      %sub3A_251 = vector.broadcast %sub3A_250 : i32 to vector<128x128xi32>
      %sub3A_252 = arith.subi %div3A_225, %sub3A_251 : vector<128x128xi32>
      %select_n3A_253 = arith.select %and3A_249, %sub3A_252, %div3A_225 : vector<128x128xi1>, vector<128x128xi32>
      %eq3A_254 = arith.cmpi eq, %select_n3A, %select_n3A_253 : vector<128x128xi32>
      %jit3A_255 = arith.constant 0.000000e+00 : f32
      %broadcast_in_dim3A_256 = vector.broadcast %jit3A_255 : f32 to vector<128x128xf32>
      %select_n3A_257 = arith.select %eq3A_254, %concatenate3A, %broadcast_in_dim3A_256 : vector<128x128xi1>, vector<128x128xf32>
      %swap3A_258 = arith.constant 0 : index
      %swap3A_259 = arith.constant 0 : index
      %swap3A_260 = vector.load %arg20[%swap3A_258, %swap3A_259] : memref<128x128xf32, #tpu.memory_space<vmem>>, vector<128x128xf32>
      tpu.vector_store %arg20[%swap3A_258, %swap3A_259], %select_n3A_257 {strides = array<i32>} : memref<128x128xf32, #tpu.memory_space<vmem>>, vector<128x128xf32>,
    } else {
    }
    %get3A = arith.constant 0 : index
    %get3A_2 = arith.constant 0 : index
    %get3A_3 = vector.load %arg3[%get3A, %get3A_2] : memref<1000x128xf32, #tpu.memory_space<vmem>>, vector<1000x128xf32>
    %get3A_4 = arith.constant 0 : index
    %get3A_5 = arith.constant 0 : index
    %get3A_6 = arith.constant 0 : index
    %get3A_7 = vector.load %arg1[%get3A_4, %get3A_5, %get3A_6] : memref<2x1000x128xf32, #tpu.memory_space<vmem>>, vector<1x1000x128xf32>
    %get3A_8 = vector.shape_cast %get3A_7 : vector<1x1000x128xf32> to vector<1000x128xf32>
    %get3A_9 = arith.constant 1 : index
    %get3A_10 = arith.constant 0 : index
    %get3A_11 = arith.constant 0 : index
    %get3A_12 = vector.load %arg1[%get3A_9, %get3A_10, %get3A_11] : memref<2x1000x128xf32, #tpu.memory_space<vmem>>, vector<1x1000x128xf32>
    %get3A_13 = vector.shape_cast %get3A_12 : vector<1x1000x128xf32> to vector<1000x128xf32>
    %add3A = arith.addf %get3A_8, %get3A_13 : vector<1000x128xf32>
    %get3A_14 = arith.constant 0 : index
    %get3A_15 = arith.constant 0 : index
    %get3A_16 = vector.load %arg2[%get3A_14, %get3A_15] : memref<1000x128xf32, #tpu.memory_space<vmem>>, vector<1000x128xf32>
    %add3A_17 = arith.addf %add3A, %get3A_16 : vector<1000x128xf32>
    %mul3A = arith.mulf %get3A_3, %add3A_17 : vector<1000x128xf32>
    %get3A_18 = arith.constant 0 : index
    %get3A_19 = arith.constant 0 : index
    %get3A_20 = vector.load %arg7[%get3A_18, %get3A_19] : memref<128x128xf32, #tpu.memory_space<vmem>>, vector<128x128xf32>
    %dot_general3A = arith.constant dense<0.000000e+00> : vector<1000x128xf32>
    %dot_general3A_21 = tpu.matmul %mul3A, %get3A_20, %dot_general3A {dimension_numbers = #tpu.dot_dimension_numbers<[1], [1], [0], [0], [0, 0, 1, 0], [], []>, transpose_lhs_hint = false} : vector<1000x128xf32>, vector<128x128xf32>, vector<1000x128xf32> -> vector<1000x128xf32>
    %get3A_22 = arith.constant 0 : index
    %get3A_23 = arith.constant 0 : index
    %get3A_24 = vector.load %arg8[%get3A_22, %get3A_23] : memref<1x128xf32, #tpu.memory_space<vmem>>, vector<1x128xf32>
    %add3A_25 = vector.broadcast %get3A_24 : vector<1x128xf32> to vector<1000x128xf32>
    %add3A_26 = arith.addf %dot_general3A_21, %add3A_25 : vector<1000x128xf32>
    %get3A_27 = arith.constant 0 : index
    %get3A_28 = arith.constant 0 : index
    %get3A_29 = vector.load %arg9[%get3A_27, %get3A_28] : memref<128x128xf32, #tpu.memory_space<vmem>>, vector<128x128xf32>
    %dot_general3A_30 = arith.constant dense<0.000000e+00> : vector<1000x128xf32>
    %dot_general3A_31 = tpu.matmul %mul3A, %get3A_29, %dot_general3A_30 {dimension_numbers = #tpu.dot_dimension_numbers<[1], [1], [0], [0], [0, 0, 1, 0], [], []>, transpose_lhs_hint = false} : vector<1000x128xf32>, vector<128x128xf32>, vector<1000x128xf32> -> vector<1000x128xf32>
    %get3A_32 = arith.constant 0 : index
    %get3A_33 = arith.constant 0 : index
    %get3A_34 = vector.load %arg10[%get3A_32, %get3A_33] : memref<1x128xf32, #tpu.memory_space<vmem>>, vector<1x128xf32>
    %add3A_35 = vector.broadcast %get3A_34 : vector<1x128xf32> to vector<1000x128xf32>
    %add3A_36 = arith.addf %dot_general3A_31, %add3A_35 : vector<1000x128xf32>
    %get3A_37 = arith.constant 0 : index
    %get3A_38 = arith.constant 0 : index
    %get3A_39 = vector.load %arg20[%get3A_37, %get3A_38] : memref<128x128xf32, #tpu.memory_space<vmem>>, vector<128x128xf32>
    %dot_general3A_40 = arith.constant dense<0.000000e+00> : vector<1000x128xf32>
    %dot_general3A_41 = tpu.matmul %add3A_26, %get3A_39, %dot_general3A_40 {dimension_numbers = #tpu.dot_dimension_numbers<[1], [1], [0], [0], [0, 0, 1, 0], [], []>, transpose_lhs_hint = false} : vector<1000x128xf32>, vector<128x128xf32>, vector<1000x128xf32> -> vector<1000x128xf32>
    %get3A_42 = arith.constant 0 : index
    %get3A_43 = arith.constant 0 : index
    %get3A_44 = arith.constant 0 : index
    %get3A_45 = vector.load %arg4[%get3A_42, %get3A_43, %get3A_44] : memref<1x1x1000xi32, #tpu.memory_space<vmem>>, vector<1x1x1000xi32>
    %get3A_46 = vector.shape_cast %get3A_45 : vector<1x1x1000xi32> to vector<1000xi32>
    %iota3A = tpu.iota {dimensions = array<i32: 1>} : vector<1000x8xi32>
    %broadcast_in_dim3A = vector.shape_cast %get3A_46 : vector<1000xi32> to vector<1000x1xi32>
    %eq3A_47 = vector.broadcast %broadcast_in_dim3A : vector<1000x1xi32> to vector<1000x8xi32>
    %eq3A_48 = arith.cmpi eq, %eq3A_47, %iota3A : vector<1000x8xi32>
    %convert_element_type3A_49 = arith.extui %eq3A_48 : vector<1000x8xi1> to vector<1000x8xi32>
    %convert_element_type3A_50 = arith.sitofp %convert_element_type3A_49 : vector<1000x8xi32> to vector<1000x8xf32>
    %get3A_51 = arith.constant 0 : index
    %get3A_52 = arith.constant 0 : index
    %get3A_53 = vector.load %arg24[%get3A_51, %get3A_52] : memref<8x128xf32, #tpu.memory_space<vmem>>, vector<8x128xf32>
    %reduce_sum3A = arith.constant dense<0.000000e+00> : vector<8xf32>
    %reduce_sum3A_54 = vector.multi_reduction <add>, %convert_element_type3A_50, %reduce_sum3A [0] : vector<1000x8xf32> to vector<8xf32>
    %broadcast_in_dim3A_55 = vector.shape_cast %reduce_sum3A_54 : vector<8xf32> to vector<8x1xf32>
    %add3A_56 = vector.broadcast %broadcast_in_dim3A_55 : vector<8x1xf32> to vector<8x128xf32>
    %add3A_57 = arith.addf %get3A_53, %add3A_56 : vector<8x128xf32>
    %swap3A = arith.constant 0 : index
    %swap3A_58 = arith.constant 0 : index
    %swap3A_59 = vector.load %arg24[%swap3A, %swap3A_58] : memref<8x128xf32, #tpu.memory_space<vmem>>, vector<8x128xf32>
    tpu.vector_store %arg24[%swap3A, %swap3A_58], %add3A_57 {strides = array<i32>} : memref<8x128xf32, #tpu.memory_space<vmem>>, vector<8x128xf32>,
    %slice3A = vector.extract_strided_slice %eq3A_48 {offsets = [0, 0], sizes = [1000, 1], strides = [1, 1]} : vector<1000x8xi1> to vector<1000x1xi1>
    %slice3A_60 = vector.extract_strided_slice %convert_element_type3A_50 {offsets = [0, 0], sizes = [1000, 1], strides = [1, 1]} : vector<1000x8xf32> to vector<1000x1xf32>
    %squeeze3A = vector.shape_cast %slice3A_60 : vector<1000x1xf32> to vector<1000xf32>
    %reduce_sum3A_61 = vector.shape_cast %squeeze3A : vector<1000xf32> to vector<1x1000xf32>
    %reduce_sum3A_62 = arith.constant dense<0.000000e+00> : vector<1xf32>
    %reduce_sum3A_63 = vector.multi_reduction <add>, %reduce_sum3A_61, %reduce_sum3A_62 [1] : vector<1x1000xf32> to vector<1xf32>
    %reduce_sum3A_64 = vector.shape_cast %reduce_sum3A_63 : vector<1xf32> to vector<1x1xf32>
    %reduce_sum3A_65 = vector.extract %reduce_sum3A_64[0, 0] : f32 from vector<1x1xf32>
    %gt3A = arith.constant 0.000000e+00 : f32
    %gt3A_66 = arith.cmpf ogt, %reduce_sum3A_65, %gt3A : f32
    %convert_element_type3A_67 = arith.extui %gt3A_66 : i1 to i32
    %cond3A_68 = arith.constant 0 : i32
    %cond3A_69 = arith.cmpi ne, %convert_element_type3A_67, %cond3A_68 : i32
    scf.if %cond3A_69 {
      %jit3A = arith.constant -1.000000e+30 : f32
      %broadcast_in_dim3A_166 = vector.shape_cast %slice3A : vector<1000x1xi1> to vector<1000x1xi1>
      %broadcast_in_dim3A_167 = vector.broadcast %broadcast_in_dim3A_166 : vector<1000x1xi1> to vector<1000x128xi1>
      %broadcast_in_dim3A_168 = vector.broadcast %jit3A : f32 to vector<1000x128xf32>
      %select_n3A = arith.select %broadcast_in_dim3A_167, %dot_general3A_41, %broadcast_in_dim3A_168 : vector<1000x128xi1>, vector<1000x128xf32>
      %reduce_max3A = arith.constant dense<0xFF800000> : vector<128xf32>
      %reduce_max3A_169 = vector.multi_reduction <maximumf>, %select_n3A, %reduce_max3A [0] : vector<1000x128xf32> to vector<128xf32>
      %get3A_170 = arith.constant 0 : index
      %get3A_171 = arith.constant 0 : index
      %get3A_172 = vector.load %arg21[%get3A_170, %get3A_171] : memref<8x128xf32, #tpu.memory_space<vmem>>, vector<1x128xf32>
      %get3A_173 = vector.shape_cast %get3A_172 : vector<1x128xf32> to vector<128xf32>
      %max3A = arith.maximumf %get3A_173, %reduce_max3A_169 : vector<128xf32>
      %sub3A = arith.subf %get3A_173, %max3A : vector<128xf32>
      %exp3A = math.exp %sub3A : vector<128xf32>
      %broadcast_in_dim3A_174 = vector.shape_cast %max3A : vector<128xf32> to vector<1x128xf32>
      %sub3A_175 = vector.broadcast %broadcast_in_dim3A_174 : vector<1x128xf32> to vector<1000x128xf32>
      %sub3A_176 = arith.subf %dot_general3A_41, %sub3A_175 : vector<1000x128xf32>
      %exp3A_177 = math.exp %sub3A_176 : vector<1000x128xf32>
      %jit3A_178 = arith.constant 0.000000e+00 : f32
      %broadcast_in_dim3A_179 = vector.shape_cast %slice3A : vector<1000x1xi1> to vector<1000x1xi1>
      %broadcast_in_dim3A_180 = vector.broadcast %broadcast_in_dim3A_179 : vector<1000x1xi1> to vector<1000x128xi1>
      %broadcast_in_dim3A_181 = vector.broadcast %jit3A_178 : f32 to vector<1000x128xf32>
      %select_n3A_182 = arith.select %broadcast_in_dim3A_180, %exp3A_177, %broadcast_in_dim3A_181 : vector<1000x128xi1>, vector<1000x128xf32>
      %get3A_183 = arith.constant 0 : index
      %get3A_184 = arith.constant 0 : index
      %get3A_185 = vector.load %arg22[%get3A_183, %get3A_184] : memref<8x128xf32, #tpu.memory_space<vmem>>, vector<1x128xf32>
      %get3A_186 = vector.shape_cast %get3A_185 : vector<1x128xf32> to vector<128xf32>
      %mul3A_187 = arith.mulf %get3A_186, %exp3A : vector<128xf32>
      %reduce_sum3A_188 = arith.constant dense<0.000000e+00> : vector<128xf32>
      %reduce_sum3A_189 = vector.multi_reduction <add>, %select_n3A_182, %reduce_sum3A_188 [0] : vector<1000x128xf32> to vector<128xf32>
      %add3A_190 = arith.addf %mul3A_187, %reduce_sum3A_189 : vector<128xf32>
      %swap3A_191 = arith.constant 0 : index
      %swap3A_192 = arith.constant 0 : index
      %swap3A_193 = vector.load %arg22[%swap3A_191, %swap3A_192] : memref<8x128xf32, #tpu.memory_space<vmem>>, vector<1x128xf32>
      %swap3A_194 = vector.shape_cast %swap3A_193 : vector<1x128xf32> to vector<128xf32>
      %swap3A_195 = vector.shape_cast %add3A_190 : vector<128xf32> to vector<1x128xf32>
      tpu.vector_store %arg22[%swap3A_191, %swap3A_192], %swap3A_195 {strides = array<i32>} : memref<8x128xf32, #tpu.memory_space<vmem>>, vector<1x128xf32>,
      %get3A_196 = arith.constant 0 : index
      %get3A_197 = arith.constant 0 : index
      %get3A_198 = arith.constant 0 : index
      %get3A_199 = vector.load %arg23[%get3A_196, %get3A_197, %get3A_198] : memref<8x128x128xf32, #tpu.memory_space<vmem>>, vector<1x128x128xf32>
      %get3A_200 = vector.shape_cast %get3A_199 : vector<1x128x128xf32> to vector<128x128xf32>
      %broadcast_in_dim3A_201 = vector.shape_cast %exp3A : vector<128xf32> to vector<128x1xf32>
      %mul3A_202 = vector.broadcast %broadcast_in_dim3A_201 : vector<128x1xf32> to vector<128x128xf32>
      %mul3A_203 = arith.mulf %get3A_200, %mul3A_202 : vector<128x128xf32>
      %dot_general3A_204 = arith.constant dense<0.000000e+00> : vector<128x128xf32>
      %dot_general3A_205 = tpu.matmul %select_n3A_182, %add3A_36, %dot_general3A_204 {dimension_numbers = #tpu.dot_dimension_numbers<[0], [0], [1], [1], [0, 1, 1, 1], [], []>, transpose_lhs_hint = false} : vector<1000x128xf32>, vector<1000x128xf32>, vector<128x128xf32> -> vector<128x128xf32>
      %add3A_206 = arith.addf %mul3A_203, %dot_general3A_205 : vector<128x128xf32>
      %swap3A_207 = arith.constant 0 : index
      %swap3A_208 = arith.constant 0 : index
      %swap3A_209 = arith.constant 0 : index
      %swap3A_210 = vector.load %arg23[%swap3A_207, %swap3A_208, %swap3A_209] : memref<8x128x128xf32, #tpu.memory_space<vmem>>, vector<1x128x128xf32>
      %swap3A_211 = vector.shape_cast %swap3A_210 : vector<1x128x128xf32> to vector<128x128xf32>
      %swap3A_212 = vector.shape_cast %add3A_206 : vector<128x128xf32> to vector<1x128x128xf32>
      tpu.vector_store %arg23[%swap3A_207, %swap3A_208, %swap3A_209], %swap3A_212 {strides = array<i32>} : memref<8x128x128xf32, #tpu.memory_space<vmem>>, vector<1x128x128xf32>,
      %swap3A_213 = arith.constant 0 : index
      %swap3A_214 = arith.constant 0 : index
      %swap3A_215 = vector.load %arg21[%swap3A_213, %swap3A_214] : memref<8x128xf32, #tpu.memory_space<vmem>>, vector<1x128xf32>
      %swap3A_216 = vector.shape_cast %swap3A_215 : vector<1x128xf32> to vector<128xf32>
      %swap3A_217 = vector.shape_cast %max3A : vector<128xf32> to vector<1x128xf32>
      tpu.vector_store %arg21[%swap3A_213, %swap3A_214], %swap3A_217 {strides = array<i32>} : memref<8x128xf32, #tpu.memory_space<vmem>>, vector<1x128xf32>,
    } else {
    }
    %slice3A_70 = vector.extract_strided_slice %eq3A_48 {offsets = [0, 1], sizes = [1000, 1], strides = [1, 1]} : vector<1000x8xi1> to vector<1000x1xi1>
    %slice3A_71 = vector.extract_strided_slice %convert_element_type3A_50 {offsets = [0, 1], sizes = [1000, 1], strides = [1, 1]} : vector<1000x8xf32> to vector<1000x1xf32>
    %squeeze3A_72 = vector.shape_cast %slice3A_71 : vector<1000x1xf32> to vector<1000xf32>
    %reduce_sum3A_73 = vector.shape_cast %squeeze3A_72 : vector<1000xf32> to vector<1x1000xf32>
    %reduce_sum3A_74 = arith.constant dense<0.000000e+00> : vector<1xf32>
    %reduce_sum3A_75 = vector.multi_reduction <add>, %reduce_sum3A_73, %reduce_sum3A_74 [1] : vector<1x1000xf32> to vector<1xf32>
    %reduce_sum3A_76 = vector.shape_cast %reduce_sum3A_75 : vector<1xf32> to vector<1x1xf32>
    %reduce_sum3A_77 = vector.extract %reduce_sum3A_76[0, 0] : f32 from vector<1x1xf32>
    %gt3A_78 = arith.constant 0.000000e+00 : f32
    %gt3A_79 = arith.cmpf ogt, %reduce_sum3A_77, %gt3A_78 : f32
    %convert_element_type3A_80 = arith.extui %gt3A_79 : i1 to i32
    %cond3A_81 = arith.constant 0 : i32
    %cond3A_82 = arith.cmpi ne, %convert_element_type3A_80, %cond3A_81 : i32
    scf.if %cond3A_82 {
      %jit3A = arith.constant -1.000000e+30 : f32
      %broadcast_in_dim3A_166 = vector.shape_cast %slice3A_70 : vector<1000x1xi1> to vector<1000x1xi1>
      %broadcast_in_dim3A_167 = vector.broadcast %broadcast_in_dim3A_166 : vector<1000x1xi1> to vector<1000x128xi1>
      %broadcast_in_dim3A_168 = vector.broadcast %jit3A : f32 to vector<1000x128xf32>
      %select_n3A = arith.select %broadcast_in_dim3A_167, %dot_general3A_41, %broadcast_in_dim3A_168 : vector<1000x128xi1>, vector<1000x128xf32>
      %reduce_max3A = arith.constant dense<0xFF800000> : vector<128xf32>
      %reduce_max3A_169 = vector.multi_reduction <maximumf>, %select_n3A, %reduce_max3A [0] : vector<1000x128xf32> to vector<128xf32>
      %get3A_170 = arith.constant 1 : index
      %get3A_171 = arith.constant 0 : index
      %get3A_172 = vector.load %arg21[%get3A_170, %get3A_171] : memref<8x128xf32, #tpu.memory_space<vmem>>, vector<1x128xf32>
      %get3A_173 = vector.shape_cast %get3A_172 : vector<1x128xf32> to vector<128xf32>
      %max3A = arith.maximumf %get3A_173, %reduce_max3A_169 : vector<128xf32>
      %sub3A = arith.subf %get3A_173, %max3A : vector<128xf32>
      %exp3A = math.exp %sub3A : vector<128xf32>
      %broadcast_in_dim3A_174 = vector.shape_cast %max3A : vector<128xf32> to vector<1x128xf32>
      %sub3A_175 = vector.broadcast %broadcast_in_dim3A_174 : vector<1x128xf32> to vector<1000x128xf32>
      %sub3A_176 = arith.subf %dot_general3A_41, %sub3A_175 : vector<1000x128xf32>
      %exp3A_177 = math.exp %sub3A_176 : vector<1000x128xf32>
      %jit3A_178 = arith.constant 0.000000e+00 : f32
      %broadcast_in_dim3A_179 = vector.shape_cast %slice3A_70 : vector<1000x1xi1> to vector<1000x1xi1>
      %broadcast_in_dim3A_180 = vector.broadcast %broadcast_in_dim3A_179 : vector<1000x1xi1> to vector<1000x128xi1>
      %broadcast_in_dim3A_181 = vector.broadcast %jit3A_178 : f32 to vector<1000x128xf32>
      %select_n3A_182 = arith.select %broadcast_in_dim3A_180, %exp3A_177, %broadcast_in_dim3A_181 : vector<1000x128xi1>, vector<1000x128xf32>
      %get3A_183 = arith.constant 1 : index
      %get3A_184 = arith.constant 0 : index
      %get3A_185 = vector.load %arg22[%get3A_183, %get3A_184] : memref<8x128xf32, #tpu.memory_space<vmem>>, vector<1x128xf32>
      %get3A_186 = vector.shape_cast %get3A_185 : vector<1x128xf32> to vector<128xf32>
      %mul3A_187 = arith.mulf %get3A_186, %exp3A : vector<128xf32>
      %reduce_sum3A_188 = arith.constant dense<0.000000e+00> : vector<128xf32>
      %reduce_sum3A_189 = vector.multi_reduction <add>, %select_n3A_182, %reduce_sum3A_188 [0] : vector<1000x128xf32> to vector<128xf32>
      %add3A_190 = arith.addf %mul3A_187, %reduce_sum3A_189 : vector<128xf32>
      %swap3A_191 = arith.constant 1 : index
      %swap3A_192 = arith.constant 0 : index
      %swap3A_193 = vector.load %arg22[%swap3A_191, %swap3A_192] : memref<8x128xf32, #tpu.memory_space<vmem>>, vector<1x128xf32>
      %swap3A_194 = vector.shape_cast %swap3A_193 : vector<1x128xf32> to vector<128xf32>
      %swap3A_195 = vector.shape_cast %add3A_190 : vector<128xf32> to vector<1x128xf32>
      tpu.vector_store %arg22[%swap3A_191, %swap3A_192], %swap3A_195 {strides = array<i32>} : memref<8x128xf32, #tpu.memory_space<vmem>>, vector<1x128xf32>,
      %get3A_196 = arith.constant 1 : index
      %get3A_197 = arith.constant 0 : index
      %get3A_198 = arith.constant 0 : index
      %get3A_199 = vector.load %arg23[%get3A_196, %get3A_197, %get3A_198] : memref<8x128x128xf32, #tpu.memory_space<vmem>>, vector<1x128x128xf32>
      %get3A_200 = vector.shape_cast %get3A_199 : vector<1x128x128xf32> to vector<128x128xf32>
      %broadcast_in_dim3A_201 = vector.shape_cast %exp3A : vector<128xf32> to vector<128x1xf32>
      %mul3A_202 = vector.broadcast %broadcast_in_dim3A_201 : vector<128x1xf32> to vector<128x128xf32>
      %mul3A_203 = arith.mulf %get3A_200, %mul3A_202 : vector<128x128xf32>
      %dot_general3A_204 = arith.constant dense<0.000000e+00> : vector<128x128xf32>
      %dot_general3A_205 = tpu.matmul %select_n3A_182, %add3A_36, %dot_general3A_204 {dimension_numbers = #tpu.dot_dimension_numbers<[0], [0], [1], [1], [0, 1, 1, 1], [], []>, transpose_lhs_hint = false} : vector<1000x128xf32>, vector<1000x128xf32>, vector<128x128xf32> -> vector<128x128xf32>
      %add3A_206 = arith.addf %mul3A_203, %dot_general3A_205 : vector<128x128xf32>
      %swap3A_207 = arith.constant 1 : index
      %swap3A_208 = arith.constant 0 : index
      %swap3A_209 = arith.constant 0 : index
      %swap3A_210 = vector.load %arg23[%swap3A_207, %swap3A_208, %swap3A_209] : memref<8x128x128xf32, #tpu.memory_space<vmem>>, vector<1x128x128xf32>
      %swap3A_211 = vector.shape_cast %swap3A_210 : vector<1x128x128xf32> to vector<128x128xf32>
      %swap3A_212 = vector.shape_cast %add3A_206 : vector<128x128xf32> to vector<1x128x128xf32>
      tpu.vector_store %arg23[%swap3A_207, %swap3A_208, %swap3A_209], %swap3A_212 {strides = array<i32>} : memref<8x128x128xf32, #tpu.memory_space<vmem>>, vector<1x128x128xf32>,
      %swap3A_213 = arith.constant 1 : index
      %swap3A_214 = arith.constant 0 : index
      %swap3A_215 = vector.load %arg21[%swap3A_213, %swap3A_214] : memref<8x128xf32, #tpu.memory_space<vmem>>, vector<1x128xf32>
      %swap3A_216 = vector.shape_cast %swap3A_215 : vector<1x128xf32> to vector<128xf32>
      %swap3A_217 = vector.shape_cast %max3A : vector<128xf32> to vector<1x128xf32>
      tpu.vector_store %arg21[%swap3A_213, %swap3A_214], %swap3A_217 {strides = array<i32>} : memref<8x128xf32, #tpu.memory_space<vmem>>, vector<1x128xf32>,
    } else {
    }
    %slice3A_83 = vector.extract_strided_slice %eq3A_48 {offsets = [0, 2], sizes = [1000, 1], strides = [1, 1]} : vector<1000x8xi1> to vector<1000x1xi1>
    %slice3A_84 = vector.extract_strided_slice %convert_element_type3A_50 {offsets = [0, 2], sizes = [1000, 1], strides = [1, 1]} : vector<1000x8xf32> to vector<1000x1xf32>
    %squeeze3A_85 = vector.shape_cast %slice3A_84 : vector<1000x1xf32> to vector<1000xf32>
    %reduce_sum3A_86 = vector.shape_cast %squeeze3A_85 : vector<1000xf32> to vector<1x1000xf32>
    %reduce_sum3A_87 = arith.constant dense<0.000000e+00> : vector<1xf32>
    %reduce_sum3A_88 = vector.multi_reduction <add>, %reduce_sum3A_86, %reduce_sum3A_87 [1] : vector<1x1000xf32> to vector<1xf32>
    %reduce_sum3A_89 = vector.shape_cast %reduce_sum3A_88 : vector<1xf32> to vector<1x1xf32>
    %reduce_sum3A_90 = vector.extract %reduce_sum3A_89[0, 0] : f32 from vector<1x1xf32>
    %gt3A_91 = arith.constant 0.000000e+00 : f32
    %gt3A_92 = arith.cmpf ogt, %reduce_sum3A_90, %gt3A_91 : f32
    %convert_element_type3A_93 = arith.extui %gt3A_92 : i1 to i32
    %cond3A_94 = arith.constant 0 : i32
    %cond3A_95 = arith.cmpi ne, %convert_element_type3A_93, %cond3A_94 : i32
    scf.if %cond3A_95 {
      %jit3A = arith.constant -1.000000e+30 : f32
      %broadcast_in_dim3A_166 = vector.shape_cast %slice3A_83 : vector<1000x1xi1> to vector<1000x1xi1>
      %broadcast_in_dim3A_167 = vector.broadcast %broadcast_in_dim3A_166 : vector<1000x1xi1> to vector<1000x128xi1>
      %broadcast_in_dim3A_168 = vector.broadcast %jit3A : f32 to vector<1000x128xf32>
      %select_n3A = arith.select %broadcast_in_dim3A_167, %dot_general3A_41, %broadcast_in_dim3A_168 : vector<1000x128xi1>, vector<1000x128xf32>
      %reduce_max3A = arith.constant dense<0xFF800000> : vector<128xf32>
      %reduce_max3A_169 = vector.multi_reduction <maximumf>, %select_n3A, %reduce_max3A [0] : vector<1000x128xf32> to vector<128xf32>
      %get3A_170 = arith.constant 2 : index
      %get3A_171 = arith.constant 0 : index
      %get3A_172 = vector.load %arg21[%get3A_170, %get3A_171] : memref<8x128xf32, #tpu.memory_space<vmem>>, vector<1x128xf32>
      %get3A_173 = vector.shape_cast %get3A_172 : vector<1x128xf32> to vector<128xf32>
      %max3A = arith.maximumf %get3A_173, %reduce_max3A_169 : vector<128xf32>
      %sub3A = arith.subf %get3A_173, %max3A : vector<128xf32>
      %exp3A = math.exp %sub3A : vector<128xf32>
      %broadcast_in_dim3A_174 = vector.shape_cast %max3A : vector<128xf32> to vector<1x128xf32>
      %sub3A_175 = vector.broadcast %broadcast_in_dim3A_174 : vector<1x128xf32> to vector<1000x128xf32>
      %sub3A_176 = arith.subf %dot_general3A_41, %sub3A_175 : vector<1000x128xf32>
      %exp3A_177 = math.exp %sub3A_176 : vector<1000x128xf32>
      %jit3A_178 = arith.constant 0.000000e+00 : f32
      %broadcast_in_dim3A_179 = vector.shape_cast %slice3A_83 : vector<1000x1xi1> to vector<1000x1xi1>
      %broadcast_in_dim3A_180 = vector.broadcast %broadcast_in_dim3A_179 : vector<1000x1xi1> to vector<1000x128xi1>
      %broadcast_in_dim3A_181 = vector.broadcast %jit3A_178 : f32 to vector<1000x128xf32>
      %select_n3A_182 = arith.select %broadcast_in_dim3A_180, %exp3A_177, %broadcast_in_dim3A_181 : vector<1000x128xi1>, vector<1000x128xf32>
      %get3A_183 = arith.constant 2 : index
      %get3A_184 = arith.constant 0 : index
      %get3A_185 = vector.load %arg22[%get3A_183, %get3A_184] : memref<8x128xf32, #tpu.memory_space<vmem>>, vector<1x128xf32>
      %get3A_186 = vector.shape_cast %get3A_185 : vector<1x128xf32> to vector<128xf32>
      %mul3A_187 = arith.mulf %get3A_186, %exp3A : vector<128xf32>
      %reduce_sum3A_188 = arith.constant dense<0.000000e+00> : vector<128xf32>
      %reduce_sum3A_189 = vector.multi_reduction <add>, %select_n3A_182, %reduce_sum3A_188 [0] : vector<1000x128xf32> to vector<128xf32>
      %add3A_190 = arith.addf %mul3A_187, %reduce_sum3A_189 : vector<128xf32>
      %swap3A_191 = arith.constant 2 : index
      %swap3A_192 = arith.constant 0 : index
      %swap3A_193 = vector.load %arg22[%swap3A_191, %swap3A_192] : memref<8x128xf32, #tpu.memory_space<vmem>>, vector<1x128xf32>
      %swap3A_194 = vector.shape_cast %swap3A_193 : vector<1x128xf32> to vector<128xf32>
      %swap3A_195 = vector.shape_cast %add3A_190 : vector<128xf32> to vector<1x128xf32>
      tpu.vector_store %arg22[%swap3A_191, %swap3A_192], %swap3A_195 {strides = array<i32>} : memref<8x128xf32, #tpu.memory_space<vmem>>, vector<1x128xf32>,
      %get3A_196 = arith.constant 2 : index
      %get3A_197 = arith.constant 0 : index
      %get3A_198 = arith.constant 0 : index
      %get3A_199 = vector.load %arg23[%get3A_196, %get3A_197, %get3A_198] : memref<8x128x128xf32, #tpu.memory_space<vmem>>, vector<1x128x128xf32>
      %get3A_200 = vector.shape_cast %get3A_199 : vector<1x128x128xf32> to vector<128x128xf32>
      %broadcast_in_dim3A_201 = vector.shape_cast %exp3A : vector<128xf32> to vector<128x1xf32>
      %mul3A_202 = vector.broadcast %broadcast_in_dim3A_201 : vector<128x1xf32> to vector<128x128xf32>
      %mul3A_203 = arith.mulf %get3A_200, %mul3A_202 : vector<128x128xf32>
      %dot_general3A_204 = arith.constant dense<0.000000e+00> : vector<128x128xf32>
      %dot_general3A_205 = tpu.matmul %select_n3A_182, %add3A_36, %dot_general3A_204 {dimension_numbers = #tpu.dot_dimension_numbers<[0], [0], [1], [1], [0, 1, 1, 1], [], []>, transpose_lhs_hint = false} : vector<1000x128xf32>, vector<1000x128xf32>, vector<128x128xf32> -> vector<128x128xf32>
      %add3A_206 = arith.addf %mul3A_203, %dot_general3A_205 : vector<128x128xf32>
      %swap3A_207 = arith.constant 2 : index
      %swap3A_208 = arith.constant 0 : index
      %swap3A_209 = arith.constant 0 : index
      %swap3A_210 = vector.load %arg23[%swap3A_207, %swap3A_208, %swap3A_209] : memref<8x128x128xf32, #tpu.memory_space<vmem>>, vector<1x128x128xf32>
      %swap3A_211 = vector.shape_cast %swap3A_210 : vector<1x128x128xf32> to vector<128x128xf32>
      %swap3A_212 = vector.shape_cast %add3A_206 : vector<128x128xf32> to vector<1x128x128xf32>
      tpu.vector_store %arg23[%swap3A_207, %swap3A_208, %swap3A_209], %swap3A_212 {strides = array<i32>} : memref<8x128x128xf32, #tpu.memory_space<vmem>>, vector<1x128x128xf32>,
      %swap3A_213 = arith.constant 2 : index
      %swap3A_214 = arith.constant 0 : index
      %swap3A_215 = vector.load %arg21[%swap3A_213, %swap3A_214] : memref<8x128xf32, #tpu.memory_space<vmem>>, vector<1x128xf32>
      %swap3A_216 = vector.shape_cast %swap3A_215 : vector<1x128xf32> to vector<128xf32>
      %swap3A_217 = vector.shape_cast %max3A : vector<128xf32> to vector<1x128xf32>
      tpu.vector_store %arg21[%swap3A_213, %swap3A_214], %swap3A_217 {strides = array<i32>} : memref<8x128xf32, #tpu.memory_space<vmem>>, vector<1x128xf32>,
    } else {
    }
    %slice3A_96 = vector.extract_strided_slice %eq3A_48 {offsets = [0, 3], sizes = [1000, 1], strides = [1, 1]} : vector<1000x8xi1> to vector<1000x1xi1>
    %slice3A_97 = vector.extract_strided_slice %convert_element_type3A_50 {offsets = [0, 3], sizes = [1000, 1], strides = [1, 1]} : vector<1000x8xf32> to vector<1000x1xf32>
    %squeeze3A_98 = vector.shape_cast %slice3A_97 : vector<1000x1xf32> to vector<1000xf32>
    %reduce_sum3A_99 = vector.shape_cast %squeeze3A_98 : vector<1000xf32> to vector<1x1000xf32>
    %reduce_sum3A_100 = arith.constant dense<0.000000e+00> : vector<1xf32>
    %reduce_sum3A_101 = vector.multi_reduction <add>, %reduce_sum3A_99, %reduce_sum3A_100 [1] : vector<1x1000xf32> to vector<1xf32>
    %reduce_sum3A_102 = vector.shape_cast %reduce_sum3A_101 : vector<1xf32> to vector<1x1xf32>
    %reduce_sum3A_103 = vector.extract %reduce_sum3A_102[0, 0] : f32 from vector<1x1xf32>
    %gt3A_104 = arith.constant 0.000000e+00 : f32
    %gt3A_105 = arith.cmpf ogt, %reduce_sum3A_103, %gt3A_104 : f32
    %convert_element_type3A_106 = arith.extui %gt3A_105 : i1 to i32
    %cond3A_107 = arith.constant 0 : i32
    %cond3A_108 = arith.cmpi ne, %convert_element_type3A_106, %cond3A_107 : i32
    scf.if %cond3A_108 {
      %jit3A = arith.constant -1.000000e+30 : f32
      %broadcast_in_dim3A_166 = vector.shape_cast %slice3A_96 : vector<1000x1xi1> to vector<1000x1xi1>
      %broadcast_in_dim3A_167 = vector.broadcast %broadcast_in_dim3A_166 : vector<1000x1xi1> to vector<1000x128xi1>
      %broadcast_in_dim3A_168 = vector.broadcast %jit3A : f32 to vector<1000x128xf32>
      %select_n3A = arith.select %broadcast_in_dim3A_167, %dot_general3A_41, %broadcast_in_dim3A_168 : vector<1000x128xi1>, vector<1000x128xf32>
      %reduce_max3A = arith.constant dense<0xFF800000> : vector<128xf32>
      %reduce_max3A_169 = vector.multi_reduction <maximumf>, %select_n3A, %reduce_max3A [0] : vector<1000x128xf32> to vector<128xf32>
      %get3A_170 = arith.constant 3 : index
      %get3A_171 = arith.constant 0 : index
      %get3A_172 = vector.load %arg21[%get3A_170, %get3A_171] : memref<8x128xf32, #tpu.memory_space<vmem>>, vector<1x128xf32>
      %get3A_173 = vector.shape_cast %get3A_172 : vector<1x128xf32> to vector<128xf32>
      %max3A = arith.maximumf %get3A_173, %reduce_max3A_169 : vector<128xf32>
      %sub3A = arith.subf %get3A_173, %max3A : vector<128xf32>
      %exp3A = math.exp %sub3A : vector<128xf32>
      %broadcast_in_dim3A_174 = vector.shape_cast %max3A : vector<128xf32> to vector<1x128xf32>
      %sub3A_175 = vector.broadcast %broadcast_in_dim3A_174 : vector<1x128xf32> to vector<1000x128xf32>
      %sub3A_176 = arith.subf %dot_general3A_41, %sub3A_175 : vector<1000x128xf32>
      %exp3A_177 = math.exp %sub3A_176 : vector<1000x128xf32>
      %jit3A_178 = arith.constant 0.000000e+00 : f32
      %broadcast_in_dim3A_179 = vector.shape_cast %slice3A_96 : vector<1000x1xi1> to vector<1000x1xi1>
      %broadcast_in_dim3A_180 = vector.broadcast %broadcast_in_dim3A_179 : vector<1000x1xi1> to vector<1000x128xi1>
      %broadcast_in_dim3A_181 = vector.broadcast %jit3A_178 : f32 to vector<1000x128xf32>
      %select_n3A_182 = arith.select %broadcast_in_dim3A_180, %exp3A_177, %broadcast_in_dim3A_181 : vector<1000x128xi1>, vector<1000x128xf32>
      %get3A_183 = arith.constant 3 : index
      %get3A_184 = arith.constant 0 : index
      %get3A_185 = vector.load %arg22[%get3A_183, %get3A_184] : memref<8x128xf32, #tpu.memory_space<vmem>>, vector<1x128xf32>
      %get3A_186 = vector.shape_cast %get3A_185 : vector<1x128xf32> to vector<128xf32>
      %mul3A_187 = arith.mulf %get3A_186, %exp3A : vector<128xf32>
      %reduce_sum3A_188 = arith.constant dense<0.000000e+00> : vector<128xf32>
      %reduce_sum3A_189 = vector.multi_reduction <add>, %select_n3A_182, %reduce_sum3A_188 [0] : vector<1000x128xf32> to vector<128xf32>
      %add3A_190 = arith.addf %mul3A_187, %reduce_sum3A_189 : vector<128xf32>
      %swap3A_191 = arith.constant 3 : index
      %swap3A_192 = arith.constant 0 : index
      %swap3A_193 = vector.load %arg22[%swap3A_191, %swap3A_192] : memref<8x128xf32, #tpu.memory_space<vmem>>, vector<1x128xf32>
      %swap3A_194 = vector.shape_cast %swap3A_193 : vector<1x128xf32> to vector<128xf32>
      %swap3A_195 = vector.shape_cast %add3A_190 : vector<128xf32> to vector<1x128xf32>
      tpu.vector_store %arg22[%swap3A_191, %swap3A_192], %swap3A_195 {strides = array<i32>} : memref<8x128xf32, #tpu.memory_space<vmem>>, vector<1x128xf32>,
      %get3A_196 = arith.constant 3 : index
      %get3A_197 = arith.constant 0 : index
      %get3A_198 = arith.constant 0 : index
      %get3A_199 = vector.load %arg23[%get3A_196, %get3A_197, %get3A_198] : memref<8x128x128xf32, #tpu.memory_space<vmem>>, vector<1x128x128xf32>
      %get3A_200 = vector.shape_cast %get3A_199 : vector<1x128x128xf32> to vector<128x128xf32>
      %broadcast_in_dim3A_201 = vector.shape_cast %exp3A : vector<128xf32> to vector<128x1xf32>
      %mul3A_202 = vector.broadcast %broadcast_in_dim3A_201 : vector<128x1xf32> to vector<128x128xf32>
      %mul3A_203 = arith.mulf %get3A_200, %mul3A_202 : vector<128x128xf32>
      %dot_general3A_204 = arith.constant dense<0.000000e+00> : vector<128x128xf32>
      %dot_general3A_205 = tpu.matmul %select_n3A_182, %add3A_36, %dot_general3A_204 {dimension_numbers = #tpu.dot_dimension_numbers<[0], [0], [1], [1], [0, 1, 1, 1], [], []>, transpose_lhs_hint = false} : vector<1000x128xf32>, vector<1000x128xf32>, vector<128x128xf32> -> vector<128x128xf32>
      %add3A_206 = arith.addf %mul3A_203, %dot_general3A_205 : vector<128x128xf32>
      %swap3A_207 = arith.constant 3 : index
      %swap3A_208 = arith.constant 0 : index
      %swap3A_209 = arith.constant 0 : index
      %swap3A_210 = vector.load %arg23[%swap3A_207, %swap3A_208, %swap3A_209] : memref<8x128x128xf32, #tpu.memory_space<vmem>>, vector<1x128x128xf32>
      %swap3A_211 = vector.shape_cast %swap3A_210 : vector<1x128x128xf32> to vector<128x128xf32>
      %swap3A_212 = vector.shape_cast %add3A_206 : vector<128x128xf32> to vector<1x128x128xf32>
      tpu.vector_store %arg23[%swap3A_207, %swap3A_208, %swap3A_209], %swap3A_212 {strides = array<i32>} : memref<8x128x128xf32, #tpu.memory_space<vmem>>, vector<1x128x128xf32>,
      %swap3A_213 = arith.constant 3 : index
      %swap3A_214 = arith.constant 0 : index
      %swap3A_215 = vector.load %arg21[%swap3A_213, %swap3A_214] : memref<8x128xf32, #tpu.memory_space<vmem>>, vector<1x128xf32>
      %swap3A_216 = vector.shape_cast %swap3A_215 : vector<1x128xf32> to vector<128xf32>
      %swap3A_217 = vector.shape_cast %max3A : vector<128xf32> to vector<1x128xf32>
      tpu.vector_store %arg21[%swap3A_213, %swap3A_214], %swap3A_217 {strides = array<i32>} : memref<8x128xf32, #tpu.memory_space<vmem>>, vector<1x128xf32>,
    } else {
    }
    %slice3A_109 = vector.extract_strided_slice %eq3A_48 {offsets = [0, 4], sizes = [1000, 1], strides = [1, 1]} : vector<1000x8xi1> to vector<1000x1xi1>
    %slice3A_110 = vector.extract_strided_slice %convert_element_type3A_50 {offsets = [0, 4], sizes = [1000, 1], strides = [1, 1]} : vector<1000x8xf32> to vector<1000x1xf32>
    %squeeze3A_111 = vector.shape_cast %slice3A_110 : vector<1000x1xf32> to vector<1000xf32>
    %reduce_sum3A_112 = vector.shape_cast %squeeze3A_111 : vector<1000xf32> to vector<1x1000xf32>
    %reduce_sum3A_113 = arith.constant dense<0.000000e+00> : vector<1xf32>
    %reduce_sum3A_114 = vector.multi_reduction <add>, %reduce_sum3A_112, %reduce_sum3A_113 [1] : vector<1x1000xf32> to vector<1xf32>
    %reduce_sum3A_115 = vector.shape_cast %reduce_sum3A_114 : vector<1xf32> to vector<1x1xf32>
    %reduce_sum3A_116 = vector.extract %reduce_sum3A_115[0, 0] : f32 from vector<1x1xf32>
    %gt3A_117 = arith.constant 0.000000e+00 : f32
    %gt3A_118 = arith.cmpf ogt, %reduce_sum3A_116, %gt3A_117 : f32
    %convert_element_type3A_119 = arith.extui %gt3A_118 : i1 to i32
    %cond3A_120 = arith.constant 0 : i32
    %cond3A_121 = arith.cmpi ne, %convert_element_type3A_119, %cond3A_120 : i32
    scf.if %cond3A_121 {
      %jit3A = arith.constant -1.000000e+30 : f32
      %broadcast_in_dim3A_166 = vector.shape_cast %slice3A_109 : vector<1000x1xi1> to vector<1000x1xi1>
      %broadcast_in_dim3A_167 = vector.broadcast %broadcast_in_dim3A_166 : vector<1000x1xi1> to vector<1000x128xi1>
      %broadcast_in_dim3A_168 = vector.broadcast %jit3A : f32 to vector<1000x128xf32>
      %select_n3A = arith.select %broadcast_in_dim3A_167, %dot_general3A_41, %broadcast_in_dim3A_168 : vector<1000x128xi1>, vector<1000x128xf32>
      %reduce_max3A = arith.constant dense<0xFF800000> : vector<128xf32>
      %reduce_max3A_169 = vector.multi_reduction <maximumf>, %select_n3A, %reduce_max3A [0] : vector<1000x128xf32> to vector<128xf32>
      %get3A_170 = arith.constant 4 : index
      %get3A_171 = arith.constant 0 : index
      %get3A_172 = vector.load %arg21[%get3A_170, %get3A_171] : memref<8x128xf32, #tpu.memory_space<vmem>>, vector<1x128xf32>
      %get3A_173 = vector.shape_cast %get3A_172 : vector<1x128xf32> to vector<128xf32>
      %max3A = arith.maximumf %get3A_173, %reduce_max3A_169 : vector<128xf32>
      %sub3A = arith.subf %get3A_173, %max3A : vector<128xf32>
      %exp3A = math.exp %sub3A : vector<128xf32>
      %broadcast_in_dim3A_174 = vector.shape_cast %max3A : vector<128xf32> to vector<1x128xf32>
      %sub3A_175 = vector.broadcast %broadcast_in_dim3A_174 : vector<1x128xf32> to vector<1000x128xf32>
      %sub3A_176 = arith.subf %dot_general3A_41, %sub3A_175 : vector<1000x128xf32>
      %exp3A_177 = math.exp %sub3A_176 : vector<1000x128xf32>
      %jit3A_178 = arith.constant 0.000000e+00 : f32
      %broadcast_in_dim3A_179 = vector.shape_cast %slice3A_109 : vector<1000x1xi1> to vector<1000x1xi1>
      %broadcast_in_dim3A_180 = vector.broadcast %broadcast_in_dim3A_179 : vector<1000x1xi1> to vector<1000x128xi1>
      %broadcast_in_dim3A_181 = vector.broadcast %jit3A_178 : f32 to vector<1000x128xf32>
      %select_n3A_182 = arith.select %broadcast_in_dim3A_180, %exp3A_177, %broadcast_in_dim3A_181 : vector<1000x128xi1>, vector<1000x128xf32>
      %get3A_183 = arith.constant 4 : index
      %get3A_184 = arith.constant 0 : index
      %get3A_185 = vector.load %arg22[%get3A_183, %get3A_184] : memref<8x128xf32, #tpu.memory_space<vmem>>, vector<1x128xf32>
      %get3A_186 = vector.shape_cast %get3A_185 : vector<1x128xf32> to vector<128xf32>
      %mul3A_187 = arith.mulf %get3A_186, %exp3A : vector<128xf32>
      %reduce_sum3A_188 = arith.constant dense<0.000000e+00> : vector<128xf32>
      %reduce_sum3A_189 = vector.multi_reduction <add>, %select_n3A_182, %reduce_sum3A_188 [0] : vector<1000x128xf32> to vector<128xf32>
      %add3A_190 = arith.addf %mul3A_187, %reduce_sum3A_189 : vector<128xf32>
      %swap3A_191 = arith.constant 4 : index
      %swap3A_192 = arith.constant 0 : index
      %swap3A_193 = vector.load %arg22[%swap3A_191, %swap3A_192] : memref<8x128xf32, #tpu.memory_space<vmem>>, vector<1x128xf32>
      %swap3A_194 = vector.shape_cast %swap3A_193 : vector<1x128xf32> to vector<128xf32>
      %swap3A_195 = vector.shape_cast %add3A_190 : vector<128xf32> to vector<1x128xf32>
      tpu.vector_store %arg22[%swap3A_191, %swap3A_192], %swap3A_195 {strides = array<i32>} : memref<8x128xf32, #tpu.memory_space<vmem>>, vector<1x128xf32>,
      %get3A_196 = arith.constant 4 : index
      %get3A_197 = arith.constant 0 : index
      %get3A_198 = arith.constant 0 : index
      %get3A_199 = vector.load %arg23[%get3A_196, %get3A_197, %get3A_198] : memref<8x128x128xf32, #tpu.memory_space<vmem>>, vector<1x128x128xf32>
      %get3A_200 = vector.shape_cast %get3A_199 : vector<1x128x128xf32> to vector<128x128xf32>
      %broadcast_in_dim3A_201 = vector.shape_cast %exp3A : vector<128xf32> to vector<128x1xf32>
      %mul3A_202 = vector.broadcast %broadcast_in_dim3A_201 : vector<128x1xf32> to vector<128x128xf32>
      %mul3A_203 = arith.mulf %get3A_200, %mul3A_202 : vector<128x128xf32>
      %dot_general3A_204 = arith.constant dense<0.000000e+00> : vector<128x128xf32>
      %dot_general3A_205 = tpu.matmul %select_n3A_182, %add3A_36, %dot_general3A_204 {dimension_numbers = #tpu.dot_dimension_numbers<[0], [0], [1], [1], [0, 1, 1, 1], [], []>, transpose_lhs_hint = false} : vector<1000x128xf32>, vector<1000x128xf32>, vector<128x128xf32> -> vector<128x128xf32>
      %add3A_206 = arith.addf %mul3A_203, %dot_general3A_205 : vector<128x128xf32>
      %swap3A_207 = arith.constant 4 : index
      %swap3A_208 = arith.constant 0 : index
      %swap3A_209 = arith.constant 0 : index
      %swap3A_210 = vector.load %arg23[%swap3A_207, %swap3A_208, %swap3A_209] : memref<8x128x128xf32, #tpu.memory_space<vmem>>, vector<1x128x128xf32>
      %swap3A_211 = vector.shape_cast %swap3A_210 : vector<1x128x128xf32> to vector<128x128xf32>
      %swap3A_212 = vector.shape_cast %add3A_206 : vector<128x128xf32> to vector<1x128x128xf32>
      tpu.vector_store %arg23[%swap3A_207, %swap3A_208, %swap3A_209], %swap3A_212 {strides = array<i32>} : memref<8x128x128xf32, #tpu.memory_space<vmem>>, vector<1x128x128xf32>,
      %swap3A_213 = arith.constant 4 : index
      %swap3A_214 = arith.constant 0 : index
      %swap3A_215 = vector.load %arg21[%swap3A_213, %swap3A_214] : memref<8x128xf32, #tpu.memory_space<vmem>>, vector<1x128xf32>
      %swap3A_216 = vector.shape_cast %swap3A_215 : vector<1x128xf32> to vector<128xf32>
      %swap3A_217 = vector.shape_cast %max3A : vector<128xf32> to vector<1x128xf32>
      tpu.vector_store %arg21[%swap3A_213, %swap3A_214], %swap3A_217 {strides = array<i32>} : memref<8x128xf32, #tpu.memory_space<vmem>>, vector<1x128xf32>,
    } else {
    }
    %slice3A_122 = vector.extract_strided_slice %eq3A_48 {offsets = [0, 5], sizes = [1000, 1], strides = [1, 1]} : vector<1000x8xi1> to vector<1000x1xi1>
    %slice3A_123 = vector.extract_strided_slice %convert_element_type3A_50 {offsets = [0, 5], sizes = [1000, 1], strides = [1, 1]} : vector<1000x8xf32> to vector<1000x1xf32>
    %squeeze3A_124 = vector.shape_cast %slice3A_123 : vector<1000x1xf32> to vector<1000xf32>
    %reduce_sum3A_125 = vector.shape_cast %squeeze3A_124 : vector<1000xf32> to vector<1x1000xf32>
    %reduce_sum3A_126 = arith.constant dense<0.000000e+00> : vector<1xf32>
    %reduce_sum3A_127 = vector.multi_reduction <add>, %reduce_sum3A_125, %reduce_sum3A_126 [1] : vector<1x1000xf32> to vector<1xf32>
    %reduce_sum3A_128 = vector.shape_cast %reduce_sum3A_127 : vector<1xf32> to vector<1x1xf32>
    %reduce_sum3A_129 = vector.extract %reduce_sum3A_128[0, 0] : f32 from vector<1x1xf32>
    %gt3A_130 = arith.constant 0.000000e+00 : f32
    %gt3A_131 = arith.cmpf ogt, %reduce_sum3A_129, %gt3A_130 : f32
    %convert_element_type3A_132 = arith.extui %gt3A_131 : i1 to i32
    %cond3A_133 = arith.constant 0 : i32
    %cond3A_134 = arith.cmpi ne, %convert_element_type3A_132, %cond3A_133 : i32
    scf.if %cond3A_134 {
      %jit3A = arith.constant -1.000000e+30 : f32
      %broadcast_in_dim3A_166 = vector.shape_cast %slice3A_122 : vector<1000x1xi1> to vector<1000x1xi1>
      %broadcast_in_dim3A_167 = vector.broadcast %broadcast_in_dim3A_166 : vector<1000x1xi1> to vector<1000x128xi1>
      %broadcast_in_dim3A_168 = vector.broadcast %jit3A : f32 to vector<1000x128xf32>
      %select_n3A = arith.select %broadcast_in_dim3A_167, %dot_general3A_41, %broadcast_in_dim3A_168 : vector<1000x128xi1>, vector<1000x128xf32>
      %reduce_max3A = arith.constant dense<0xFF800000> : vector<128xf32>
      %reduce_max3A_169 = vector.multi_reduction <maximumf>, %select_n3A, %reduce_max3A [0] : vector<1000x128xf32> to vector<128xf32>
      %get3A_170 = arith.constant 5 : index
      %get3A_171 = arith.constant 0 : index
      %get3A_172 = vector.load %arg21[%get3A_170, %get3A_171] : memref<8x128xf32, #tpu.memory_space<vmem>>, vector<1x128xf32>
      %get3A_173 = vector.shape_cast %get3A_172 : vector<1x128xf32> to vector<128xf32>
      %max3A = arith.maximumf %get3A_173, %reduce_max3A_169 : vector<128xf32>
      %sub3A = arith.subf %get3A_173, %max3A : vector<128xf32>
      %exp3A = math.exp %sub3A : vector<128xf32>
      %broadcast_in_dim3A_174 = vector.shape_cast %max3A : vector<128xf32> to vector<1x128xf32>
      %sub3A_175 = vector.broadcast %broadcast_in_dim3A_174 : vector<1x128xf32> to vector<1000x128xf32>
      %sub3A_176 = arith.subf %dot_general3A_41, %sub3A_175 : vector<1000x128xf32>
      %exp3A_177 = math.exp %sub3A_176 : vector<1000x128xf32>
      %jit3A_178 = arith.constant 0.000000e+00 : f32
      %broadcast_in_dim3A_179 = vector.shape_cast %slice3A_122 : vector<1000x1xi1> to vector<1000x1xi1>
      %broadcast_in_dim3A_180 = vector.broadcast %broadcast_in_dim3A_179 : vector<1000x1xi1> to vector<1000x128xi1>
      %broadcast_in_dim3A_181 = vector.broadcast %jit3A_178 : f32 to vector<1000x128xf32>
      %select_n3A_182 = arith.select %broadcast_in_dim3A_180, %exp3A_177, %broadcast_in_dim3A_181 : vector<1000x128xi1>, vector<1000x128xf32>
      %get3A_183 = arith.constant 5 : index
      %get3A_184 = arith.constant 0 : index
      %get3A_185 = vector.load %arg22[%get3A_183, %get3A_184] : memref<8x128xf32, #tpu.memory_space<vmem>>, vector<1x128xf32>
      %get3A_186 = vector.shape_cast %get3A_185 : vector<1x128xf32> to vector<128xf32>
      %mul3A_187 = arith.mulf %get3A_186, %exp3A : vector<128xf32>
      %reduce_sum3A_188 = arith.constant dense<0.000000e+00> : vector<128xf32>
      %reduce_sum3A_189 = vector.multi_reduction <add>, %select_n3A_182, %reduce_sum3A_188 [0] : vector<1000x128xf32> to vector<128xf32>
      %add3A_190 = arith.addf %mul3A_187, %reduce_sum3A_189 : vector<128xf32>
      %swap3A_191 = arith.constant 5 : index
      %swap3A_192 = arith.constant 0 : index
      %swap3A_193 = vector.load %arg22[%swap3A_191, %swap3A_192] : memref<8x128xf32, #tpu.memory_space<vmem>>, vector<1x128xf32>
      %swap3A_194 = vector.shape_cast %swap3A_193 : vector<1x128xf32> to vector<128xf32>
      %swap3A_195 = vector.shape_cast %add3A_190 : vector<128xf32> to vector<1x128xf32>
      tpu.vector_store %arg22[%swap3A_191, %swap3A_192], %swap3A_195 {strides = array<i32>} : memref<8x128xf32, #tpu.memory_space<vmem>>, vector<1x128xf32>,
      %get3A_196 = arith.constant 5 : index
      %get3A_197 = arith.constant 0 : index
      %get3A_198 = arith.constant 0 : index
      %get3A_199 = vector.load %arg23[%get3A_196, %get3A_197, %get3A_198] : memref<8x128x128xf32, #tpu.memory_space<vmem>>, vector<1x128x128xf32>
      %get3A_200 = vector.shape_cast %get3A_199 : vector<1x128x128xf32> to vector<128x128xf32>
      %broadcast_in_dim3A_201 = vector.shape_cast %exp3A : vector<128xf32> to vector<128x1xf32>
      %mul3A_202 = vector.broadcast %broadcast_in_dim3A_201 : vector<128x1xf32> to vector<128x128xf32>
      %mul3A_203 = arith.mulf %get3A_200, %mul3A_202 : vector<128x128xf32>
      %dot_general3A_204 = arith.constant dense<0.000000e+00> : vector<128x128xf32>
      %dot_general3A_205 = tpu.matmul %select_n3A_182, %add3A_36, %dot_general3A_204 {dimension_numbers = #tpu.dot_dimension_numbers<[0], [0], [1], [1], [0, 1, 1, 1], [], []>, transpose_lhs_hint = false} : vector<1000x128xf32>, vector<1000x128xf32>, vector<128x128xf32> -> vector<128x128xf32>
      %add3A_206 = arith.addf %mul3A_203, %dot_general3A_205 : vector<128x128xf32>
      %swap3A_207 = arith.constant 5 : index
      %swap3A_208 = arith.constant 0 : index
      %swap3A_209 = arith.constant 0 : index
      %swap3A_210 = vector.load %arg23[%swap3A_207, %swap3A_208, %swap3A_209] : memref<8x128x128xf32, #tpu.memory_space<vmem>>, vector<1x128x128xf32>
      %swap3A_211 = vector.shape_cast %swap3A_210 : vector<1x128x128xf32> to vector<128x128xf32>
      %swap3A_212 = vector.shape_cast %add3A_206 : vector<128x128xf32> to vector<1x128x128xf32>
      tpu.vector_store %arg23[%swap3A_207, %swap3A_208, %swap3A_209], %swap3A_212 {strides = array<i32>} : memref<8x128x128xf32, #tpu.memory_space<vmem>>, vector<1x128x128xf32>,
      %swap3A_213 = arith.constant 5 : index
      %swap3A_214 = arith.constant 0 : index
      %swap3A_215 = vector.load %arg21[%swap3A_213, %swap3A_214] : memref<8x128xf32, #tpu.memory_space<vmem>>, vector<1x128xf32>
      %swap3A_216 = vector.shape_cast %swap3A_215 : vector<1x128xf32> to vector<128xf32>
      %swap3A_217 = vector.shape_cast %max3A : vector<128xf32> to vector<1x128xf32>
      tpu.vector_store %arg21[%swap3A_213, %swap3A_214], %swap3A_217 {strides = array<i32>} : memref<8x128xf32, #tpu.memory_space<vmem>>, vector<1x128xf32>,
    } else {
    }
    %slice3A_135 = vector.extract_strided_slice %eq3A_48 {offsets = [0, 6], sizes = [1000, 1], strides = [1, 1]} : vector<1000x8xi1> to vector<1000x1xi1>
    %slice3A_136 = vector.extract_strided_slice %convert_element_type3A_50 {offsets = [0, 6], sizes = [1000, 1], strides = [1, 1]} : vector<1000x8xf32> to vector<1000x1xf32>
    %squeeze3A_137 = vector.shape_cast %slice3A_136 : vector<1000x1xf32> to vector<1000xf32>
    %reduce_sum3A_138 = vector.shape_cast %squeeze3A_137 : vector<1000xf32> to vector<1x1000xf32>
    %reduce_sum3A_139 = arith.constant dense<0.000000e+00> : vector<1xf32>
    %reduce_sum3A_140 = vector.multi_reduction <add>, %reduce_sum3A_138, %reduce_sum3A_139 [1] : vector<1x1000xf32> to vector<1xf32>
    %reduce_sum3A_141 = vector.shape_cast %reduce_sum3A_140 : vector<1xf32> to vector<1x1xf32>
    %reduce_sum3A_142 = vector.extract %reduce_sum3A_141[0, 0] : f32 from vector<1x1xf32>
    %gt3A_143 = arith.constant 0.000000e+00 : f32
    %gt3A_144 = arith.cmpf ogt, %reduce_sum3A_142, %gt3A_143 : f32
    %convert_element_type3A_145 = arith.extui %gt3A_144 : i1 to i32
    %cond3A_146 = arith.constant 0 : i32
    %cond3A_147 = arith.cmpi ne, %convert_element_type3A_145, %cond3A_146 : i32
    scf.if %cond3A_147 {
      %jit3A = arith.constant -1.000000e+30 : f32
      %broadcast_in_dim3A_166 = vector.shape_cast %slice3A_135 : vector<1000x1xi1> to vector<1000x1xi1>
      %broadcast_in_dim3A_167 = vector.broadcast %broadcast_in_dim3A_166 : vector<1000x1xi1> to vector<1000x128xi1>
      %broadcast_in_dim3A_168 = vector.broadcast %jit3A : f32 to vector<1000x128xf32>
      %select_n3A = arith.select %broadcast_in_dim3A_167, %dot_general3A_41, %broadcast_in_dim3A_168 : vector<1000x128xi1>, vector<1000x128xf32>
      %reduce_max3A = arith.constant dense<0xFF800000> : vector<128xf32>
      %reduce_max3A_169 = vector.multi_reduction <maximumf>, %select_n3A, %reduce_max3A [0] : vector<1000x128xf32> to vector<128xf32>
      %get3A_170 = arith.constant 6 : index
      %get3A_171 = arith.constant 0 : index
      %get3A_172 = vector.load %arg21[%get3A_170, %get3A_171] : memref<8x128xf32, #tpu.memory_space<vmem>>, vector<1x128xf32>
      %get3A_173 = vector.shape_cast %get3A_172 : vector<1x128xf32> to vector<128xf32>
      %max3A = arith.maximumf %get3A_173, %reduce_max3A_169 : vector<128xf32>
      %sub3A = arith.subf %get3A_173, %max3A : vector<128xf32>
      %exp3A = math.exp %sub3A : vector<128xf32>
      %broadcast_in_dim3A_174 = vector.shape_cast %max3A : vector<128xf32> to vector<1x128xf32>
      %sub3A_175 = vector.broadcast %broadcast_in_dim3A_174 : vector<1x128xf32> to vector<1000x128xf32>
      %sub3A_176 = arith.subf %dot_general3A_41, %sub3A_175 : vector<1000x128xf32>
      %exp3A_177 = math.exp %sub3A_176 : vector<1000x128xf32>
      %jit3A_178 = arith.constant 0.000000e+00 : f32
      %broadcast_in_dim3A_179 = vector.shape_cast %slice3A_135 : vector<1000x1xi1> to vector<1000x1xi1>
      %broadcast_in_dim3A_180 = vector.broadcast %broadcast_in_dim3A_179 : vector<1000x1xi1> to vector<1000x128xi1>
      %broadcast_in_dim3A_181 = vector.broadcast %jit3A_178 : f32 to vector<1000x128xf32>
      %select_n3A_182 = arith.select %broadcast_in_dim3A_180, %exp3A_177, %broadcast_in_dim3A_181 : vector<1000x128xi1>, vector<1000x128xf32>
      %get3A_183 = arith.constant 6 : index
      %get3A_184 = arith.constant 0 : index
      %get3A_185 = vector.load %arg22[%get3A_183, %get3A_184] : memref<8x128xf32, #tpu.memory_space<vmem>>, vector<1x128xf32>
      %get3A_186 = vector.shape_cast %get3A_185 : vector<1x128xf32> to vector<128xf32>
      %mul3A_187 = arith.mulf %get3A_186, %exp3A : vector<128xf32>
      %reduce_sum3A_188 = arith.constant dense<0.000000e+00> : vector<128xf32>
      %reduce_sum3A_189 = vector.multi_reduction <add>, %select_n3A_182, %reduce_sum3A_188 [0] : vector<1000x128xf32> to vector<128xf32>
      %add3A_190 = arith.addf %mul3A_187, %reduce_sum3A_189 : vector<128xf32>
      %swap3A_191 = arith.constant 6 : index
      %swap3A_192 = arith.constant 0 : index
      %swap3A_193 = vector.load %arg22[%swap3A_191, %swap3A_192] : memref<8x128xf32, #tpu.memory_space<vmem>>, vector<1x128xf32>
      %swap3A_194 = vector.shape_cast %swap3A_193 : vector<1x128xf32> to vector<128xf32>
      %swap3A_195 = vector.shape_cast %add3A_190 : vector<128xf32> to vector<1x128xf32>
      tpu.vector_store %arg22[%swap3A_191, %swap3A_192], %swap3A_195 {strides = array<i32>} : memref<8x128xf32, #tpu.memory_space<vmem>>, vector<1x128xf32>,
      %get3A_196 = arith.constant 6 : index
      %get3A_197 = arith.constant 0 : index
      %get3A_198 = arith.constant 0 : index
      %get3A_199 = vector.load %arg23[%get3A_196, %get3A_197, %get3A_198] : memref<8x128x128xf32, #tpu.memory_space<vmem>>, vector<1x128x128xf32>
      %get3A_200 = vector.shape_cast %get3A_199 : vector<1x128x128xf32> to vector<128x128xf32>
      %broadcast_in_dim3A_201 = vector.shape_cast %exp3A : vector<128xf32> to vector<128x1xf32>
      %mul3A_202 = vector.broadcast %broadcast_in_dim3A_201 : vector<128x1xf32> to vector<128x128xf32>
      %mul3A_203 = arith.mulf %get3A_200, %mul3A_202 : vector<128x128xf32>
      %dot_general3A_204 = arith.constant dense<0.000000e+00> : vector<128x128xf32>
      %dot_general3A_205 = tpu.matmul %select_n3A_182, %add3A_36, %dot_general3A_204 {dimension_numbers = #tpu.dot_dimension_numbers<[0], [0], [1], [1], [0, 1, 1, 1], [], []>, transpose_lhs_hint = false} : vector<1000x128xf32>, vector<1000x128xf32>, vector<128x128xf32> -> vector<128x128xf32>
      %add3A_206 = arith.addf %mul3A_203, %dot_general3A_205 : vector<128x128xf32>
      %swap3A_207 = arith.constant 6 : index
      %swap3A_208 = arith.constant 0 : index
      %swap3A_209 = arith.constant 0 : index
      %swap3A_210 = vector.load %arg23[%swap3A_207, %swap3A_208, %swap3A_209] : memref<8x128x128xf32, #tpu.memory_space<vmem>>, vector<1x128x128xf32>
      %swap3A_211 = vector.shape_cast %swap3A_210 : vector<1x128x128xf32> to vector<128x128xf32>
      %swap3A_212 = vector.shape_cast %add3A_206 : vector<128x128xf32> to vector<1x128x128xf32>
      tpu.vector_store %arg23[%swap3A_207, %swap3A_208, %swap3A_209], %swap3A_212 {strides = array<i32>} : memref<8x128x128xf32, #tpu.memory_space<vmem>>, vector<1x128x128xf32>,
      %swap3A_213 = arith.constant 6 : index
      %swap3A_214 = arith.constant 0 : index
      %swap3A_215 = vector.load %arg21[%swap3A_213, %swap3A_214] : memref<8x128xf32, #tpu.memory_space<vmem>>, vector<1x128xf32>
      %swap3A_216 = vector.shape_cast %swap3A_215 : vector<1x128xf32> to vector<128xf32>
      %swap3A_217 = vector.shape_cast %max3A : vector<128xf32> to vector<1x128xf32>
      tpu.vector_store %arg21[%swap3A_213, %swap3A_214], %swap3A_217 {strides = array<i32>} : memref<8x128xf32, #tpu.memory_space<vmem>>, vector<1x128xf32>,
    } else {
    }
    %slice3A_148 = vector.extract_strided_slice %eq3A_48 {offsets = [0, 7], sizes = [1000, 1], strides = [1, 1]} : vector<1000x8xi1> to vector<1000x1xi1>
    %slice3A_149 = vector.extract_strided_slice %convert_element_type3A_50 {offsets = [0, 7], sizes = [1000, 1], strides = [1, 1]} : vector<1000x8xf32> to vector<1000x1xf32>
    %squeeze3A_150 = vector.shape_cast %slice3A_149 : vector<1000x1xf32> to vector<1000xf32>
    %reduce_sum3A_151 = vector.shape_cast %squeeze3A_150 : vector<1000xf32> to vector<1x1000xf32>
    %reduce_sum3A_152 = arith.constant dense<0.000000e+00> : vector<1xf32>
    %reduce_sum3A_153 = vector.multi_reduction <add>, %reduce_sum3A_151, %reduce_sum3A_152 [1] : vector<1x1000xf32> to vector<1xf32>
    %reduce_sum3A_154 = vector.shape_cast %reduce_sum3A_153 : vector<1xf32> to vector<1x1xf32>
    %reduce_sum3A_155 = vector.extract %reduce_sum3A_154[0, 0] : f32 from vector<1x1xf32>
    %gt3A_156 = arith.constant 0.000000e+00 : f32
    %gt3A_157 = arith.cmpf ogt, %reduce_sum3A_155, %gt3A_156 : f32
    %convert_element_type3A_158 = arith.extui %gt3A_157 : i1 to i32
    %cond3A_159 = arith.constant 0 : i32
    %cond3A_160 = arith.cmpi ne, %convert_element_type3A_158, %cond3A_159 : i32
    scf.if %cond3A_160 {
      %jit3A = arith.constant -1.000000e+30 : f32
      %broadcast_in_dim3A_166 = vector.shape_cast %slice3A_148 : vector<1000x1xi1> to vector<1000x1xi1>
      %broadcast_in_dim3A_167 = vector.broadcast %broadcast_in_dim3A_166 : vector<1000x1xi1> to vector<1000x128xi1>
      %broadcast_in_dim3A_168 = vector.broadcast %jit3A : f32 to vector<1000x128xf32>
      %select_n3A = arith.select %broadcast_in_dim3A_167, %dot_general3A_41, %broadcast_in_dim3A_168 : vector<1000x128xi1>, vector<1000x128xf32>
      %reduce_max3A = arith.constant dense<0xFF800000> : vector<128xf32>
      %reduce_max3A_169 = vector.multi_reduction <maximumf>, %select_n3A, %reduce_max3A [0] : vector<1000x128xf32> to vector<128xf32>
      %get3A_170 = arith.constant 7 : index
      %get3A_171 = arith.constant 0 : index
      %get3A_172 = vector.load %arg21[%get3A_170, %get3A_171] : memref<8x128xf32, #tpu.memory_space<vmem>>, vector<1x128xf32>
      %get3A_173 = vector.shape_cast %get3A_172 : vector<1x128xf32> to vector<128xf32>
      %max3A = arith.maximumf %get3A_173, %reduce_max3A_169 : vector<128xf32>
      %sub3A = arith.subf %get3A_173, %max3A : vector<128xf32>
      %exp3A = math.exp %sub3A : vector<128xf32>
      %broadcast_in_dim3A_174 = vector.shape_cast %max3A : vector<128xf32> to vector<1x128xf32>
      %sub3A_175 = vector.broadcast %broadcast_in_dim3A_174 : vector<1x128xf32> to vector<1000x128xf32>
      %sub3A_176 = arith.subf %dot_general3A_41, %sub3A_175 : vector<1000x128xf32>
      %exp3A_177 = math.exp %sub3A_176 : vector<1000x128xf32>
      %jit3A_178 = arith.constant 0.000000e+00 : f32
      %broadcast_in_dim3A_179 = vector.shape_cast %slice3A_148 : vector<1000x1xi1> to vector<1000x1xi1>
      %broadcast_in_dim3A_180 = vector.broadcast %broadcast_in_dim3A_179 : vector<1000x1xi1> to vector<1000x128xi1>
      %broadcast_in_dim3A_181 = vector.broadcast %jit3A_178 : f32 to vector<1000x128xf32>
      %select_n3A_182 = arith.select %broadcast_in_dim3A_180, %exp3A_177, %broadcast_in_dim3A_181 : vector<1000x128xi1>, vector<1000x128xf32>
      %get3A_183 = arith.constant 7 : index
      %get3A_184 = arith.constant 0 : index
      %get3A_185 = vector.load %arg22[%get3A_183, %get3A_184] : memref<8x128xf32, #tpu.memory_space<vmem>>, vector<1x128xf32>
      %get3A_186 = vector.shape_cast %get3A_185 : vector<1x128xf32> to vector<128xf32>
      %mul3A_187 = arith.mulf %get3A_186, %exp3A : vector<128xf32>
      %reduce_sum3A_188 = arith.constant dense<0.000000e+00> : vector<128xf32>
      %reduce_sum3A_189 = vector.multi_reduction <add>, %select_n3A_182, %reduce_sum3A_188 [0] : vector<1000x128xf32> to vector<128xf32>
      %add3A_190 = arith.addf %mul3A_187, %reduce_sum3A_189 : vector<128xf32>
      %swap3A_191 = arith.constant 7 : index
      %swap3A_192 = arith.constant 0 : index
      %swap3A_193 = vector.load %arg22[%swap3A_191, %swap3A_192] : memref<8x128xf32, #tpu.memory_space<vmem>>, vector<1x128xf32>
      %swap3A_194 = vector.shape_cast %swap3A_193 : vector<1x128xf32> to vector<128xf32>
      %swap3A_195 = vector.shape_cast %add3A_190 : vector<128xf32> to vector<1x128xf32>
      tpu.vector_store %arg22[%swap3A_191, %swap3A_192], %swap3A_195 {strides = array<i32>} : memref<8x128xf32, #tpu.memory_space<vmem>>, vector<1x128xf32>,
      %get3A_196 = arith.constant 7 : index
      %get3A_197 = arith.constant 0 : index
      %get3A_198 = arith.constant 0 : index
      %get3A_199 = vector.load %arg23[%get3A_196, %get3A_197, %get3A_198] : memref<8x128x128xf32, #tpu.memory_space<vmem>>, vector<1x128x128xf32>
      %get3A_200 = vector.shape_cast %get3A_199 : vector<1x128x128xf32> to vector<128x128xf32>
      %broadcast_in_dim3A_201 = vector.shape_cast %exp3A : vector<128xf32> to vector<128x1xf32>
      %mul3A_202 = vector.broadcast %broadcast_in_dim3A_201 : vector<128x1xf32> to vector<128x128xf32>
      %mul3A_203 = arith.mulf %get3A_200, %mul3A_202 : vector<128x128xf32>
      %dot_general3A_204 = arith.constant dense<0.000000e+00> : vector<128x128xf32>
      %dot_general3A_205 = tpu.matmul %select_n3A_182, %add3A_36, %dot_general3A_204 {dimension_numbers = #tpu.dot_dimension_numbers<[0], [0], [1], [1], [0, 1, 1, 1], [], []>, transpose_lhs_hint = false} : vector<1000x128xf32>, vector<1000x128xf32>, vector<128x128xf32> -> vector<128x128xf32>
      %add3A_206 = arith.addf %mul3A_203, %dot_general3A_205 : vector<128x128xf32>
      %swap3A_207 = arith.constant 7 : index
      %swap3A_208 = arith.constant 0 : index
      %swap3A_209 = arith.constant 0 : index
      %swap3A_210 = vector.load %arg23[%swap3A_207, %swap3A_208, %swap3A_209] : memref<8x128x128xf32, #tpu.memory_space<vmem>>, vector<1x128x128xf32>
      %swap3A_211 = vector.shape_cast %swap3A_210 : vector<1x128x128xf32> to vector<128x128xf32>
      %swap3A_212 = vector.shape_cast %add3A_206 : vector<128x128xf32> to vector<1x128x128xf32>
      tpu.vector_store %arg23[%swap3A_207, %swap3A_208, %swap3A_209], %swap3A_212 {strides = array<i32>} : memref<8x128x128xf32, #tpu.memory_space<vmem>>, vector<1x128x128xf32>,
      %swap3A_213 = arith.constant 7 : index
      %swap3A_214 = arith.constant 0 : index
      %swap3A_215 = vector.load %arg21[%swap3A_213, %swap3A_214] : memref<8x128xf32, #tpu.memory_space<vmem>>, vector<1x128xf32>
      %swap3A_216 = vector.shape_cast %swap3A_215 : vector<1x128xf32> to vector<128xf32>
      %swap3A_217 = vector.shape_cast %max3A : vector<128xf32> to vector<1x128xf32>
      tpu.vector_store %arg21[%swap3A_213, %swap3A_214], %swap3A_217 {strides = array<i32>} : memref<8x128xf32, #tpu.memory_space<vmem>>, vector<1x128xf32>,
    } else {
    }
    %eq3A_161 = arith.constant 9 : i32
    %eq3A_162 = arith.cmpi eq, %arg0, %eq3A_161 : i32
    %convert_element_type3A_163 = arith.extui %eq3A_162 : i1 to i32
    %cond3A_164 = arith.constant 0 : i32
    %cond3A_165 = arith.cmpi ne, %convert_element_type3A_163, %cond3A_164 : i32
    scf.if %cond3A_165 {
      %get3A_166 = arith.constant 0 : index
      %get3A_167 = arith.constant 0 : index
      %get3A_168 = vector.load %arg24[%get3A_166, %get3A_167] : memref<8x128xf32, #tpu.memory_space<vmem>>, vector<8x128xf32>
      %slice3A_169 = vector.extract_strided_slice %get3A_168 {offsets = [0, 0], sizes = [8, 1], strides = [1, 1]} : vector<8x128xf32> to vector<8x1xf32>
      %squeeze3A_170 = vector.shape_cast %slice3A_169 : vector<8x1xf32> to vector<8xf32>
      %reduce_max3A = vector.shape_cast %squeeze3A_170 : vector<8xf32> to vector<1x8xf32>
      %reduce_max3A_171 = arith.constant dense<0xFF800000> : vector<1xf32>
      %reduce_max3A_172 = vector.multi_reduction <maximumf>, %reduce_max3A, %reduce_max3A_171 [1] : vector<1x8xf32> to vector<1xf32>
      %reduce_max3A_173 = vector.shape_cast %reduce_max3A_172 : vector<1xf32> to vector<1x1xf32>
      %reduce_max3A_174 = vector.extract %reduce_max3A_173[0, 0] : f32 from vector<1x1xf32>
      %sub3A = vector.broadcast %reduce_max3A_174 : f32 to vector<8xf32>
      %sub3A_175 = arith.subf %sub3A, %squeeze3A_170 : vector<8xf32>
      %get3A_176 = arith.constant 0 : index
      %get3A_177 = arith.constant 0 : index
      %get3A_178 = vector.load %arg21[%get3A_176, %get3A_177] : memref<8x128xf32, #tpu.memory_space<vmem>>, vector<8x128xf32>
      %broadcast_in_dim3A_179 = vector.shape_cast %sub3A_175 : vector<8xf32> to vector<8x1xf32>
      %gt3A_180 = arith.constant 0.000000e+00 : f32
      %gt3A_181 = vector.broadcast %gt3A_180 : f32 to vector<8x1xf32>
      %gt3A_182 = arith.cmpf ogt, %broadcast_in_dim3A_179, %gt3A_181 : vector<8x1xf32>
      %broadcast_in_dim3A_183 = vector.shape_cast %sub3A_175 : vector<8xf32> to vector<8x1xf32>
      %neg3A = arith.constant 0.000000e+00 : f32
      %neg3A_184 = vector.broadcast %neg3A : f32 to vector<8x128xf32>
      %neg3A_185 = arith.subf %neg3A_184, %get3A_178 : vector<8x128xf32>
      %exp3A = math.exp %neg3A_185 : vector<8x128xf32>
      %mul3A_186 = vector.broadcast %broadcast_in_dim3A_183 : vector<8x1xf32> to vector<8x128xf32>
      %mul3A_187 = arith.mulf %mul3A_186, %exp3A : vector<8x128xf32>
      %jit3A = arith.constant 0.000000e+00 : f32
      %broadcast_in_dim3A_188 = vector.shape_cast %gt3A_182 : vector<8x1xi1> to vector<8x1xi1>
      %broadcast_in_dim3A_189 = vector.broadcast %broadcast_in_dim3A_188 : vector<8x1xi1> to vector<8x128xi1>
      %broadcast_in_dim3A_190 = vector.broadcast %jit3A : f32 to vector<8x128xf32>
      %select_n3A = arith.select %broadcast_in_dim3A_189, %mul3A_187, %broadcast_in_dim3A_190 : vector<8x128xi1>, vector<8x128xf32>
      %get3A_191 = arith.constant 0 : index
      %get3A_192 = arith.constant 0 : index
      %get3A_193 = vector.load %arg22[%get3A_191, %get3A_192] : memref<8x128xf32, #tpu.memory_space<vmem>>, vector<8x128xf32>
      %add3A_194 = arith.addf %get3A_193, %select_n3A : vector<8x128xf32>
      %get3A_195 = arith.constant 0 : index
      %get3A_196 = arith.constant 0 : index
      %get3A_197 = arith.constant 0 : index
      %get3A_198 = vector.load %arg23[%get3A_195, %get3A_196, %get3A_197] : memref<8x128x128xf32, #tpu.memory_space<vmem>>, vector<1x16x16xf32>
      %get3A_199 = vector.shape_cast %get3A_198 : vector<1x16x16xf32> to vector<16x16xf32>
      %slice3A_200 = vector.extract_strided_slice %add3A_194 {offsets = [0, 0], sizes = [1, 16], strides = [1, 1]} : vector<8x128xf32> to vector<1x16xf32>
      %squeeze3A_201 = vector.shape_cast %slice3A_200 : vector<1x16xf32> to vector<16xf32>
      %broadcast_in_dim3A_202 = vector.shape_cast %squeeze3A_201 : vector<16xf32> to vector<16x1xf32>
      %div3A = vector.broadcast %broadcast_in_dim3A_202 : vector<16x1xf32> to vector<16x16xf32>
      %div3A_203 = arith.divf %get3A_199, %div3A : vector<16x16xf32>
      %get3A_204 = arith.constant 0 : index
      %get3A_205 = arith.constant 16 : index
      %get3A_206 = arith.constant 16 : index
      %get3A_207 = vector.load %arg23[%get3A_204, %get3A_205, %get3A_206] : memref<8x128x128xf32, #tpu.memory_space<vmem>>, vector<1x16x16xf32>
      %get3A_208 = vector.shape_cast %get3A_207 : vector<1x16x16xf32> to vector<16x16xf32>
      %slice3A_209 = vector.extract_strided_slice %add3A_194 {offsets = [0, 16], sizes = [1, 16], strides = [1, 1]} : vector<8x128xf32> to vector<1x16xf32>
      %squeeze3A_210 = vector.shape_cast %slice3A_209 : vector<1x16xf32> to vector<16xf32>
      %broadcast_in_dim3A_211 = vector.shape_cast %squeeze3A_210 : vector<16xf32> to vector<16x1xf32>
      %div3A_212 = vector.broadcast %broadcast_in_dim3A_211 : vector<16x1xf32> to vector<16x16xf32>
      %div3A_213 = arith.divf %get3A_208, %div3A_212 : vector<16x16xf32>
      %get3A_214 = arith.constant 0 : index
      %get3A_215 = arith.constant 32 : index
      %get3A_216 = arith.constant 32 : index
      %get3A_217 = vector.load %arg23[%get3A_214, %get3A_215, %get3A_216] : memref<8x128x128xf32, #tpu.memory_space<vmem>>, vector<1x16x16xf32>
      %get3A_218 = vector.shape_cast %get3A_217 : vector<1x16x16xf32> to vector<16x16xf32>
      %slice3A_219 = vector.extract_strided_slice %add3A_194 {offsets = [0, 32], sizes = [1, 16], strides = [1, 1]} : vector<8x128xf32> to vector<1x16xf32>
      %squeeze3A_220 = vector.shape_cast %slice3A_219 : vector<1x16xf32> to vector<16xf32>
      %broadcast_in_dim3A_221 = vector.shape_cast %squeeze3A_220 : vector<16xf32> to vector<16x1xf32>
      %div3A_222 = vector.broadcast %broadcast_in_dim3A_221 : vector<16x1xf32> to vector<16x16xf32>
      %div3A_223 = arith.divf %get3A_218, %div3A_222 : vector<16x16xf32>
      %get3A_224 = arith.constant 0 : index
      %get3A_225 = arith.constant 48 : index
      %get3A_226 = arith.constant 48 : index
      %get3A_227 = vector.load %arg23[%get3A_224, %get3A_225, %get3A_226] : memref<8x128x128xf32, #tpu.memory_space<vmem>>, vector<1x16x16xf32>
      %get3A_228 = vector.shape_cast %get3A_227 : vector<1x16x16xf32> to vector<16x16xf32>
      %slice3A_229 = vector.extract_strided_slice %add3A_194 {offsets = [0, 48], sizes = [1, 16], strides = [1, 1]} : vector<8x128xf32> to vector<1x16xf32>
      %squeeze3A_230 = vector.shape_cast %slice3A_229 : vector<1x16xf32> to vector<16xf32>
      %broadcast_in_dim3A_231 = vector.shape_cast %squeeze3A_230 : vector<16xf32> to vector<16x1xf32>
      %div3A_232 = vector.broadcast %broadcast_in_dim3A_231 : vector<16x1xf32> to vector<16x16xf32>
      %div3A_233 = arith.divf %get3A_228, %div3A_232 : vector<16x16xf32>
      %get3A_234 = arith.constant 0 : index
      %get3A_235 = arith.constant 64 : index
      %get3A_236 = arith.constant 64 : index
      %get3A_237 = vector.load %arg23[%get3A_234, %get3A_235, %get3A_236] : memref<8x128x128xf32, #tpu.memory_space<vmem>>, vector<1x16x16xf32>
      %get3A_238 = vector.shape_cast %get3A_237 : vector<1x16x16xf32> to vector<16x16xf32>
      %slice3A_239 = vector.extract_strided_slice %add3A_194 {offsets = [0, 64], sizes = [1, 16], strides = [1, 1]} : vector<8x128xf32> to vector<1x16xf32>
      %squeeze3A_240 = vector.shape_cast %slice3A_239 : vector<1x16xf32> to vector<16xf32>
      %broadcast_in_dim3A_241 = vector.shape_cast %squeeze3A_240 : vector<16xf32> to vector<16x1xf32>
      %div3A_242 = vector.broadcast %broadcast_in_dim3A_241 : vector<16x1xf32> to vector<16x16xf32>
      %div3A_243 = arith.divf %get3A_238, %div3A_242 : vector<16x16xf32>
      %get3A_244 = arith.constant 0 : index
      %get3A_245 = arith.constant 80 : index
      %get3A_246 = arith.constant 80 : index
      %get3A_247 = vector.load %arg23[%get3A_244, %get3A_245, %get3A_246] : memref<8x128x128xf32, #tpu.memory_space<vmem>>, vector<1x16x16xf32>
      %get3A_248 = vector.shape_cast %get3A_247 : vector<1x16x16xf32> to vector<16x16xf32>
      %slice3A_249 = vector.extract_strided_slice %add3A_194 {offsets = [0, 80], sizes = [1, 16], strides = [1, 1]} : vector<8x128xf32> to vector<1x16xf32>
      %squeeze3A_250 = vector.shape_cast %slice3A_249 : vector<1x16xf32> to vector<16xf32>
      %broadcast_in_dim3A_251 = vector.shape_cast %squeeze3A_250 : vector<16xf32> to vector<16x1xf32>
      %div3A_252 = vector.broadcast %broadcast_in_dim3A_251 : vector<16x1xf32> to vector<16x16xf32>
      %div3A_253 = arith.divf %get3A_248, %div3A_252 : vector<16x16xf32>
      %get3A_254 = arith.constant 0 : index
      %get3A_255 = arith.constant 96 : index
      %get3A_256 = arith.constant 96 : index
      %get3A_257 = vector.load %arg23[%get3A_254, %get3A_255, %get3A_256] : memref<8x128x128xf32, #tpu.memory_space<vmem>>, vector<1x16x16xf32>
      %get3A_258 = vector.shape_cast %get3A_257 : vector<1x16x16xf32> to vector<16x16xf32>
      %slice3A_259 = vector.extract_strided_slice %add3A_194 {offsets = [0, 96], sizes = [1, 16], strides = [1, 1]} : vector<8x128xf32> to vector<1x16xf32>
      %squeeze3A_260 = vector.shape_cast %slice3A_259 : vector<1x16xf32> to vector<16xf32>
      %broadcast_in_dim3A_261 = vector.shape_cast %squeeze3A_260 : vector<16xf32> to vector<16x1xf32>
      %div3A_262 = vector.broadcast %broadcast_in_dim3A_261 : vector<16x1xf32> to vector<16x16xf32>
      %div3A_263 = arith.divf %get3A_258, %div3A_262 : vector<16x16xf32>
      %get3A_264 = arith.constant 0 : index
      %get3A_265 = arith.constant 112 : index
      %get3A_266 = arith.constant 112 : index
      %get3A_267 = vector.load %arg23[%get3A_264, %get3A_265, %get3A_266] : memref<8x128x128xf32, #tpu.memory_space<vmem>>, vector<1x16x16xf32>
      %get3A_268 = vector.shape_cast %get3A_267 : vector<1x16x16xf32> to vector<16x16xf32>
      %slice3A_269 = vector.extract_strided_slice %add3A_194 {offsets = [0, 112], sizes = [1, 16], strides = [1, 1]} : vector<8x128xf32> to vector<1x16xf32>
      %squeeze3A_270 = vector.shape_cast %slice3A_269 : vector<1x16xf32> to vector<16xf32>
      %broadcast_in_dim3A_271 = vector.shape_cast %squeeze3A_270 : vector<16xf32> to vector<16x1xf32>
      %div3A_272 = vector.broadcast %broadcast_in_dim3A_271 : vector<16x1xf32> to vector<16x16xf32>
      %div3A_273 = arith.divf %get3A_268, %div3A_272 : vector<16x16xf32>
      %concatenate3A = tpu.concatenate %div3A_203, %div3A_213, %div3A_223, %div3A_233, %div3A_243, %div3A_253, %div3A_263, %div3A_273 in 1 : vector<16x16xf32>, vector<16x16xf32>, vector<16x16xf32>, vector<16x16xf32>, vector<16x16xf32>, vector<16x16xf32>, vector<16x16xf32>, vector<16x16xf32> -> vector<16x128xf32>
      %get3A_274 = arith.constant 1 : index
      %get3A_275 = arith.constant 0 : index
      %get3A_276 = arith.constant 0 : index
      %get3A_277 = vector.load %arg23[%get3A_274, %get3A_275, %get3A_276] : memref<8x128x128xf32, #tpu.memory_space<vmem>>, vector<1x16x16xf32>
      %get3A_278 = vector.shape_cast %get3A_277 : vector<1x16x16xf32> to vector<16x16xf32>
      %slice3A_279 = vector.extract_strided_slice %add3A_194 {offsets = [1, 0], sizes = [1, 16], strides = [1, 1]} : vector<8x128xf32> to vector<1x16xf32>
      %squeeze3A_280 = vector.shape_cast %slice3A_279 : vector<1x16xf32> to vector<16xf32>
      %broadcast_in_dim3A_281 = vector.shape_cast %squeeze3A_280 : vector<16xf32> to vector<16x1xf32>
      %div3A_282 = vector.broadcast %broadcast_in_dim3A_281 : vector<16x1xf32> to vector<16x16xf32>
      %div3A_283 = arith.divf %get3A_278, %div3A_282 : vector<16x16xf32>
      %get3A_284 = arith.constant 1 : index
      %get3A_285 = arith.constant 16 : index
      %get3A_286 = arith.constant 16 : index
      %get3A_287 = vector.load %arg23[%get3A_284, %get3A_285, %get3A_286] : memref<8x128x128xf32, #tpu.memory_space<vmem>>, vector<1x16x16xf32>
      %get3A_288 = vector.shape_cast %get3A_287 : vector<1x16x16xf32> to vector<16x16xf32>
      %slice3A_289 = vector.extract_strided_slice %add3A_194 {offsets = [1, 16], sizes = [1, 16], strides = [1, 1]} : vector<8x128xf32> to vector<1x16xf32>
      %squeeze3A_290 = vector.shape_cast %slice3A_289 : vector<1x16xf32> to vector<16xf32>
      %broadcast_in_dim3A_291 = vector.shape_cast %squeeze3A_290 : vector<16xf32> to vector<16x1xf32>
      %div3A_292 = vector.broadcast %broadcast_in_dim3A_291 : vector<16x1xf32> to vector<16x16xf32>
      %div3A_293 = arith.divf %get3A_288, %div3A_292 : vector<16x16xf32>
      %get3A_294 = arith.constant 1 : index
      %get3A_295 = arith.constant 32 : index
      %get3A_296 = arith.constant 32 : index
      %get3A_297 = vector.load %arg23[%get3A_294, %get3A_295, %get3A_296] : memref<8x128x128xf32, #tpu.memory_space<vmem>>, vector<1x16x16xf32>
      %get3A_298 = vector.shape_cast %get3A_297 : vector<1x16x16xf32> to vector<16x16xf32>
      %slice3A_299 = vector.extract_strided_slice %add3A_194 {offsets = [1, 32], sizes = [1, 16], strides = [1, 1]} : vector<8x128xf32> to vector<1x16xf32>
      %squeeze3A_300 = vector.shape_cast %slice3A_299 : vector<1x16xf32> to vector<16xf32>
      %broadcast_in_dim3A_301 = vector.shape_cast %squeeze3A_300 : vector<16xf32> to vector<16x1xf32>
      %div3A_302 = vector.broadcast %broadcast_in_dim3A_301 : vector<16x1xf32> to vector<16x16xf32>
      %div3A_303 = arith.divf %get3A_298, %div3A_302 : vector<16x16xf32>
      %get3A_304 = arith.constant 1 : index
      %get3A_305 = arith.constant 48 : index
      %get3A_306 = arith.constant 48 : index
      %get3A_307 = vector.load %arg23[%get3A_304, %get3A_305, %get3A_306] : memref<8x128x128xf32, #tpu.memory_space<vmem>>, vector<1x16x16xf32>
      %get3A_308 = vector.shape_cast %get3A_307 : vector<1x16x16xf32> to vector<16x16xf32>
      %slice3A_309 = vector.extract_strided_slice %add3A_194 {offsets = [1, 48], sizes = [1, 16], strides = [1, 1]} : vector<8x128xf32> to vector<1x16xf32>
      %squeeze3A_310 = vector.shape_cast %slice3A_309 : vector<1x16xf32> to vector<16xf32>
      %broadcast_in_dim3A_311 = vector.shape_cast %squeeze3A_310 : vector<16xf32> to vector<16x1xf32>
      %div3A_312 = vector.broadcast %broadcast_in_dim3A_311 : vector<16x1xf32> to vector<16x16xf32>
      %div3A_313 = arith.divf %get3A_308, %div3A_312 : vector<16x16xf32>
      %get3A_314 = arith.constant 1 : index
      %get3A_315 = arith.constant 64 : index
      %get3A_316 = arith.constant 64 : index
      %get3A_317 = vector.load %arg23[%get3A_314, %get3A_315, %get3A_316] : memref<8x128x128xf32, #tpu.memory_space<vmem>>, vector<1x16x16xf32>
      %get3A_318 = vector.shape_cast %get3A_317 : vector<1x16x16xf32> to vector<16x16xf32>
      %slice3A_319 = vector.extract_strided_slice %add3A_194 {offsets = [1, 64], sizes = [1, 16], strides = [1, 1]} : vector<8x128xf32> to vector<1x16xf32>
      %squeeze3A_320 = vector.shape_cast %slice3A_319 : vector<1x16xf32> to vector<16xf32>
      %broadcast_in_dim3A_321 = vector.shape_cast %squeeze3A_320 : vector<16xf32> to vector<16x1xf32>
      %div3A_322 = vector.broadcast %broadcast_in_dim3A_321 : vector<16x1xf32> to vector<16x16xf32>
      %div3A_323 = arith.divf %get3A_318, %div3A_322 : vector<16x16xf32>
      %get3A_324 = arith.constant 1 : index
      %get3A_325 = arith.constant 80 : index
      %get3A_326 = arith.constant 80 : index
      %get3A_327 = vector.load %arg23[%get3A_324, %get3A_325, %get3A_326] : memref<8x128x128xf32, #tpu.memory_space<vmem>>, vector<1x16x16xf32>
      %get3A_328 = vector.shape_cast %get3A_327 : vector<1x16x16xf32> to vector<16x16xf32>
      %slice3A_329 = vector.extract_strided_slice %add3A_194 {offsets = [1, 80], sizes = [1, 16], strides = [1, 1]} : vector<8x128xf32> to vector<1x16xf32>
      %squeeze3A_330 = vector.shape_cast %slice3A_329 : vector<1x16xf32> to vector<16xf32>
      %broadcast_in_dim3A_331 = vector.shape_cast %squeeze3A_330 : vector<16xf32> to vector<16x1xf32>
      %div3A_332 = vector.broadcast %broadcast_in_dim3A_331 : vector<16x1xf32> to vector<16x16xf32>
      %div3A_333 = arith.divf %get3A_328, %div3A_332 : vector<16x16xf32>
      %get3A_334 = arith.constant 1 : index
      %get3A_335 = arith.constant 96 : index
      %get3A_336 = arith.constant 96 : index
      %get3A_337 = vector.load %arg23[%get3A_334, %get3A_335, %get3A_336] : memref<8x128x128xf32, #tpu.memory_space<vmem>>, vector<1x16x16xf32>
      %get3A_338 = vector.shape_cast %get3A_337 : vector<1x16x16xf32> to vector<16x16xf32>
      %slice3A_339 = vector.extract_strided_slice %add3A_194 {offsets = [1, 96], sizes = [1, 16], strides = [1, 1]} : vector<8x128xf32> to vector<1x16xf32>
      %squeeze3A_340 = vector.shape_cast %slice3A_339 : vector<1x16xf32> to vector<16xf32>
      %broadcast_in_dim3A_341 = vector.shape_cast %squeeze3A_340 : vector<16xf32> to vector<16x1xf32>
      %div3A_342 = vector.broadcast %broadcast_in_dim3A_341 : vector<16x1xf32> to vector<16x16xf32>
      %div3A_343 = arith.divf %get3A_338, %div3A_342 : vector<16x16xf32>
      %get3A_344 = arith.constant 1 : index
      %get3A_345 = arith.constant 112 : index
      %get3A_346 = arith.constant 112 : index
      %get3A_347 = vector.load %arg23[%get3A_344, %get3A_345, %get3A_346] : memref<8x128x128xf32, #tpu.memory_space<vmem>>, vector<1x16x16xf32>
      %get3A_348 = vector.shape_cast %get3A_347 : vector<1x16x16xf32> to vector<16x16xf32>
      %slice3A_349 = vector.extract_strided_slice %add3A_194 {offsets = [1, 112], sizes = [1, 16], strides = [1, 1]} : vector<8x128xf32> to vector<1x16xf32>
      %squeeze3A_350 = vector.shape_cast %slice3A_349 : vector<1x16xf32> to vector<16xf32>
      %broadcast_in_dim3A_351 = vector.shape_cast %squeeze3A_350 : vector<16xf32> to vector<16x1xf32>
      %div3A_352 = vector.broadcast %broadcast_in_dim3A_351 : vector<16x1xf32> to vector<16x16xf32>
      %div3A_353 = arith.divf %get3A_348, %div3A_352 : vector<16x16xf32>
      %concatenate3A_354 = tpu.concatenate %div3A_283, %div3A_293, %div3A_303, %div3A_313, %div3A_323, %div3A_333, %div3A_343, %div3A_353 in 1 : vector<16x16xf32>, vector<16x16xf32>, vector<16x16xf32>, vector<16x16xf32>, vector<16x16xf32>, vector<16x16xf32>, vector<16x16xf32>, vector<16x16xf32> -> vector<16x128xf32>
      %get3A_355 = arith.constant 2 : index
      %get3A_356 = arith.constant 0 : index
      %get3A_357 = arith.constant 0 : index
      %get3A_358 = vector.load %arg23[%get3A_355, %get3A_356, %get3A_357] : memref<8x128x128xf32, #tpu.memory_space<vmem>>, vector<1x16x16xf32>
      %get3A_359 = vector.shape_cast %get3A_358 : vector<1x16x16xf32> to vector<16x16xf32>
      %slice3A_360 = vector.extract_strided_slice %add3A_194 {offsets = [2, 0], sizes = [1, 16], strides = [1, 1]} : vector<8x128xf32> to vector<1x16xf32>
      %squeeze3A_361 = vector.shape_cast %slice3A_360 : vector<1x16xf32> to vector<16xf32>
      %broadcast_in_dim3A_362 = vector.shape_cast %squeeze3A_361 : vector<16xf32> to vector<16x1xf32>
      %div3A_363 = vector.broadcast %broadcast_in_dim3A_362 : vector<16x1xf32> to vector<16x16xf32>
      %div3A_364 = arith.divf %get3A_359, %div3A_363 : vector<16x16xf32>
      %get3A_365 = arith.constant 2 : index
      %get3A_366 = arith.constant 16 : index
      %get3A_367 = arith.constant 16 : index
      %get3A_368 = vector.load %arg23[%get3A_365, %get3A_366, %get3A_367] : memref<8x128x128xf32, #tpu.memory_space<vmem>>, vector<1x16x16xf32>
      %get3A_369 = vector.shape_cast %get3A_368 : vector<1x16x16xf32> to vector<16x16xf32>
      %slice3A_370 = vector.extract_strided_slice %add3A_194 {offsets = [2, 16], sizes = [1, 16], strides = [1, 1]} : vector<8x128xf32> to vector<1x16xf32>
      %squeeze3A_371 = vector.shape_cast %slice3A_370 : vector<1x16xf32> to vector<16xf32>
      %broadcast_in_dim3A_372 = vector.shape_cast %squeeze3A_371 : vector<16xf32> to vector<16x1xf32>
      %div3A_373 = vector.broadcast %broadcast_in_dim3A_372 : vector<16x1xf32> to vector<16x16xf32>
      %div3A_374 = arith.divf %get3A_369, %div3A_373 : vector<16x16xf32>
      %get3A_375 = arith.constant 2 : index
      %get3A_376 = arith.constant 32 : index
      %get3A_377 = arith.constant 32 : index
      %get3A_378 = vector.load %arg23[%get3A_375, %get3A_376, %get3A_377] : memref<8x128x128xf32, #tpu.memory_space<vmem>>, vector<1x16x16xf32>
      %get3A_379 = vector.shape_cast %get3A_378 : vector<1x16x16xf32> to vector<16x16xf32>
      %slice3A_380 = vector.extract_strided_slice %add3A_194 {offsets = [2, 32], sizes = [1, 16], strides = [1, 1]} : vector<8x128xf32> to vector<1x16xf32>
      %squeeze3A_381 = vector.shape_cast %slice3A_380 : vector<1x16xf32> to vector<16xf32>
      %broadcast_in_dim3A_382 = vector.shape_cast %squeeze3A_381 : vector<16xf32> to vector<16x1xf32>
      %div3A_383 = vector.broadcast %broadcast_in_dim3A_382 : vector<16x1xf32> to vector<16x16xf32>
      %div3A_384 = arith.divf %get3A_379, %div3A_383 : vector<16x16xf32>
      %get3A_385 = arith.constant 2 : index
      %get3A_386 = arith.constant 48 : index
      %get3A_387 = arith.constant 48 : index
      %get3A_388 = vector.load %arg23[%get3A_385, %get3A_386, %get3A_387] : memref<8x128x128xf32, #tpu.memory_space<vmem>>, vector<1x16x16xf32>
      %get3A_389 = vector.shape_cast %get3A_388 : vector<1x16x16xf32> to vector<16x16xf32>
      %slice3A_390 = vector.extract_strided_slice %add3A_194 {offsets = [2, 48], sizes = [1, 16], strides = [1, 1]} : vector<8x128xf32> to vector<1x16xf32>
      %squeeze3A_391 = vector.shape_cast %slice3A_390 : vector<1x16xf32> to vector<16xf32>
      %broadcast_in_dim3A_392 = vector.shape_cast %squeeze3A_391 : vector<16xf32> to vector<16x1xf32>
      %div3A_393 = vector.broadcast %broadcast_in_dim3A_392 : vector<16x1xf32> to vector<16x16xf32>
      %div3A_394 = arith.divf %get3A_389, %div3A_393 : vector<16x16xf32>
      %get3A_395 = arith.constant 2 : index
      %get3A_396 = arith.constant 64 : index
      %get3A_397 = arith.constant 64 : index
      %get3A_398 = vector.load %arg23[%get3A_395, %get3A_396, %get3A_397] : memref<8x128x128xf32, #tpu.memory_space<vmem>>, vector<1x16x16xf32>
      %get3A_399 = vector.shape_cast %get3A_398 : vector<1x16x16xf32> to vector<16x16xf32>
      %slice3A_400 = vector.extract_strided_slice %add3A_194 {offsets = [2, 64], sizes = [1, 16], strides = [1, 1]} : vector<8x128xf32> to vector<1x16xf32>
      %squeeze3A_401 = vector.shape_cast %slice3A_400 : vector<1x16xf32> to vector<16xf32>
      %broadcast_in_dim3A_402 = vector.shape_cast %squeeze3A_401 : vector<16xf32> to vector<16x1xf32>
      %div3A_403 = vector.broadcast %broadcast_in_dim3A_402 : vector<16x1xf32> to vector<16x16xf32>
      %div3A_404 = arith.divf %get3A_399, %div3A_403 : vector<16x16xf32>
      %get3A_405 = arith.constant 2 : index
      %get3A_406 = arith.constant 80 : index
      %get3A_407 = arith.constant 80 : index
      %get3A_408 = vector.load %arg23[%get3A_405, %get3A_406, %get3A_407] : memref<8x128x128xf32, #tpu.memory_space<vmem>>, vector<1x16x16xf32>
      %get3A_409 = vector.shape_cast %get3A_408 : vector<1x16x16xf32> to vector<16x16xf32>
      %slice3A_410 = vector.extract_strided_slice %add3A_194 {offsets = [2, 80], sizes = [1, 16], strides = [1, 1]} : vector<8x128xf32> to vector<1x16xf32>
      %squeeze3A_411 = vector.shape_cast %slice3A_410 : vector<1x16xf32> to vector<16xf32>
      %broadcast_in_dim3A_412 = vector.shape_cast %squeeze3A_411 : vector<16xf32> to vector<16x1xf32>
      %div3A_413 = vector.broadcast %broadcast_in_dim3A_412 : vector<16x1xf32> to vector<16x16xf32>
      %div3A_414 = arith.divf %get3A_409, %div3A_413 : vector<16x16xf32>
      %get3A_415 = arith.constant 2 : index
      %get3A_416 = arith.constant 96 : index
      %get3A_417 = arith.constant 96 : index
      %get3A_418 = vector.load %arg23[%get3A_415, %get3A_416, %get3A_417] : memref<8x128x128xf32, #tpu.memory_space<vmem>>, vector<1x16x16xf32>
      %get3A_419 = vector.shape_cast %get3A_418 : vector<1x16x16xf32> to vector<16x16xf32>
      %slice3A_420 = vector.extract_strided_slice %add3A_194 {offsets = [2, 96], sizes = [1, 16], strides = [1, 1]} : vector<8x128xf32> to vector<1x16xf32>
      %squeeze3A_421 = vector.shape_cast %slice3A_420 : vector<1x16xf32> to vector<16xf32>
      %broadcast_in_dim3A_422 = vector.shape_cast %squeeze3A_421 : vector<16xf32> to vector<16x1xf32>
      %div3A_423 = vector.broadcast %broadcast_in_dim3A_422 : vector<16x1xf32> to vector<16x16xf32>
      %div3A_424 = arith.divf %get3A_419, %div3A_423 : vector<16x16xf32>
      %get3A_425 = arith.constant 2 : index
      %get3A_426 = arith.constant 112 : index
      %get3A_427 = arith.constant 112 : index
      %get3A_428 = vector.load %arg23[%get3A_425, %get3A_426, %get3A_427] : memref<8x128x128xf32, #tpu.memory_space<vmem>>, vector<1x16x16xf32>
      %get3A_429 = vector.shape_cast %get3A_428 : vector<1x16x16xf32> to vector<16x16xf32>
      %slice3A_430 = vector.extract_strided_slice %add3A_194 {offsets = [2, 112], sizes = [1, 16], strides = [1, 1]} : vector<8x128xf32> to vector<1x16xf32>
      %squeeze3A_431 = vector.shape_cast %slice3A_430 : vector<1x16xf32> to vector<16xf32>
      %broadcast_in_dim3A_432 = vector.shape_cast %squeeze3A_431 : vector<16xf32> to vector<16x1xf32>
      %div3A_433 = vector.broadcast %broadcast_in_dim3A_432 : vector<16x1xf32> to vector<16x16xf32>
      %div3A_434 = arith.divf %get3A_429, %div3A_433 : vector<16x16xf32>
      %concatenate3A_435 = tpu.concatenate %div3A_364, %div3A_374, %div3A_384, %div3A_394, %div3A_404, %div3A_414, %div3A_424, %div3A_434 in 1 : vector<16x16xf32>, vector<16x16xf32>, vector<16x16xf32>, vector<16x16xf32>, vector<16x16xf32>, vector<16x16xf32>, vector<16x16xf32>, vector<16x16xf32> -> vector<16x128xf32>
      %get3A_436 = arith.constant 3 : index
      %get3A_437 = arith.constant 0 : index
      %get3A_438 = arith.constant 0 : index
      %get3A_439 = vector.load %arg23[%get3A_436, %get3A_437, %get3A_438] : memref<8x128x128xf32, #tpu.memory_space<vmem>>, vector<1x16x16xf32>
      %get3A_440 = vector.shape_cast %get3A_439 : vector<1x16x16xf32> to vector<16x16xf32>
      %slice3A_441 = vector.extract_strided_slice %add3A_194 {offsets = [3, 0], sizes = [1, 16], strides = [1, 1]} : vector<8x128xf32> to vector<1x16xf32>
      %squeeze3A_442 = vector.shape_cast %slice3A_441 : vector<1x16xf32> to vector<16xf32>
      %broadcast_in_dim3A_443 = vector.shape_cast %squeeze3A_442 : vector<16xf32> to vector<16x1xf32>
      %div3A_444 = vector.broadcast %broadcast_in_dim3A_443 : vector<16x1xf32> to vector<16x16xf32>
      %div3A_445 = arith.divf %get3A_440, %div3A_444 : vector<16x16xf32>
      %get3A_446 = arith.constant 3 : index
      %get3A_447 = arith.constant 16 : index
      %get3A_448 = arith.constant 16 : index
      %get3A_449 = vector.load %arg23[%get3A_446, %get3A_447, %get3A_448] : memref<8x128x128xf32, #tpu.memory_space<vmem>>, vector<1x16x16xf32>
      %get3A_450 = vector.shape_cast %get3A_449 : vector<1x16x16xf32> to vector<16x16xf32>
      %slice3A_451 = vector.extract_strided_slice %add3A_194 {offsets = [3, 16], sizes = [1, 16], strides = [1, 1]} : vector<8x128xf32> to vector<1x16xf32>
      %squeeze3A_452 = vector.shape_cast %slice3A_451 : vector<1x16xf32> to vector<16xf32>
      %broadcast_in_dim3A_453 = vector.shape_cast %squeeze3A_452 : vector<16xf32> to vector<16x1xf32>
      %div3A_454 = vector.broadcast %broadcast_in_dim3A_453 : vector<16x1xf32> to vector<16x16xf32>
      %div3A_455 = arith.divf %get3A_450, %div3A_454 : vector<16x16xf32>
      %get3A_456 = arith.constant 3 : index
      %get3A_457 = arith.constant 32 : index
      %get3A_458 = arith.constant 32 : index
      %get3A_459 = vector.load %arg23[%get3A_456, %get3A_457, %get3A_458] : memref<8x128x128xf32, #tpu.memory_space<vmem>>, vector<1x16x16xf32>
      %get3A_460 = vector.shape_cast %get3A_459 : vector<1x16x16xf32> to vector<16x16xf32>
      %slice3A_461 = vector.extract_strided_slice %add3A_194 {offsets = [3, 32], sizes = [1, 16], strides = [1, 1]} : vector<8x128xf32> to vector<1x16xf32>
      %squeeze3A_462 = vector.shape_cast %slice3A_461 : vector<1x16xf32> to vector<16xf32>
      %broadcast_in_dim3A_463 = vector.shape_cast %squeeze3A_462 : vector<16xf32> to vector<16x1xf32>
      %div3A_464 = vector.broadcast %broadcast_in_dim3A_463 : vector<16x1xf32> to vector<16x16xf32>
      %div3A_465 = arith.divf %get3A_460, %div3A_464 : vector<16x16xf32>
      %get3A_466 = arith.constant 3 : index
      %get3A_467 = arith.constant 48 : index
      %get3A_468 = arith.constant 48 : index
      %get3A_469 = vector.load %arg23[%get3A_466, %get3A_467, %get3A_468] : memref<8x128x128xf32, #tpu.memory_space<vmem>>, vector<1x16x16xf32>
      %get3A_470 = vector.shape_cast %get3A_469 : vector<1x16x16xf32> to vector<16x16xf32>
      %slice3A_471 = vector.extract_strided_slice %add3A_194 {offsets = [3, 48], sizes = [1, 16], strides = [1, 1]} : vector<8x128xf32> to vector<1x16xf32>
      %squeeze3A_472 = vector.shape_cast %slice3A_471 : vector<1x16xf32> to vector<16xf32>
      %broadcast_in_dim3A_473 = vector.shape_cast %squeeze3A_472 : vector<16xf32> to vector<16x1xf32>
      %div3A_474 = vector.broadcast %broadcast_in_dim3A_473 : vector<16x1xf32> to vector<16x16xf32>
      %div3A_475 = arith.divf %get3A_470, %div3A_474 : vector<16x16xf32>
      %get3A_476 = arith.constant 3 : index
      %get3A_477 = arith.constant 64 : index
      %get3A_478 = arith.constant 64 : index
      %get3A_479 = vector.load %arg23[%get3A_476, %get3A_477, %get3A_478] : memref<8x128x128xf32, #tpu.memory_space<vmem>>, vector<1x16x16xf32>
      %get3A_480 = vector.shape_cast %get3A_479 : vector<1x16x16xf32> to vector<16x16xf32>
      %slice3A_481 = vector.extract_strided_slice %add3A_194 {offsets = [3, 64], sizes = [1, 16], strides = [1, 1]} : vector<8x128xf32> to vector<1x16xf32>
      %squeeze3A_482 = vector.shape_cast %slice3A_481 : vector<1x16xf32> to vector<16xf32>
      %broadcast_in_dim3A_483 = vector.shape_cast %squeeze3A_482 : vector<16xf32> to vector<16x1xf32>
      %div3A_484 = vector.broadcast %broadcast_in_dim3A_483 : vector<16x1xf32> to vector<16x16xf32>
      %div3A_485 = arith.divf %get3A_480, %div3A_484 : vector<16x16xf32>
      %get3A_486 = arith.constant 3 : index
      %get3A_487 = arith.constant 80 : index
      %get3A_488 = arith.constant 80 : index
      %get3A_489 = vector.load %arg23[%get3A_486, %get3A_487, %get3A_488] : memref<8x128x128xf32, #tpu.memory_space<vmem>>, vector<1x16x16xf32>
      %get3A_490 = vector.shape_cast %get3A_489 : vector<1x16x16xf32> to vector<16x16xf32>
      %slice3A_491 = vector.extract_strided_slice %add3A_194 {offsets = [3, 80], sizes = [1, 16], strides = [1, 1]} : vector<8x128xf32> to vector<1x16xf32>
      %squeeze3A_492 = vector.shape_cast %slice3A_491 : vector<1x16xf32> to vector<16xf32>
      %broadcast_in_dim3A_493 = vector.shape_cast %squeeze3A_492 : vector<16xf32> to vector<16x1xf32>
      %div3A_494 = vector.broadcast %broadcast_in_dim3A_493 : vector<16x1xf32> to vector<16x16xf32>
      %div3A_495 = arith.divf %get3A_490, %div3A_494 : vector<16x16xf32>
      %get3A_496 = arith.constant 3 : index
      %get3A_497 = arith.constant 96 : index
      %get3A_498 = arith.constant 96 : index
      %get3A_499 = vector.load %arg23[%get3A_496, %get3A_497, %get3A_498] : memref<8x128x128xf32, #tpu.memory_space<vmem>>, vector<1x16x16xf32>
      %get3A_500 = vector.shape_cast %get3A_499 : vector<1x16x16xf32> to vector<16x16xf32>
      %slice3A_501 = vector.extract_strided_slice %add3A_194 {offsets = [3, 96], sizes = [1, 16], strides = [1, 1]} : vector<8x128xf32> to vector<1x16xf32>
      %squeeze3A_502 = vector.shape_cast %slice3A_501 : vector<1x16xf32> to vector<16xf32>
      %broadcast_in_dim3A_503 = vector.shape_cast %squeeze3A_502 : vector<16xf32> to vector<16x1xf32>
      %div3A_504 = vector.broadcast %broadcast_in_dim3A_503 : vector<16x1xf32> to vector<16x16xf32>
      %div3A_505 = arith.divf %get3A_500, %div3A_504 : vector<16x16xf32>
      %get3A_506 = arith.constant 3 : index
      %get3A_507 = arith.constant 112 : index
      %get3A_508 = arith.constant 112 : index
      %get3A_509 = vector.load %arg23[%get3A_506, %get3A_507, %get3A_508] : memref<8x128x128xf32, #tpu.memory_space<vmem>>, vector<1x16x16xf32>
      %get3A_510 = vector.shape_cast %get3A_509 : vector<1x16x16xf32> to vector<16x16xf32>
      %slice3A_511 = vector.extract_strided_slice %add3A_194 {offsets = [3, 112], sizes = [1, 16], strides = [1, 1]} : vector<8x128xf32> to vector<1x16xf32>
      %squeeze3A_512 = vector.shape_cast %slice3A_511 : vector<1x16xf32> to vector<16xf32>
      %broadcast_in_dim3A_513 = vector.shape_cast %squeeze3A_512 : vector<16xf32> to vector<16x1xf32>
      %div3A_514 = vector.broadcast %broadcast_in_dim3A_513 : vector<16x1xf32> to vector<16x16xf32>
      %div3A_515 = arith.divf %get3A_510, %div3A_514 : vector<16x16xf32>
      %concatenate3A_516 = tpu.concatenate %div3A_445, %div3A_455, %div3A_465, %div3A_475, %div3A_485, %div3A_495, %div3A_505, %div3A_515 in 1 : vector<16x16xf32>, vector<16x16xf32>, vector<16x16xf32>, vector<16x16xf32>, vector<16x16xf32>, vector<16x16xf32>, vector<16x16xf32>, vector<16x16xf32> -> vector<16x128xf32>
      %get3A_517 = arith.constant 4 : index
      %get3A_518 = arith.constant 0 : index
      %get3A_519 = arith.constant 0 : index
      %get3A_520 = vector.load %arg23[%get3A_517, %get3A_518, %get3A_519] : memref<8x128x128xf32, #tpu.memory_space<vmem>>, vector<1x16x16xf32>
      %get3A_521 = vector.shape_cast %get3A_520 : vector<1x16x16xf32> to vector<16x16xf32>
      %slice3A_522 = vector.extract_strided_slice %add3A_194 {offsets = [4, 0], sizes = [1, 16], strides = [1, 1]} : vector<8x128xf32> to vector<1x16xf32>
      %squeeze3A_523 = vector.shape_cast %slice3A_522 : vector<1x16xf32> to vector<16xf32>
      %broadcast_in_dim3A_524 = vector.shape_cast %squeeze3A_523 : vector<16xf32> to vector<16x1xf32>
      %div3A_525 = vector.broadcast %broadcast_in_dim3A_524 : vector<16x1xf32> to vector<16x16xf32>
      %div3A_526 = arith.divf %get3A_521, %div3A_525 : vector<16x16xf32>
      %get3A_527 = arith.constant 4 : index
      %get3A_528 = arith.constant 16 : index
      %get3A_529 = arith.constant 16 : index
      %get3A_530 = vector.load %arg23[%get3A_527, %get3A_528, %get3A_529] : memref<8x128x128xf32, #tpu.memory_space<vmem>>, vector<1x16x16xf32>
      %get3A_531 = vector.shape_cast %get3A_530 : vector<1x16x16xf32> to vector<16x16xf32>
      %slice3A_532 = vector.extract_strided_slice %add3A_194 {offsets = [4, 16], sizes = [1, 16], strides = [1, 1]} : vector<8x128xf32> to vector<1x16xf32>
      %squeeze3A_533 = vector.shape_cast %slice3A_532 : vector<1x16xf32> to vector<16xf32>
      %broadcast_in_dim3A_534 = vector.shape_cast %squeeze3A_533 : vector<16xf32> to vector<16x1xf32>
      %div3A_535 = vector.broadcast %broadcast_in_dim3A_534 : vector<16x1xf32> to vector<16x16xf32>
      %div3A_536 = arith.divf %get3A_531, %div3A_535 : vector<16x16xf32>
      %get3A_537 = arith.constant 4 : index
      %get3A_538 = arith.constant 32 : index
      %get3A_539 = arith.constant 32 : index
      %get3A_540 = vector.load %arg23[%get3A_537, %get3A_538, %get3A_539] : memref<8x128x128xf32, #tpu.memory_space<vmem>>, vector<1x16x16xf32>
      %get3A_541 = vector.shape_cast %get3A_540 : vector<1x16x16xf32> to vector<16x16xf32>
      %slice3A_542 = vector.extract_strided_slice %add3A_194 {offsets = [4, 32], sizes = [1, 16], strides = [1, 1]} : vector<8x128xf32> to vector<1x16xf32>
      %squeeze3A_543 = vector.shape_cast %slice3A_542 : vector<1x16xf32> to vector<16xf32>
      %broadcast_in_dim3A_544 = vector.shape_cast %squeeze3A_543 : vector<16xf32> to vector<16x1xf32>
      %div3A_545 = vector.broadcast %broadcast_in_dim3A_544 : vector<16x1xf32> to vector<16x16xf32>
      %div3A_546 = arith.divf %get3A_541, %div3A_545 : vector<16x16xf32>
      %get3A_547 = arith.constant 4 : index
      %get3A_548 = arith.constant 48 : index
      %get3A_549 = arith.constant 48 : index
      %get3A_550 = vector.load %arg23[%get3A_547, %get3A_548, %get3A_549] : memref<8x128x128xf32, #tpu.memory_space<vmem>>, vector<1x16x16xf32>
      %get3A_551 = vector.shape_cast %get3A_550 : vector<1x16x16xf32> to vector<16x16xf32>
      %slice3A_552 = vector.extract_strided_slice %add3A_194 {offsets = [4, 48], sizes = [1, 16], strides = [1, 1]} : vector<8x128xf32> to vector<1x16xf32>
      %squeeze3A_553 = vector.shape_cast %slice3A_552 : vector<1x16xf32> to vector<16xf32>
      %broadcast_in_dim3A_554 = vector.shape_cast %squeeze3A_553 : vector<16xf32> to vector<16x1xf32>
      %div3A_555 = vector.broadcast %broadcast_in_dim3A_554 : vector<16x1xf32> to vector<16x16xf32>
      %div3A_556 = arith.divf %get3A_551, %div3A_555 : vector<16x16xf32>
      %get3A_557 = arith.constant 4 : index
      %get3A_558 = arith.constant 64 : index
      %get3A_559 = arith.constant 64 : index
      %get3A_560 = vector.load %arg23[%get3A_557, %get3A_558, %get3A_559] : memref<8x128x128xf32, #tpu.memory_space<vmem>>, vector<1x16x16xf32>
      %get3A_561 = vector.shape_cast %get3A_560 : vector<1x16x16xf32> to vector<16x16xf32>
      %slice3A_562 = vector.extract_strided_slice %add3A_194 {offsets = [4, 64], sizes = [1, 16], strides = [1, 1]} : vector<8x128xf32> to vector<1x16xf32>
      %squeeze3A_563 = vector.shape_cast %slice3A_562 : vector<1x16xf32> to vector<16xf32>
      %broadcast_in_dim3A_564 = vector.shape_cast %squeeze3A_563 : vector<16xf32> to vector<16x1xf32>
      %div3A_565 = vector.broadcast %broadcast_in_dim3A_564 : vector<16x1xf32> to vector<16x16xf32>
      %div3A_566 = arith.divf %get3A_561, %div3A_565 : vector<16x16xf32>
      %get3A_567 = arith.constant 4 : index
      %get3A_568 = arith.constant 80 : index
      %get3A_569 = arith.constant 80 : index
      %get3A_570 = vector.load %arg23[%get3A_567, %get3A_568, %get3A_569] : memref<8x128x128xf32, #tpu.memory_space<vmem>>, vector<1x16x16xf32>
      %get3A_571 = vector.shape_cast %get3A_570 : vector<1x16x16xf32> to vector<16x16xf32>
      %slice3A_572 = vector.extract_strided_slice %add3A_194 {offsets = [4, 80], sizes = [1, 16], strides = [1, 1]} : vector<8x128xf32> to vector<1x16xf32>
      %squeeze3A_573 = vector.shape_cast %slice3A_572 : vector<1x16xf32> to vector<16xf32>
      %broadcast_in_dim3A_574 = vector.shape_cast %squeeze3A_573 : vector<16xf32> to vector<16x1xf32>
      %div3A_575 = vector.broadcast %broadcast_in_dim3A_574 : vector<16x1xf32> to vector<16x16xf32>
      %div3A_576 = arith.divf %get3A_571, %div3A_575 : vector<16x16xf32>
      %get3A_577 = arith.constant 4 : index
      %get3A_578 = arith.constant 96 : index
      %get3A_579 = arith.constant 96 : index
      %get3A_580 = vector.load %arg23[%get3A_577, %get3A_578, %get3A_579] : memref<8x128x128xf32, #tpu.memory_space<vmem>>, vector<1x16x16xf32>
      %get3A_581 = vector.shape_cast %get3A_580 : vector<1x16x16xf32> to vector<16x16xf32>
      %slice3A_582 = vector.extract_strided_slice %add3A_194 {offsets = [4, 96], sizes = [1, 16], strides = [1, 1]} : vector<8x128xf32> to vector<1x16xf32>
      %squeeze3A_583 = vector.shape_cast %slice3A_582 : vector<1x16xf32> to vector<16xf32>
      %broadcast_in_dim3A_584 = vector.shape_cast %squeeze3A_583 : vector<16xf32> to vector<16x1xf32>
      %div3A_585 = vector.broadcast %broadcast_in_dim3A_584 : vector<16x1xf32> to vector<16x16xf32>
      %div3A_586 = arith.divf %get3A_581, %div3A_585 : vector<16x16xf32>
      %get3A_587 = arith.constant 4 : index
      %get3A_588 = arith.constant 112 : index
      %get3A_589 = arith.constant 112 : index
      %get3A_590 = vector.load %arg23[%get3A_587, %get3A_588, %get3A_589] : memref<8x128x128xf32, #tpu.memory_space<vmem>>, vector<1x16x16xf32>
      %get3A_591 = vector.shape_cast %get3A_590 : vector<1x16x16xf32> to vector<16x16xf32>
      %slice3A_592 = vector.extract_strided_slice %add3A_194 {offsets = [4, 112], sizes = [1, 16], strides = [1, 1]} : vector<8x128xf32> to vector<1x16xf32>
      %squeeze3A_593 = vector.shape_cast %slice3A_592 : vector<1x16xf32> to vector<16xf32>
      %broadcast_in_dim3A_594 = vector.shape_cast %squeeze3A_593 : vector<16xf32> to vector<16x1xf32>
      %div3A_595 = vector.broadcast %broadcast_in_dim3A_594 : vector<16x1xf32> to vector<16x16xf32>
      %div3A_596 = arith.divf %get3A_591, %div3A_595 : vector<16x16xf32>
      %concatenate3A_597 = tpu.concatenate %div3A_526, %div3A_536, %div3A_546, %div3A_556, %div3A_566, %div3A_576, %div3A_586, %div3A_596 in 1 : vector<16x16xf32>, vector<16x16xf32>, vector<16x16xf32>, vector<16x16xf32>, vector<16x16xf32>, vector<16x16xf32>, vector<16x16xf32>, vector<16x16xf32> -> vector<16x128xf32>
      %get3A_598 = arith.constant 5 : index
      %get3A_599 = arith.constant 0 : index
      %get3A_600 = arith.constant 0 : index
      %get3A_601 = vector.load %arg23[%get3A_598, %get3A_599, %get3A_600] : memref<8x128x128xf32, #tpu.memory_space<vmem>>, vector<1x16x16xf32>
      %get3A_602 = vector.shape_cast %get3A_601 : vector<1x16x16xf32> to vector<16x16xf32>
      %slice3A_603 = vector.extract_strided_slice %add3A_194 {offsets = [5, 0], sizes = [1, 16], strides = [1, 1]} : vector<8x128xf32> to vector<1x16xf32>
      %squeeze3A_604 = vector.shape_cast %slice3A_603 : vector<1x16xf32> to vector<16xf32>
      %broadcast_in_dim3A_605 = vector.shape_cast %squeeze3A_604 : vector<16xf32> to vector<16x1xf32>
      %div3A_606 = vector.broadcast %broadcast_in_dim3A_605 : vector<16x1xf32> to vector<16x16xf32>
      %div3A_607 = arith.divf %get3A_602, %div3A_606 : vector<16x16xf32>
      %get3A_608 = arith.constant 5 : index
      %get3A_609 = arith.constant 16 : index
      %get3A_610 = arith.constant 16 : index
      %get3A_611 = vector.load %arg23[%get3A_608, %get3A_609, %get3A_610] : memref<8x128x128xf32, #tpu.memory_space<vmem>>, vector<1x16x16xf32>
      %get3A_612 = vector.shape_cast %get3A_611 : vector<1x16x16xf32> to vector<16x16xf32>
      %slice3A_613 = vector.extract_strided_slice %add3A_194 {offsets = [5, 16], sizes = [1, 16], strides = [1, 1]} : vector<8x128xf32> to vector<1x16xf32>
      %squeeze3A_614 = vector.shape_cast %slice3A_613 : vector<1x16xf32> to vector<16xf32>
      %broadcast_in_dim3A_615 = vector.shape_cast %squeeze3A_614 : vector<16xf32> to vector<16x1xf32>
      %div3A_616 = vector.broadcast %broadcast_in_dim3A_615 : vector<16x1xf32> to vector<16x16xf32>
      %div3A_617 = arith.divf %get3A_612, %div3A_616 : vector<16x16xf32>
      %get3A_618 = arith.constant 5 : index
      %get3A_619 = arith.constant 32 : index
      %get3A_620 = arith.constant 32 : index
      %get3A_621 = vector.load %arg23[%get3A_618, %get3A_619, %get3A_620] : memref<8x128x128xf32, #tpu.memory_space<vmem>>, vector<1x16x16xf32>
      %get3A_622 = vector.shape_cast %get3A_621 : vector<1x16x16xf32> to vector<16x16xf32>
      %slice3A_623 = vector.extract_strided_slice %add3A_194 {offsets = [5, 32], sizes = [1, 16], strides = [1, 1]} : vector<8x128xf32> to vector<1x16xf32>
      %squeeze3A_624 = vector.shape_cast %slice3A_623 : vector<1x16xf32> to vector<16xf32>
      %broadcast_in_dim3A_625 = vector.shape_cast %squeeze3A_624 : vector<16xf32> to vector<16x1xf32>
      %div3A_626 = vector.broadcast %broadcast_in_dim3A_625 : vector<16x1xf32> to vector<16x16xf32>
      %div3A_627 = arith.divf %get3A_622, %div3A_626 : vector<16x16xf32>
      %get3A_628 = arith.constant 5 : index
      %get3A_629 = arith.constant 48 : index
      %get3A_630 = arith.constant 48 : index
      %get3A_631 = vector.load %arg23[%get3A_628, %get3A_629, %get3A_630] : memref<8x128x128xf32, #tpu.memory_space<vmem>>, vector<1x16x16xf32>
      %get3A_632 = vector.shape_cast %get3A_631 : vector<1x16x16xf32> to vector<16x16xf32>
      %slice3A_633 = vector.extract_strided_slice %add3A_194 {offsets = [5, 48], sizes = [1, 16], strides = [1, 1]} : vector<8x128xf32> to vector<1x16xf32>
      %squeeze3A_634 = vector.shape_cast %slice3A_633 : vector<1x16xf32> to vector<16xf32>
      %broadcast_in_dim3A_635 = vector.shape_cast %squeeze3A_634 : vector<16xf32> to vector<16x1xf32>
      %div3A_636 = vector.broadcast %broadcast_in_dim3A_635 : vector<16x1xf32> to vector<16x16xf32>
      %div3A_637 = arith.divf %get3A_632, %div3A_636 : vector<16x16xf32>
      %get3A_638 = arith.constant 5 : index
      %get3A_639 = arith.constant 64 : index
      %get3A_640 = arith.constant 64 : index
      %get3A_641 = vector.load %arg23[%get3A_638, %get3A_639, %get3A_640] : memref<8x128x128xf32, #tpu.memory_space<vmem>>, vector<1x16x16xf32>
      %get3A_642 = vector.shape_cast %get3A_641 : vector<1x16x16xf32> to vector<16x16xf32>
      %slice3A_643 = vector.extract_strided_slice %add3A_194 {offsets = [5, 64], sizes = [1, 16], strides = [1, 1]} : vector<8x128xf32> to vector<1x16xf32>
      %squeeze3A_644 = vector.shape_cast %slice3A_643 : vector<1x16xf32> to vector<16xf32>
      %broadcast_in_dim3A_645 = vector.shape_cast %squeeze3A_644 : vector<16xf32> to vector<16x1xf32>
      %div3A_646 = vector.broadcast %broadcast_in_dim3A_645 : vector<16x1xf32> to vector<16x16xf32>
      %div3A_647 = arith.divf %get3A_642, %div3A_646 : vector<16x16xf32>
      %get3A_648 = arith.constant 5 : index
      %get3A_649 = arith.constant 80 : index
      %get3A_650 = arith.constant 80 : index
      %get3A_651 = vector.load %arg23[%get3A_648, %get3A_649, %get3A_650] : memref<8x128x128xf32, #tpu.memory_space<vmem>>, vector<1x16x16xf32>
      %get3A_652 = vector.shape_cast %get3A_651 : vector<1x16x16xf32> to vector<16x16xf32>
      %slice3A_653 = vector.extract_strided_slice %add3A_194 {offsets = [5, 80], sizes = [1, 16], strides = [1, 1]} : vector<8x128xf32> to vector<1x16xf32>
      %squeeze3A_654 = vector.shape_cast %slice3A_653 : vector<1x16xf32> to vector<16xf32>
      %broadcast_in_dim3A_655 = vector.shape_cast %squeeze3A_654 : vector<16xf32> to vector<16x1xf32>
      %div3A_656 = vector.broadcast %broadcast_in_dim3A_655 : vector<16x1xf32> to vector<16x16xf32>
      %div3A_657 = arith.divf %get3A_652, %div3A_656 : vector<16x16xf32>
      %get3A_658 = arith.constant 5 : index
      %get3A_659 = arith.constant 96 : index
      %get3A_660 = arith.constant 96 : index
      %get3A_661 = vector.load %arg23[%get3A_658, %get3A_659, %get3A_660] : memref<8x128x128xf32, #tpu.memory_space<vmem>>, vector<1x16x16xf32>
      %get3A_662 = vector.shape_cast %get3A_661 : vector<1x16x16xf32> to vector<16x16xf32>
      %slice3A_663 = vector.extract_strided_slice %add3A_194 {offsets = [5, 96], sizes = [1, 16], strides = [1, 1]} : vector<8x128xf32> to vector<1x16xf32>
      %squeeze3A_664 = vector.shape_cast %slice3A_663 : vector<1x16xf32> to vector<16xf32>
      %broadcast_in_dim3A_665 = vector.shape_cast %squeeze3A_664 : vector<16xf32> to vector<16x1xf32>
      %div3A_666 = vector.broadcast %broadcast_in_dim3A_665 : vector<16x1xf32> to vector<16x16xf32>
      %div3A_667 = arith.divf %get3A_662, %div3A_666 : vector<16x16xf32>
      %get3A_668 = arith.constant 5 : index
      %get3A_669 = arith.constant 112 : index
      %get3A_670 = arith.constant 112 : index
      %get3A_671 = vector.load %arg23[%get3A_668, %get3A_669, %get3A_670] : memref<8x128x128xf32, #tpu.memory_space<vmem>>, vector<1x16x16xf32>
      %get3A_672 = vector.shape_cast %get3A_671 : vector<1x16x16xf32> to vector<16x16xf32>
      %slice3A_673 = vector.extract_strided_slice %add3A_194 {offsets = [5, 112], sizes = [1, 16], strides = [1, 1]} : vector<8x128xf32> to vector<1x16xf32>
      %squeeze3A_674 = vector.shape_cast %slice3A_673 : vector<1x16xf32> to vector<16xf32>
      %broadcast_in_dim3A_675 = vector.shape_cast %squeeze3A_674 : vector<16xf32> to vector<16x1xf32>
      %div3A_676 = vector.broadcast %broadcast_in_dim3A_675 : vector<16x1xf32> to vector<16x16xf32>
      %div3A_677 = arith.divf %get3A_672, %div3A_676 : vector<16x16xf32>
      %concatenate3A_678 = tpu.concatenate %div3A_607, %div3A_617, %div3A_627, %div3A_637, %div3A_647, %div3A_657, %div3A_667, %div3A_677 in 1 : vector<16x16xf32>, vector<16x16xf32>, vector<16x16xf32>, vector<16x16xf32>, vector<16x16xf32>, vector<16x16xf32>, vector<16x16xf32>, vector<16x16xf32> -> vector<16x128xf32>
      %get3A_679 = arith.constant 6 : index
      %get3A_680 = arith.constant 0 : index
      %get3A_681 = arith.constant 0 : index
      %get3A_682 = vector.load %arg23[%get3A_679, %get3A_680, %get3A_681] : memref<8x128x128xf32, #tpu.memory_space<vmem>>, vector<1x16x16xf32>
      %get3A_683 = vector.shape_cast %get3A_682 : vector<1x16x16xf32> to vector<16x16xf32>
      %slice3A_684 = vector.extract_strided_slice %add3A_194 {offsets = [6, 0], sizes = [1, 16], strides = [1, 1]} : vector<8x128xf32> to vector<1x16xf32>
      %squeeze3A_685 = vector.shape_cast %slice3A_684 : vector<1x16xf32> to vector<16xf32>
      %broadcast_in_dim3A_686 = vector.shape_cast %squeeze3A_685 : vector<16xf32> to vector<16x1xf32>
      %div3A_687 = vector.broadcast %broadcast_in_dim3A_686 : vector<16x1xf32> to vector<16x16xf32>
      %div3A_688 = arith.divf %get3A_683, %div3A_687 : vector<16x16xf32>
      %get3A_689 = arith.constant 6 : index
      %get3A_690 = arith.constant 16 : index
      %get3A_691 = arith.constant 16 : index
      %get3A_692 = vector.load %arg23[%get3A_689, %get3A_690, %get3A_691] : memref<8x128x128xf32, #tpu.memory_space<vmem>>, vector<1x16x16xf32>
      %get3A_693 = vector.shape_cast %get3A_692 : vector<1x16x16xf32> to vector<16x16xf32>
      %slice3A_694 = vector.extract_strided_slice %add3A_194 {offsets = [6, 16], sizes = [1, 16], strides = [1, 1]} : vector<8x128xf32> to vector<1x16xf32>
      %squeeze3A_695 = vector.shape_cast %slice3A_694 : vector<1x16xf32> to vector<16xf32>
      %broadcast_in_dim3A_696 = vector.shape_cast %squeeze3A_695 : vector<16xf32> to vector<16x1xf32>
      %div3A_697 = vector.broadcast %broadcast_in_dim3A_696 : vector<16x1xf32> to vector<16x16xf32>
      %div3A_698 = arith.divf %get3A_693, %div3A_697 : vector<16x16xf32>
      %get3A_699 = arith.constant 6 : index
      %get3A_700 = arith.constant 32 : index
      %get3A_701 = arith.constant 32 : index
      %get3A_702 = vector.load %arg23[%get3A_699, %get3A_700, %get3A_701] : memref<8x128x128xf32, #tpu.memory_space<vmem>>, vector<1x16x16xf32>
      %get3A_703 = vector.shape_cast %get3A_702 : vector<1x16x16xf32> to vector<16x16xf32>
      %slice3A_704 = vector.extract_strided_slice %add3A_194 {offsets = [6, 32], sizes = [1, 16], strides = [1, 1]} : vector<8x128xf32> to vector<1x16xf32>
      %squeeze3A_705 = vector.shape_cast %slice3A_704 : vector<1x16xf32> to vector<16xf32>
      %broadcast_in_dim3A_706 = vector.shape_cast %squeeze3A_705 : vector<16xf32> to vector<16x1xf32>
      %div3A_707 = vector.broadcast %broadcast_in_dim3A_706 : vector<16x1xf32> to vector<16x16xf32>
      %div3A_708 = arith.divf %get3A_703, %div3A_707 : vector<16x16xf32>
      %get3A_709 = arith.constant 6 : index
      %get3A_710 = arith.constant 48 : index
      %get3A_711 = arith.constant 48 : index
      %get3A_712 = vector.load %arg23[%get3A_709, %get3A_710, %get3A_711] : memref<8x128x128xf32, #tpu.memory_space<vmem>>, vector<1x16x16xf32>
      %get3A_713 = vector.shape_cast %get3A_712 : vector<1x16x16xf32> to vector<16x16xf32>
      %slice3A_714 = vector.extract_strided_slice %add3A_194 {offsets = [6, 48], sizes = [1, 16], strides = [1, 1]} : vector<8x128xf32> to vector<1x16xf32>
      %squeeze3A_715 = vector.shape_cast %slice3A_714 : vector<1x16xf32> to vector<16xf32>
      %broadcast_in_dim3A_716 = vector.shape_cast %squeeze3A_715 : vector<16xf32> to vector<16x1xf32>
      %div3A_717 = vector.broadcast %broadcast_in_dim3A_716 : vector<16x1xf32> to vector<16x16xf32>
      %div3A_718 = arith.divf %get3A_713, %div3A_717 : vector<16x16xf32>
      %get3A_719 = arith.constant 6 : index
      %get3A_720 = arith.constant 64 : index
      %get3A_721 = arith.constant 64 : index
      %get3A_722 = vector.load %arg23[%get3A_719, %get3A_720, %get3A_721] : memref<8x128x128xf32, #tpu.memory_space<vmem>>, vector<1x16x16xf32>
      %get3A_723 = vector.shape_cast %get3A_722 : vector<1x16x16xf32> to vector<16x16xf32>
      %slice3A_724 = vector.extract_strided_slice %add3A_194 {offsets = [6, 64], sizes = [1, 16], strides = [1, 1]} : vector<8x128xf32> to vector<1x16xf32>
      %squeeze3A_725 = vector.shape_cast %slice3A_724 : vector<1x16xf32> to vector<16xf32>
      %broadcast_in_dim3A_726 = vector.shape_cast %squeeze3A_725 : vector<16xf32> to vector<16x1xf32>
      %div3A_727 = vector.broadcast %broadcast_in_dim3A_726 : vector<16x1xf32> to vector<16x16xf32>
      %div3A_728 = arith.divf %get3A_723, %div3A_727 : vector<16x16xf32>
      %get3A_729 = arith.constant 6 : index
      %get3A_730 = arith.constant 80 : index
      %get3A_731 = arith.constant 80 : index
      %get3A_732 = vector.load %arg23[%get3A_729, %get3A_730, %get3A_731] : memref<8x128x128xf32, #tpu.memory_space<vmem>>, vector<1x16x16xf32>
      %get3A_733 = vector.shape_cast %get3A_732 : vector<1x16x16xf32> to vector<16x16xf32>
      %slice3A_734 = vector.extract_strided_slice %add3A_194 {offsets = [6, 80], sizes = [1, 16], strides = [1, 1]} : vector<8x128xf32> to vector<1x16xf32>
      %squeeze3A_735 = vector.shape_cast %slice3A_734 : vector<1x16xf32> to vector<16xf32>
      %broadcast_in_dim3A_736 = vector.shape_cast %squeeze3A_735 : vector<16xf32> to vector<16x1xf32>
      %div3A_737 = vector.broadcast %broadcast_in_dim3A_736 : vector<16x1xf32> to vector<16x16xf32>
      %div3A_738 = arith.divf %get3A_733, %div3A_737 : vector<16x16xf32>
      %get3A_739 = arith.constant 6 : index
      %get3A_740 = arith.constant 96 : index
      %get3A_741 = arith.constant 96 : index
      %get3A_742 = vector.load %arg23[%get3A_739, %get3A_740, %get3A_741] : memref<8x128x128xf32, #tpu.memory_space<vmem>>, vector<1x16x16xf32>
      %get3A_743 = vector.shape_cast %get3A_742 : vector<1x16x16xf32> to vector<16x16xf32>
      %slice3A_744 = vector.extract_strided_slice %add3A_194 {offsets = [6, 96], sizes = [1, 16], strides = [1, 1]} : vector<8x128xf32> to vector<1x16xf32>
      %squeeze3A_745 = vector.shape_cast %slice3A_744 : vector<1x16xf32> to vector<16xf32>
      %broadcast_in_dim3A_746 = vector.shape_cast %squeeze3A_745 : vector<16xf32> to vector<16x1xf32>
      %div3A_747 = vector.broadcast %broadcast_in_dim3A_746 : vector<16x1xf32> to vector<16x16xf32>
      %div3A_748 = arith.divf %get3A_743, %div3A_747 : vector<16x16xf32>
      %get3A_749 = arith.constant 6 : index
      %get3A_750 = arith.constant 112 : index
      %get3A_751 = arith.constant 112 : index
      %get3A_752 = vector.load %arg23[%get3A_749, %get3A_750, %get3A_751] : memref<8x128x128xf32, #tpu.memory_space<vmem>>, vector<1x16x16xf32>
      %get3A_753 = vector.shape_cast %get3A_752 : vector<1x16x16xf32> to vector<16x16xf32>
      %slice3A_754 = vector.extract_strided_slice %add3A_194 {offsets = [6, 112], sizes = [1, 16], strides = [1, 1]} : vector<8x128xf32> to vector<1x16xf32>
      %squeeze3A_755 = vector.shape_cast %slice3A_754 : vector<1x16xf32> to vector<16xf32>
      %broadcast_in_dim3A_756 = vector.shape_cast %squeeze3A_755 : vector<16xf32> to vector<16x1xf32>
      %div3A_757 = vector.broadcast %broadcast_in_dim3A_756 : vector<16x1xf32> to vector<16x16xf32>
      %div3A_758 = arith.divf %get3A_753, %div3A_757 : vector<16x16xf32>
      %concatenate3A_759 = tpu.concatenate %div3A_688, %div3A_698, %div3A_708, %div3A_718, %div3A_728, %div3A_738, %div3A_748, %div3A_758 in 1 : vector<16x16xf32>, vector<16x16xf32>, vector<16x16xf32>, vector<16x16xf32>, vector<16x16xf32>, vector<16x16xf32>, vector<16x16xf32>, vector<16x16xf32> -> vector<16x128xf32>
      %get3A_760 = arith.constant 7 : index
      %get3A_761 = arith.constant 0 : index
      %get3A_762 = arith.constant 0 : index
      %get3A_763 = vector.load %arg23[%get3A_760, %get3A_761, %get3A_762] : memref<8x128x128xf32, #tpu.memory_space<vmem>>, vector<1x16x16xf32>
      %get3A_764 = vector.shape_cast %get3A_763 : vector<1x16x16xf32> to vector<16x16xf32>
      %slice3A_765 = vector.extract_strided_slice %add3A_194 {offsets = [7, 0], sizes = [1, 16], strides = [1, 1]} : vector<8x128xf32> to vector<1x16xf32>
      %squeeze3A_766 = vector.shape_cast %slice3A_765 : vector<1x16xf32> to vector<16xf32>
      %broadcast_in_dim3A_767 = vector.shape_cast %squeeze3A_766 : vector<16xf32> to vector<16x1xf32>
      %div3A_768 = vector.broadcast %broadcast_in_dim3A_767 : vector<16x1xf32> to vector<16x16xf32>
      %div3A_769 = arith.divf %get3A_764, %div3A_768 : vector<16x16xf32>
      %get3A_770 = arith.constant 7 : index
      %get3A_771 = arith.constant 16 : index
      %get3A_772 = arith.constant 16 : index
      %get3A_773 = vector.load %arg23[%get3A_770, %get3A_771, %get3A_772] : memref<8x128x128xf32, #tpu.memory_space<vmem>>, vector<1x16x16xf32>
      %get3A_774 = vector.shape_cast %get3A_773 : vector<1x16x16xf32> to vector<16x16xf32>
      %slice3A_775 = vector.extract_strided_slice %add3A_194 {offsets = [7, 16], sizes = [1, 16], strides = [1, 1]} : vector<8x128xf32> to vector<1x16xf32>
      %squeeze3A_776 = vector.shape_cast %slice3A_775 : vector<1x16xf32> to vector<16xf32>
      %broadcast_in_dim3A_777 = vector.shape_cast %squeeze3A_776 : vector<16xf32> to vector<16x1xf32>
      %div3A_778 = vector.broadcast %broadcast_in_dim3A_777 : vector<16x1xf32> to vector<16x16xf32>
      %div3A_779 = arith.divf %get3A_774, %div3A_778 : vector<16x16xf32>
      %get3A_780 = arith.constant 7 : index
      %get3A_781 = arith.constant 32 : index
      %get3A_782 = arith.constant 32 : index
      %get3A_783 = vector.load %arg23[%get3A_780, %get3A_781, %get3A_782] : memref<8x128x128xf32, #tpu.memory_space<vmem>>, vector<1x16x16xf32>
      %get3A_784 = vector.shape_cast %get3A_783 : vector<1x16x16xf32> to vector<16x16xf32>
      %slice3A_785 = vector.extract_strided_slice %add3A_194 {offsets = [7, 32], sizes = [1, 16], strides = [1, 1]} : vector<8x128xf32> to vector<1x16xf32>
      %squeeze3A_786 = vector.shape_cast %slice3A_785 : vector<1x16xf32> to vector<16xf32>
      %broadcast_in_dim3A_787 = vector.shape_cast %squeeze3A_786 : vector<16xf32> to vector<16x1xf32>
      %div3A_788 = vector.broadcast %broadcast_in_dim3A_787 : vector<16x1xf32> to vector<16x16xf32>
      %div3A_789 = arith.divf %get3A_784, %div3A_788 : vector<16x16xf32>
      %get3A_790 = arith.constant 7 : index
      %get3A_791 = arith.constant 48 : index
      %get3A_792 = arith.constant 48 : index
      %get3A_793 = vector.load %arg23[%get3A_790, %get3A_791, %get3A_792] : memref<8x128x128xf32, #tpu.memory_space<vmem>>, vector<1x16x16xf32>
      %get3A_794 = vector.shape_cast %get3A_793 : vector<1x16x16xf32> to vector<16x16xf32>
      %slice3A_795 = vector.extract_strided_slice %add3A_194 {offsets = [7, 48], sizes = [1, 16], strides = [1, 1]} : vector<8x128xf32> to vector<1x16xf32>
      %squeeze3A_796 = vector.shape_cast %slice3A_795 : vector<1x16xf32> to vector<16xf32>
      %broadcast_in_dim3A_797 = vector.shape_cast %squeeze3A_796 : vector<16xf32> to vector<16x1xf32>
      %div3A_798 = vector.broadcast %broadcast_in_dim3A_797 : vector<16x1xf32> to vector<16x16xf32>
      %div3A_799 = arith.divf %get3A_794, %div3A_798 : vector<16x16xf32>
      %get3A_800 = arith.constant 7 : index
      %get3A_801 = arith.constant 64 : index
      %get3A_802 = arith.constant 64 : index
      %get3A_803 = vector.load %arg23[%get3A_800, %get3A_801, %get3A_802] : memref<8x128x128xf32, #tpu.memory_space<vmem>>, vector<1x16x16xf32>
      %get3A_804 = vector.shape_cast %get3A_803 : vector<1x16x16xf32> to vector<16x16xf32>
      %slice3A_805 = vector.extract_strided_slice %add3A_194 {offsets = [7, 64], sizes = [1, 16], strides = [1, 1]} : vector<8x128xf32> to vector<1x16xf32>
      %squeeze3A_806 = vector.shape_cast %slice3A_805 : vector<1x16xf32> to vector<16xf32>
      %broadcast_in_dim3A_807 = vector.shape_cast %squeeze3A_806 : vector<16xf32> to vector<16x1xf32>
      %div3A_808 = vector.broadcast %broadcast_in_dim3A_807 : vector<16x1xf32> to vector<16x16xf32>
      %div3A_809 = arith.divf %get3A_804, %div3A_808 : vector<16x16xf32>
      %get3A_810 = arith.constant 7 : index
      %get3A_811 = arith.constant 80 : index
      %get3A_812 = arith.constant 80 : index
      %get3A_813 = vector.load %arg23[%get3A_810, %get3A_811, %get3A_812] : memref<8x128x128xf32, #tpu.memory_space<vmem>>, vector<1x16x16xf32>
      %get3A_814 = vector.shape_cast %get3A_813 : vector<1x16x16xf32> to vector<16x16xf32>
      %slice3A_815 = vector.extract_strided_slice %add3A_194 {offsets = [7, 80], sizes = [1, 16], strides = [1, 1]} : vector<8x128xf32> to vector<1x16xf32>
      %squeeze3A_816 = vector.shape_cast %slice3A_815 : vector<1x16xf32> to vector<16xf32>
      %broadcast_in_dim3A_817 = vector.shape_cast %squeeze3A_816 : vector<16xf32> to vector<16x1xf32>
      %div3A_818 = vector.broadcast %broadcast_in_dim3A_817 : vector<16x1xf32> to vector<16x16xf32>
      %div3A_819 = arith.divf %get3A_814, %div3A_818 : vector<16x16xf32>
      %get3A_820 = arith.constant 7 : index
      %get3A_821 = arith.constant 96 : index
      %get3A_822 = arith.constant 96 : index
      %get3A_823 = vector.load %arg23[%get3A_820, %get3A_821, %get3A_822] : memref<8x128x128xf32, #tpu.memory_space<vmem>>, vector<1x16x16xf32>
      %get3A_824 = vector.shape_cast %get3A_823 : vector<1x16x16xf32> to vector<16x16xf32>
      %slice3A_825 = vector.extract_strided_slice %add3A_194 {offsets = [7, 96], sizes = [1, 16], strides = [1, 1]} : vector<8x128xf32> to vector<1x16xf32>
      %squeeze3A_826 = vector.shape_cast %slice3A_825 : vector<1x16xf32> to vector<16xf32>
      %broadcast_in_dim3A_827 = vector.shape_cast %squeeze3A_826 : vector<16xf32> to vector<16x1xf32>
      %div3A_828 = vector.broadcast %broadcast_in_dim3A_827 : vector<16x1xf32> to vector<16x16xf32>
      %div3A_829 = arith.divf %get3A_824, %div3A_828 : vector<16x16xf32>
      %get3A_830 = arith.constant 7 : index
      %get3A_831 = arith.constant 112 : index
      %get3A_832 = arith.constant 112 : index
      %get3A_833 = vector.load %arg23[%get3A_830, %get3A_831, %get3A_832] : memref<8x128x128xf32, #tpu.memory_space<vmem>>, vector<1x16x16xf32>
      %get3A_834 = vector.shape_cast %get3A_833 : vector<1x16x16xf32> to vector<16x16xf32>
      %slice3A_835 = vector.extract_strided_slice %add3A_194 {offsets = [7, 112], sizes = [1, 16], strides = [1, 1]} : vector<8x128xf32> to vector<1x16xf32>
      %squeeze3A_836 = vector.shape_cast %slice3A_835 : vector<1x16xf32> to vector<16xf32>
      %broadcast_in_dim3A_837 = vector.shape_cast %squeeze3A_836 : vector<16xf32> to vector<16x1xf32>
      %div3A_838 = vector.broadcast %broadcast_in_dim3A_837 : vector<16x1xf32> to vector<16x16xf32>
      %div3A_839 = arith.divf %get3A_834, %div3A_838 : vector<16x16xf32>
      %concatenate3A_840 = tpu.concatenate %div3A_769, %div3A_779, %div3A_789, %div3A_799, %div3A_809, %div3A_819, %div3A_829, %div3A_839 in 1 : vector<16x16xf32>, vector<16x16xf32>, vector<16x16xf32>, vector<16x16xf32>, vector<16x16xf32>, vector<16x16xf32>, vector<16x16xf32>, vector<16x16xf32> -> vector<16x128xf32>
      %concatenate3A_841 = tpu.concatenate %concatenate3A, %concatenate3A_354, %concatenate3A_435, %concatenate3A_516, %concatenate3A_597, %concatenate3A_678, %concatenate3A_759, %concatenate3A_840 in 0 : vector<16x128xf32>, vector<16x128xf32>, vector<16x128xf32>, vector<16x128xf32>, vector<16x128xf32>, vector<16x128xf32>, vector<16x128xf32>, vector<16x128xf32> -> vector<128x128xf32>
      %get3A_842 = arith.constant 0 : index
      %get3A_843 = arith.constant 0 : index
      %get3A_844 = vector.load %arg5[%get3A_842, %get3A_843] : memref<16x128xf32, #tpu.memory_space<vmem>>, vector<16x128xf32>
      %broadcast_in_dim3A_845 = vector.shape_cast %get3A_844 : vector<16x128xf32> to vector<1x16x128xf32>
      %broadcast_in_dim3A_846 = vector.shape_cast %broadcast_in_dim3A_845 : vector<1x16x128xf32> to vector<1x16x128xf32>
      %broadcast_in_dim3A_847 = vector.broadcast %broadcast_in_dim3A_846 : vector<1x16x128xf32> to vector<8x16x128xf32>
      %reshape3A = vector.shape_cast %broadcast_in_dim3A_847 : vector<8x16x128xf32> to vector<128x128xf32>
      %get3A_848 = arith.constant 0 : index
      %get3A_849 = arith.constant 0 : index
      %get3A_850 = vector.load %arg11[%get3A_848, %get3A_849] : memref<128x128xf32, #tpu.memory_space<vmem>>, vector<128x128xf32>
      %dot_general3A_851 = arith.constant dense<0.000000e+00> : vector<128x128xf32>
      %dot_general3A_852 = tpu.matmul %concatenate3A_841, %get3A_850, %dot_general3A_851 {dimension_numbers = #tpu.dot_dimension_numbers<[1], [1], [0], [0], [0, 0, 1, 0], [], []>, transpose_lhs_hint = false} : vector<128x128xf32>, vector<128x128xf32>, vector<128x128xf32> -> vector<128x128xf32>
      %get3A_853 = arith.constant 0 : index
      %get3A_854 = arith.constant 0 : index
      %get3A_855 = vector.load %arg12[%get3A_853, %get3A_854] : memref<1x128xf32, #tpu.memory_space<vmem>>, vector<1x128xf32>
      %add3A_856 = vector.broadcast %get3A_855 : vector<1x128xf32> to vector<128x128xf32>
      %add3A_857 = arith.addf %dot_general3A_852, %add3A_856 : vector<128x128xf32>
      %add3A_858 = arith.addf %reshape3A, %add3A_857 : vector<128x128xf32>
      %reduce_sum3A_859 = arith.constant dense<0.000000e+00> : vector<128xf32>
      %reduce_sum3A_860 = vector.multi_reduction <add>, %add3A_858, %reduce_sum3A_859 [1] : vector<128x128xf32> to vector<128xf32>
      %broadcast_in_dim3A_861 = vector.shape_cast %reduce_sum3A_860 : vector<128xf32> to vector<128x1xf32>
      %div3A_862 = arith.constant 1.280000e+02 : f32
      %div3A_863 = vector.broadcast %div3A_862 : f32 to vector<128x1xf32>
      %div3A_864 = arith.divf %broadcast_in_dim3A_861, %div3A_863 : vector<128x1xf32>
      %sub3A_865 = vector.broadcast %div3A_864 : vector<128x1xf32> to vector<128x128xf32>
      %sub3A_866 = arith.subf %add3A_858, %sub3A_865 : vector<128x128xf32>
      %integer_pow3A = arith.mulf %sub3A_866, %sub3A_866 : vector<128x128xf32>
      %reduce_sum3A_867 = arith.constant dense<0.000000e+00> : vector<128xf32>
      %reduce_sum3A_868 = vector.multi_reduction <add>, %integer_pow3A, %reduce_sum3A_867 [1] : vector<128x128xf32> to vector<128xf32>
      %broadcast_in_dim3A_869 = vector.shape_cast %reduce_sum3A_868 : vector<128xf32> to vector<128x1xf32>
      %div3A_870 = arith.constant 1.280000e+02 : f32
      %div3A_871 = vector.broadcast %div3A_870 : f32 to vector<128x1xf32>
      %div3A_872 = arith.divf %broadcast_in_dim3A_869, %div3A_871 : vector<128x1xf32>
      %sub3A_873 = vector.broadcast %div3A_864 : vector<128x1xf32> to vector<128x128xf32>
      %sub3A_874 = arith.subf %add3A_858, %sub3A_873 : vector<128x128xf32>
      %add3A_875 = arith.constant 9.99999974E-6 : f32
      %add3A_876 = vector.broadcast %add3A_875 : f32 to vector<128x1xf32>
      %add3A_877 = arith.addf %div3A_872, %add3A_876 : vector<128x1xf32>
      %sqrt3A = math.sqrt %add3A_877 : vector<128x1xf32>
      %div3A_878 = vector.broadcast %sqrt3A : vector<128x1xf32> to vector<128x128xf32>
      %div3A_879 = arith.divf %sub3A_874, %div3A_878 : vector<128x128xf32>
      %get3A_880 = arith.constant 0 : index
      %get3A_881 = arith.constant 0 : index
      %get3A_882 = vector.load %arg15[%get3A_880, %get3A_881] : memref<1x128xf32, #tpu.memory_space<vmem>>, vector<1x128xf32>
      %mul3A_883 = vector.broadcast %get3A_882 : vector<1x128xf32> to vector<128x128xf32>
      %mul3A_884 = arith.mulf %div3A_879, %mul3A_883 : vector<128x128xf32>
      %get3A_885 = arith.constant 0 : index
      %get3A_886 = arith.constant 0 : index
      %get3A_887 = vector.load %arg16[%get3A_885, %get3A_886] : memref<1x128xf32, #tpu.memory_space<vmem>>, vector<1x128xf32>
      %add3A_888 = vector.broadcast %get3A_887 : vector<1x128xf32> to vector<128x128xf32>
      %add3A_889 = arith.addf %mul3A_884, %add3A_888 : vector<128x128xf32>
      %get3A_890 = arith.constant 0 : index
      %get3A_891 = arith.constant 0 : index
      %get3A_892 = vector.load %arg13[%get3A_890, %get3A_891] : memref<128x128xf32, #tpu.memory_space<vmem>>, vector<128x128xf32>
      %dot_general3A_893 = arith.constant dense<0.000000e+00> : vector<128x128xf32>
      %dot_general3A_894 = tpu.matmul %add3A_889, %get3A_892, %dot_general3A_893 {dimension_numbers = #tpu.dot_dimension_numbers<[1], [1], [0], [0], [0, 0, 1, 0], [], []>, transpose_lhs_hint = false} : vector<128x128xf32>, vector<128x128xf32>, vector<128x128xf32> -> vector<128x128xf32>
      %get3A_895 = arith.constant 0 : index
      %get3A_896 = arith.constant 0 : index
      %get3A_897 = vector.load %arg14[%get3A_895, %get3A_896] : memref<1x128xf32, #tpu.memory_space<vmem>>, vector<1x128xf32>
      %add3A_898 = vector.broadcast %get3A_897 : vector<1x128xf32> to vector<128x128xf32>
      %add3A_899 = arith.addf %dot_general3A_894, %add3A_898 : vector<128x128xf32>
      %add3A_900 = arith.addf %add3A_889, %add3A_899 : vector<128x128xf32>
      %reduce_sum3A_901 = arith.constant dense<0.000000e+00> : vector<128xf32>
      %reduce_sum3A_902 = vector.multi_reduction <add>, %add3A_900, %reduce_sum3A_901 [1] : vector<128x128xf32> to vector<128xf32>
      %broadcast_in_dim3A_903 = vector.shape_cast %reduce_sum3A_902 : vector<128xf32> to vector<128x1xf32>
      %div3A_904 = arith.constant 1.280000e+02 : f32
      %div3A_905 = vector.broadcast %div3A_904 : f32 to vector<128x1xf32>
      %div3A_906 = arith.divf %broadcast_in_dim3A_903, %div3A_905 : vector<128x1xf32>
      %sub3A_907 = vector.broadcast %div3A_906 : vector<128x1xf32> to vector<128x128xf32>
      %sub3A_908 = arith.subf %add3A_900, %sub3A_907 : vector<128x128xf32>
      %integer_pow3A_909 = arith.mulf %sub3A_908, %sub3A_908 : vector<128x128xf32>
      %reduce_sum3A_910 = arith.constant dense<0.000000e+00> : vector<128xf32>
      %reduce_sum3A_911 = vector.multi_reduction <add>, %integer_pow3A_909, %reduce_sum3A_910 [1] : vector<128x128xf32> to vector<128xf32>
      %broadcast_in_dim3A_912 = vector.shape_cast %reduce_sum3A_911 : vector<128xf32> to vector<128x1xf32>
      %div3A_913 = arith.constant 1.280000e+02 : f32
      %div3A_914 = vector.broadcast %div3A_913 : f32 to vector<128x1xf32>
      %div3A_915 = arith.divf %broadcast_in_dim3A_912, %div3A_914 : vector<128x1xf32>
      %sub3A_916 = vector.broadcast %div3A_906 : vector<128x1xf32> to vector<128x128xf32>
      %sub3A_917 = arith.subf %add3A_900, %sub3A_916 : vector<128x128xf32>
      %add3A_918 = arith.constant 9.99999974E-6 : f32
      %add3A_919 = vector.broadcast %add3A_918 : f32 to vector<128x1xf32>
      %add3A_920 = arith.addf %div3A_915, %add3A_919 : vector<128x1xf32>
      %sqrt3A_921 = math.sqrt %add3A_920 : vector<128x1xf32>
      %div3A_922 = vector.broadcast %sqrt3A_921 : vector<128x1xf32> to vector<128x128xf32>
      %div3A_923 = arith.divf %sub3A_917, %div3A_922 : vector<128x128xf32>
      %get3A_924 = arith.constant 0 : index
      %get3A_925 = arith.constant 0 : index
      %get3A_926 = vector.load %arg17[%get3A_924, %get3A_925] : memref<1x128xf32, #tpu.memory_space<vmem>>, vector<1x128xf32>
      %mul3A_927 = vector.broadcast %get3A_926 : vector<1x128xf32> to vector<128x128xf32>
      %mul3A_928 = arith.mulf %div3A_923, %mul3A_927 : vector<128x128xf32>
      %get3A_929 = arith.constant 0 : index
      %get3A_930 = arith.constant 0 : index
      %get3A_931 = vector.load %arg18[%get3A_929, %get3A_930] : memref<1x128xf32, #tpu.memory_space<vmem>>, vector<1x128xf32>
      %add3A_932 = vector.broadcast %get3A_931 : vector<1x128xf32> to vector<128x128xf32>
      %add3A_933 = arith.addf %mul3A_928, %add3A_932 : vector<128x128xf32>
      %reshape3A_934 = vector.shape_cast %add3A_933 : vector<128x128xf32> to vector<8x16x128xf32>
      %swap3A_935 = arith.constant 0 : index
      %swap3A_936 = arith.constant 0 : index
      %swap3A_937 = arith.constant 0 : index
      %swap3A_938 = vector.load %arg19[%swap3A_935, %swap3A_936, %swap3A_937] : memref<8x16x128xf32, #tpu.memory_space<vmem>>, vector<8x16x128xf32>
      tpu.vector_store %arg19[%swap3A_935, %swap3A_936, %swap3A_937], %reshape3A_934 {strides = array<i32>} : memref<8x16x128xf32, #tpu.memory_space<vmem>>, vector<8x16x128xf32>,
    } else {
    }
    return
  }
  func.func @transform_0(%arg0: i32) -> (i32, i32, i32) {
    %c0_i32 = arith.constant 0 : i32
    %c0_i32_0 = arith.constant 0 : i32
    %c0_i32_1 = arith.constant 0 : i32
    return %c0_i32, %arg0, %c0_i32_0 : i32, i32, i32
  }
  func.func @transform_1(%arg0: i32) -> (i32, i32) {
    %c0_i32 = arith.constant 0 : i32
    %c0_i32_0 = arith.constant 0 : i32
    return %arg0, %c0_i32 : i32, i32
  }
  func.func @transform_2(%arg0: i32) -> (i32, i32) {
    %c0_i32 = arith.constant 0 : i32
    %c0_i32_0 = arith.constant 0 : i32
    return %arg0, %c0_i32 : i32, i32
  }
  func.func @transform_3(%arg0: i32) -> (i32, i32, i32) {
    %c0_i32 = arith.constant 0 : i32
    %c0_i32_0 = arith.constant 0 : i32
    %c0_i32_1 = arith.constant 0 : i32
    return %arg0, %c0_i32, %c0_i32_0 : i32, i32, i32
  }
  func.func @transform_4(%arg0: i32) -> (i32, i32) {
    %c0_i32 = arith.constant 0 : i32
    %c0_i32_0 = arith.constant 0 : i32
    %c0_i32_1 = arith.constant 0 : i32
    return %c0_i32, %c0_i32_0 : i32, i32
  }
  func.func @transform_5(%arg0: i32) -> (i32, i32) {
    %c0_i32 = arith.constant 0 : i32
    %c0_i32_0 = arith.constant 0 : i32
    %c0_i32_1 = arith.constant 0 : i32
    return %c0_i32, %c0_i32_0 : i32, i32
  }
  func.func @transform_6(%arg0: i32) -> (i32, i32) {
    %c0_i32 = arith.constant 0 : i32
    %c0_i32_0 = arith.constant 0 : i32
    %c0_i32_1 = arith.constant 0 : i32
    return %c0_i32, %c0_i32_0 : i32, i32
  }
  func.func @transform_7(%arg0: i32) -> (i32, i32) {
    %c0_i32 = arith.constant 0 : i32
    %c0_i32_0 = arith.constant 0 : i32
    %c0_i32_1 = arith.constant 0 : i32
    return %c0_i32, %c0_i32_0 : i32, i32
  }
  func.func @transform_8(%arg0: i32) -> (i32, i32) {
    %c0_i32 = arith.constant 0 : i32
    %c0_i32_0 = arith.constant 0 : i32
    %c0_i32_1 = arith.constant 0 : i32
    return %c0_i32, %c0_i32_0 : i32, i32
  }
  func.func @transform_9(%arg0: i32) -> (i32, i32) {
    %c0_i32 = arith.constant 0 : i32
    %c0_i32_0 = arith.constant 0 : i32
    %c0_i32_1 = arith.constant 0 : i32
    return %c0_i32, %c0_i32_0 : i32, i32
  }
  func.func @transform_10(%arg0: i32) -> (i32, i32) {
    %c0_i32 = arith.constant 0 : i32
    %c0_i32_0 = arith.constant 0 : i32
    %c0_i32_1 = arith.constant 0 : i32
    return %c0_i32, %c0_i32_0 : i32, i32
  }
  func.func @transform_11(%arg0: i32) -> (i32, i32) {
    %c0_i32 = arith.constant 0 : i32
    %c0_i32_0 = arith.constant 0 : i32
    %c0_i32_1 = arith.constant 0 : i32
    return %c0_i32, %c0_i32_0 : i32, i32
  }
  func.func @transform_12(%arg0: i32) -> (i32, i32) {
    %c0_i32 = arith.constant 0 : i32
    %c0_i32_0 = arith.constant 0 : i32
    %c0_i32_1 = arith.constant 0 : i32
    return %c0_i32, %c0_i32_0 : i32, i32
  }
  func.func @transform_13(%arg0: i32) -> (i32, i32) {
    %c0_i32 = arith.constant 0 : i32
    %c0_i32_0 = arith.constant 0 : i32
    %c0_i32_1 = arith.constant 0 : i32
    return %c0_i32, %c0_i32_0 : i32, i32
  }
  func.func @transform_14(%arg0: i32) -> (i32, i32) {
    %c0_i32 = arith.constant 0 : i32
    %c0_i32_0 = arith.constant 0 : i32
    %c0_i32_1 = arith.constant 0 : i32
    return %c0_i32, %c0_i32_0 : i32, i32
  }
  func.func @transform_15(%arg0: i32) -> (i32, i32) {
    %c0_i32 = arith.constant 0 : i32
    %c0_i32_0 = arith.constant 0 : i32
    %c0_i32_1 = arith.constant 0 : i32
    return %c0_i32, %c0_i32_0 : i32, i32
  }
  func.func @transform_16(%arg0: i32) -> (i32, i32) {
    %c0_i32 = arith.constant 0 : i32
    %c0_i32_0 = arith.constant 0 : i32
    %c0_i32_1 = arith.constant 0 : i32
    return %c0_i32, %c0_i32_0 : i32, i32
  }
  func.func @transform_17(%arg0: i32) -> (i32, i32) {
    %c0_i32 = arith.constant 0 : i32
    %c0_i32_0 = arith.constant 0 : i32
    %c0_i32_1 = arith.constant 0 : i32
    return %c0_i32, %c0_i32_0 : i32, i32
  }
  func.func @transform_18(%arg0: i32) -> (i32, i32, i32) {
    %c0_i32 = arith.constant 0 : i32
    %c0_i32_0 = arith.constant 0 : i32
    %c0_i32_1 = arith.constant 0 : i32
    %c0_i32_2 = arith.constant 0 : i32
    return %c0_i32, %c0_i32_0, %c0_i32_1 : i32, i32, i32
  }
}

</mosaic_0001>

<sc_bundles>
// kernel: kernel.6.cloned.1.call-start
scs
__scs_entry_jumppad:
0x0: {  	(pc) =	sbr.rel $0x88, $3  }
0x1: {  	(tag) =	ssettag $0x0;
	lr =	simm.s32 $0x1  }
0x2: {  	[smem:$0x3F90] =	sst lr;
	_ =	strace $0xD0000000  }
0x3: {  	_ = 	snop  }
0x4: {  	_ = 	snop  }
0x5: {  	_ = 	snop  }
0x6: {  	_ = 	snop  }
0x7: {  	_ = 	snop  }
__scs_overlays_trampoline_lowered:
0x8: {  	[smem:$0x3F9F] =	sst s0  }
0x9: {  	[smem:$0x3FA0] =	sst s1  }
0xa: {  	[smem:$0x3FA1] =	sst s2  }
0xb: {  	[smem:$0x3FA2] =	sst s3  }
0xc: {  	[smem:$0x3FA3] =	sst s4  }
0xd: {  	[smem:$0x3FA4] =	sst s5  }
0xe: {  	[smem:$0x3FA5] =	sst s6  }
0xf: {  	[smem:$0x3FA6] =	sst s7  }
0x10: {  	[smem:$0x3FA7] =	sst s8  }
0x11: {  	[smem:$0x3FA8] =	sst s9;
	s0 =	simm.s32 @!p0 $0x0  }
0x12: {  	s1 =	sld [smem:$0x3F8E];
	s0 =	simm.s32 @p0 $0x1  }
0x13: {  	[smem:$0x3FA9] =	sst s0;
	s0 =	simm.s32 @!p1 $0x0  }
0x14: {  	s2 =	sld [smem:$0x3F8D];
	s0 =	simm.s32 @p1 $0x1  }
0x15: {  	[smem:$0x3FAA] =	sst s0;
	s0 =	simm.s32 @!p2 $0x0  }
0x16: {  	s3 =	sld [smem:$0x3FDB];
	s0 =	simm.s32 @p2 $0x1  }
0x17: {  	s4 =	simm.s32 $0x1BF5;
	[smem:$0x3FAC] =	sst s0  }
0x18: {  	s0 =	sld [smem:$0x3F8F];
	_ =	swait.ge [sflag:s4], $0x0  }
0x19: {  	s7 =	sld [smem:$0x3F90]  }
0x1a: {  	s8 =	sadd.s32 $0xFFFFE003, lr  }
0x1b: {  	s9 =	sadd.s32 $0xFFFFFEF7, lr;
	s5 =	simm.s32 $0xFFFFFFFF;
	p2 =	slt.u32 s8, $0xFFFFF086  }
0x1c: {  	p1 =	slt.u32 s9, $0xF7A;
	s5 =	simm.s32 @!p2 $0x0  }
0x1d: {  	s5 =	simm.s32 @p1 $0x1;
	p0 =	seq.s32 s7, s2  }
0x1e: {  	s7 =	smul.u32 @!p0 $0xF7A, s2;
	p2 =	seq.s32 @!p0 s5, $0x0  }
0x1f: {  	s9 =	smul.u32 $0xF7A, s1;
	s8 =	simm.s32 @!p0 $0x1BF5;
	p2 =	por !p2, p0  }
0x20: {  	[sflag:s8] =	ssyncset.s32 @!p0 $0xFFFFF086;
	s6 =	sadd.s32 @!p0 s3, s7;
	s7 =	simm.s32 @!p0 $0x108  }
0x21: {  	s3 =	sadd.s32 s3, s9;
	s6 =	sadd.s32 @!p0 $0x88, s6;
	s7 =	simm.s32 @p2 $0x1082  }
0x22: {  	[simem:s7], [sflag:s8] =	dma.local @!p0 [hbm:s6], $0xF7A  }
0x23: {  	s9 =	sor.u32 $0xD0000000, s2;
	s6 =	simm.s32 $0x108;
	_ =	swait.ge @!p0 [sflag:s8], $0x0  }
0x24: {  	s3 =	sadd.s32 $0x88, s3;
	s6 =	simm.s32 @!p1 $0x1082;
	[sflag:s4] =	ssyncset.s32 $0xFFFFF086  }
0x25: {  	[simem:s6], [sflag:s4] =	dma.local [hbm:s3], $0xF7A  }
0x26: {  	[smem:$0x3F90] =	sst s1;
	(tag) =	ssettag s2;
	_ =	strace s9  }
0x27: {  	s1 =	sld [smem:$0x3FA0]  }
0x28: {  	s2 =	sld [smem:$0x3FA1]  }
0x29: {  	s4 =	sld [smem:$0x3FA3]  }
0x2a: {  	p0 =	seq.s32 s5, $0x0;
	s5 =	sld [smem:$0x3FA4]  }
0x2b: {  	s6 =	sld [smem:$0x3FA5]  }
0x2c: {  	s7 =	sld [smem:$0x3FA6]  }
0x2d: {  	s3 =	simm.s32 $0x108;
	s8 =	sld [smem:$0x3FA7]  }
0x2e: {  	s3 =	simm.s32 @!p0 $0x1082;
	s9 =	sld [smem:$0x3FA8]  }
0x2f: {  	lr =	sadd.s32 s0, s3;
	s0 =	sld [smem:$0x3F9F]  }
0x30: {  	s3 =	sld [smem:$0x3FA2]  }
0x31: {  	[smem:$0x3FAB] =	sst s10  }
0x32: {  	s10 =	sld [smem:$0x3FA9];
	_ =	sdelay $0x3  }
0x33: {  	p0 =	seq.s32 s10, $0x1;
	s10 =	sld [smem:$0x3FAB];
	_ =	sdelay $0x3  }
0x34: {  	[smem:$0x3FAB] =	sst s10  }
0x35: {  	s10 =	sld [smem:$0x3FAA];
	_ =	sdelay $0x3  }
0x36: {  	p1 =	seq.s32 s10, $0x1;
	s10 =	sld [smem:$0x3FAB];
	_ =	sdelay $0x3  }
0x37: {  	[smem:$0x3FAB] =	sst s10  }
0x38: {  	s10 =	sld [smem:$0x3FAC]  }
0x39: {  	_ = 	snop;
	(pc) =	sbr.ind lr, $3  }
0x3a: {  	_ = 	snop  }
0x3b: {  	_ = 	snop  }
0x3c: {  	p2 =	seq.s32 s10, $0x1;
	s10 =	sld [smem:$0x3FAB]  }
0x3d: {  	_ =	shalt  }
0x3e: {  	_ =	shalt  }
0x3f: {  	_ =	shalt  }
0x40: {  	_ =	shalt  }
0x41: {  	_ =	shalt  }
0x42: {  	_ =	shalt  }
0x43: {  	_ =	shalt  }
0x44: {  	_ =	shalt  }
0x45: {  	_ =	shalt  }
0x46: {  	_ =	shalt  }
0x47: {  	_ =	shalt  }
0x48: {  	_ =	shalt  }
0x49: {  	_ =	shalt  }
0x4a: {  	_ =	shalt  }
0x4b: {  	_ =	shalt  }
0x4c: {  	_ =	shalt  }
0x4d: {  	_ =	shalt  }
0x4e: {  	_ =	shalt  }
0x4f: {  	_ =	shalt  }
0x50: {  	_ =	shalt  }
0x51: {  	_ =	shalt  }
0x52: {  	_ =	shalt  }
0x53: {  	_ =	shalt  }
0x54: {  	_ =	shalt  }
0x55: {  	_ =	shalt  }
0x56: {  	_ =	shalt  }
0x57: {  	_ =	shalt  }
0x58: {  	_ =	shalt  }
0x59: {  	_ =	shalt  }
0x5a: {  	_ =	shalt  }
0x5b: {  	_ =	shalt  }
0x5c: {  	_ =	shalt  }
0x5d: {  	_ =	shalt  }
0x5e: {  	_ =	shalt  }
0x5f: {  	_ =	shalt  }
0x60: {  	_ =	shalt  }
0x61: {  	_ =	shalt  }
0x62: {  	_ =	shalt  }
0x63: {  	_ =	shalt  }
0x64: {  	_ =	shalt  }
0x65: {  	_ =	shalt  }
0x66: {  	_ =	shalt  }
0x67: {  	_ =	shalt  }
0x68: {  	_ =	shalt  }
0x69: {  	_ =	shalt  }
0x6a: {  	_ =	shalt  }
0x6b: {  	_ =	shalt  }
0x6c: {  	_ =	shalt  }
0x6d: {  	_ =	shalt  }
0x6e: {  	_ =	shalt  }
0x6f: {  	_ =	shalt  }
0x70: {  	_ =	shalt  }
0x71: {  	_ =	shalt  }
0x72: {  	_ =	shalt  }
0x73: {  	_ =	shalt  }
0x74: {  	_ =	shalt  }
0x75: {  	_ =	shalt  }
0x76: {  	_ =	shalt  }
0x77: {  	_ =	shalt  }
0x78: {  	_ =	shalt  }
0x79: {  	_ =	shalt  }
0x7a: {  	_ =	shalt  }
0x7b: {  	_ =	shalt  }
0x7c: {  	_ =	shalt  }
0x7d: {  	_ =	shalt  }
0x7e: {  	_ =	shalt  }
0x7f: {  	_ =	shalt  }
0x80: {  	_ =	shalt  }
0x81: {  	_ =	shalt  }
0x82: {  	_ =	shalt  }
0x83: {  	_ =	shalt  }
0x84: {  	_ =	shalt  }
0x85: {  	_ =	shalt  }
0x86: {  	_ =	shalt  }
0x87: {  	_ =	shalt  }
.Lfunc_end0:
.L_simem_size_0:
called_computation_lowered:
.L_overlay_start_0:
0x88: {  	s2 =	sld [smem:$0x3FD9]  }
0x89: {  	s3 =	sld [smem:$0x3FFE];
	_ =	sdelay $0x1  }
0x8a: {  	s1 =	srdreg.scid  }
0x8b: {  	s0 =	sand.u32 $0x1, s1  }
0x8c: {  	s16 =	sshll.u32 s0, $0xA;
	s2 =	sadd.s32 s3, s2  }
0x8d: {  	s2 =	sadd.s32 s2, s16  }
0x8e: {  	[smem:$0x3FB7] =	sst s2  }
0x8f: {  	_ = 	snop  }
0x90: {  	(tm) =	ssettm $0x1  }
0x91: {  	s17 =	sld [smem:$0x3FFB];
	_ =	sdelay $0x3  }
0x92: {  	_ =	strace s17  }
0x93: {  	s2 =	sld [smem:$0x3FFC];
	_ =	sdelay $0x3  }
0x94: {  	_ =	strace s2  }
0x95: {  	s2 =	sld [smem:$0x3FFD];
	_ =	sdelay $0x3  }
0x96: {  	_ =	strace s2  }
0x97: {  	_ =	strace $0x8FFFFFFF  }
0x98: {  	s18 =	sld [smem:$0x3FDB];
	_ =	sdelay $0x1  }
0x99: {  	s19 =	simm.s32 $_scs_section_size  }
0x9a: {  	s4 =	simm.s32 $_size__tile_overlayer_lowered;
	s5 =	simm.s32 $_tile_overlayer_lowered  }
0x9b: {  	s22 =	simm.s32 $0x1BFF;
	s21 =	sshll.u32 s5, $0x1;
	s2 =	sadd.s32 s19, s18  }
0x9c: {  	s6 =	simm.s32 $0x0;
	s20 =	sshll.u32 s4, $0x1;
	s4 =	sadd.s32 s21, s2  }
0x9d: {  	[timem:s6], [sflag:s22] =	dma.local [hbm:s4], s20  }
0x9e: {  	_ =	swait.ge [sflag:s22], s20  }
0x9f: {  	s3 =	ssub.s32 $0x0, s20;
	[sflag:s22] =	ssyncset.done $0x0  }
0xa0: {  	[sflag:s22] =	ssyncadd.s32 s3;
	_ =	sdelay $0x1  }
0xa1: {  	s23 =	simm.s32 $0x1B8B  }
0xa2: {  	_ =	swait.ge [sflag:s23], $0x1  }
0xa3: {  	[sflag:s23] =	ssyncset.done $0x0  }
0xa4: {  	s25 =	simm.s32 $0x1B8E;
	s24 =	sld [smem:$0x3FFE];
	[sflag:s23] =	ssyncadd.s32 $0xFFFFFFFF  }
0xa5: {  	s26 =	simm.s32 $execute0_lowered;
	[smem:$0x3FD2] =	sst s25  }
0xa6: {  	s4 =	sshll.u32 s26, $0x1;
	_ =	strace $0x80000046;
	[dreg:$0x1] =	wrdreg $0xFFFFFFFF  }
0xa7: {  	s28 =	simm.s32 $_size_execute0_lowered;
	s2 =	sadd.s32 s2, s4;
	[dreg:$0x0] =	wrdreg $0x0  }
0xa8: {  	s4 =	sshll.u32 s28, $0x1;
	[dreg:$0x2] =	wrdreg s2  }
0xa9: {  	[dreg:$0x3] =	wrdreg s4  }
0xaa: {  	[dreg:$0x4] =	wrdreg $0xC0  }
0xab: {  	_ =	task [dreg:s6], $0x5FFFF  }
0xac: {  	[dreg:$0x1] =	wrdreg $0xFFFFFFFF  }
0xad: {  	[dreg:$0x0] =	wrdreg $0x60  }
0xae: {  	[dreg:$0x2] =	wrdreg s24  }
0xaf: {  	[dreg:$0x3] =	wrdreg $0x9  }
0xb0: {  	_ =	task.clear_ibuf [dreg:s6], $0x4FFFF;
	_ =	strace $0x90000046  }
0xb1: {  	s29 =	simm.s32 $0x9;
	_ =	strace $0x80000048  }
0xb2: {  	_ =	swait.ge [sflag:s29], $0x1  }
0xb3: {  	[sflag:s29] =	ssyncadd.s32 $0xFFFFFFFF  }
0xb4: {  	_ =	strace $0x90000048  }
0xb5: {  	_ =	sfence  }
0xb6: {  	s30 =	sld [smem:$0x0];
	_ =	sdelay $0x2  }
0xb7: {  	s31 =	sshll.u32 s1, $0xD;
	s1 =	sshrl.u32 s1, $0x2  }
0xb8: {  	s3 =	sand.u32 $0x4000, s31;
	s1 =	sadd.s32 s1, s30  }
0xb9: {  	s0 =	sor.u32 s3, s0;
	s1 =	sshll.u32 s1, $0x11  }
0xba: {  	s0 =	sor.u32 s1, s0  }
0xbb: {  	s0 =	sadd.s32 $0x8F2B, s0  }
0xbc: {  	[sflag:s0] =	ssyncadd.remote.s32 $0x1  }
0xbd: {  	_ =	sfence.sel $0xFFFF  }
0xbe: {  	[dreg:$0x0] =	wrdreg $0xFFFFFFFF;
	(pc) =	sbr.abs _section_cstart, $3  }
0xbf: {  	[dreg:$0x1] =	wrdreg $0xFFFFFFFF  }
0xc0: {  	_ =	task.clear_ibuf [dreg:s6], $0x2FFFF;
	_ =	strace $0x9FFFFFFF  }
0xc1: {  	(tm) =	ssettm $0x7FFFFFFF  }
tec
execute0_lowered:
.L_overlay_start_1:
0x0: {  	(tag) =	ssettag $0x1  }
0x1: {  	s1 =	srdreg.scid  }
0x2: {  	s0 =	stileid.u32;
	s5 =	rddreg [dreg:$0x0]  }
0x3: {  	s2 =	simm.s32 $0x0;
	s8 =	simm.s32 $0x80;
	s9 =	simm.s32 $0x400  }
0x4: {  	s10 =	simm.s32 $0x0;
	s3 =	sand.u32 $0x1, s1;
	s29 =	sshll.u32 s0, $0x1  }
0x5: {  	s30 =	sshrl.u32 s0, $0x2;
	s1 =	rddreg [dreg:$0x1];
	s4 =	sor.u32 s3, s29  }
0x6: {  	[smem:$0x7FF] =	sst s2;
	s6 =	smul.u32 $0x13C00, s30;
	s7 =	sshll.u32 s4, $0x7  }
0x7: {  	s3 =	ssub.s32 $0x2, s3;
	s4 =	smul.u32 $0x4E2, s4;
	s7 =	sand.u32 $0x380, s7  }
0x8: {  	_ =	strace $0x80000047;
	s31 =	sshrl.u32 s3, $0x1;
	s6 =	sor.u32 s6, s7  }
0x9: {  	s4 =	sadd.s32 s4, s5;
	s7 =	simm.s32 $0x2780;
	s6 =	sshrl.u32 s6, $0x3  }
0xa: {  	s5 =	sadd.s32 s6, s5;
	s6 =	ssub.s32 s3, s31;
	s3 =	sadd.s32 $0x3600, s4  }
0xb: {  	v0 =	vimm.f32 $0.0e+00;
	v1 =	vimm.f32 $1.000000000e+00;
	s4 =	sadd.s32 $0x17200, s5;
	s5 =	smax.u32 s6, $0x1;
	s6 =	simm.s32 $0x1  }
.LBB2_1:
0xc: {  	[tilespmem:s2], [sflag:$0x1] =	stream.linear.gather [hbm4b:s3+s2], $0x2710, $0x38;
	[tilespmem:$0x4F00] =	vst v63  }
0xd: {  	_ =	swait.ge [sflag:s6], $0x2710  }
0xe: {  	[sflag:s6] =	ssyncset.done $0x0  }
0xf: {  	s11 =	simm.s32 $0x0;
	[sflag:s6] =	ssyncadd.s32 $0xFFFFD8F0  }
.LBB2_2:
0x10: {  	p0 =	sne.s32 s11, $0x9C00  }
.Ltmp0:
0x11: {  	_ = 	snop;
	(pc) =	sbr.rel @p0 .LBB2_2-.Ltmp0, $3  }
0x12: {  	_ =	sdelay $0x1  }
0x13: {  	s12 =	sshra.s32 s11, $0x2  }
0x14: {  	s11 =	sadd.s32 $0x40, s11;
	[tilespmem:s12+$0x2780] =	vst v0  }
0x15: {  	s12 =	simm.s32 $0x0;
	s11 =	simm.s32 $0x40  }
.LBB2_4:
0x16: {  	p0 =	sne.s32 s11, $0x9C00;
	v2 =	vld [tilespmem:s12+$0x0];
	_ =	sdelay $0x3  }
.Ltmp1:
0x17: {  	(pc) =	sbr.rel @p0 .LBB2_4-.Ltmp1, $2  }
0x18: {  	_ =	sdelay $0x2  }
0x19: {  	s12 =	sshra.s32 s11, $0x2;
	s11 =	sadd.s32 $0x40, s11;
	[tilespmem:v2+s7+$0x0] =	vst.idx.add.f32.msk $0xffff, v1  }
0x1a: {  	v2 =	vld [tilespmem:s12+$0x0];
	_ =	sdelay $0x5  }
0x1b: {  	s10 =	sadd.s32 $0x1, s10  }
0x1c: {  	p0 =	sne.s32 s10, s5  }
.Ltmp2:
0x1d: {  	[tilespmem:v2+s7+$0x0] =	vst.idx.add.f32.msk $0xffff, v1;
	(pc) =	sbr.rel @p0 .LBB2_1-.Ltmp2, $4  }
0x1e: {  	[hbm4b:s4+s8] =	stream.strided.scatter [tilespmem:s7], [sflag:$0x1], $0x2780, s9, s8, $0x38;
	[tilespmem:$0x4F00] =	vst v63  }
0x1f: {  	_ =	swait.ge [sflag:s6], $0x2780  }
0x20: {  	[sflag:s6] =	ssyncset.done $0x0  }
0x21: {  	[sflag:s6] =	ssyncadd.s32 $0xFFFFD880  }
0x22: {  	_ =	sfence.sel $0x180000  }
0x23: {  	[bflag:$0x0] =	sbarrier.arrive $0xFFFF  }
0x24: {  	p0 =	sne.s32 s0, $0x0;
	_ =	strace $0x90000047  }
0x25: {  	s0 =	sadd.s32 @!p0 $0x100000, s1;
	[bflag:$0x2] =	sbarrier.arrive $0xFFFF  }
0x26: {  	[sflag:s0] =	ssyncadd.tile.s32 @!p0 $0x1;
	_ =	shalt  }
.Lfunc_end2:
_tile_overlayer_lowered:
.L_overlay_start_2:
0x27: {  	(tag) =	ssettag $0x2  }
0x28: {  	s0 =	rddreg [dreg:$0x0];
	s2 =	stileid.u32  }
0x29: {  	s1 =	rddreg [dreg:$0x1];
	p0 =	sne.s32 s2, $0x0  }
0x2a: {  	s3 =	rddreg [dreg:$0x2];
	[bflag:$0x3] =	sbarrier.arrive $0xFFFF;
	s2 =	simm.s32 @!p0 $0x1C01  }
0x2b: {  	[timem:s3], [sflag:s2] =	dma.local @!p0 [hbm:s0], s1  }
0x2c: {  	s0 =	simm.s32 @!p0 $0x1  }
0x2d: {  	_ =	swait.ge @!p0 [sflag:s0], s1  }
0x2e: {  	s1 =	ssub.s32 @!p0 $0x0, s1;
	[sflag:s0] =	ssyncset.done @!p0 $0x0  }
0x2f: {  	[sflag:s0] =	ssyncadd.s32 @!p0 s1  }
0x30: {  	[bflag:$0x3] =	sbarrier.arrive $0xFFFF  }
0x31: {  	_ =	shalt  }

// kernel: kernel.9.cloned.1.call-start
scs
__scs_entry_jumppad:
0x0: {  	(pc) =	sbr.rel $0x88, $3  }
0x1: {  	(tag) =	ssettag $0x0;
	lr =	simm.s32 $0x1  }
0x2: {  	[smem:$0x3F90] =	sst lr;
	_ =	strace $0xD0000000  }
0x3: {  	_ = 	snop  }
0x4: {  	_ = 	snop  }
0x5: {  	_ = 	snop  }
0x6: {  	_ = 	snop  }
0x7: {  	_ = 	snop  }
__scs_overlays_trampoline_lowered:
0x8: {  	[smem:$0x3F9F] =	sst s0  }
0x9: {  	[smem:$0x3FA0] =	sst s1  }
0xa: {  	[smem:$0x3FA1] =	sst s2  }
0xb: {  	[smem:$0x3FA2] =	sst s3  }
0xc: {  	[smem:$0x3FA3] =	sst s4  }
0xd: {  	[smem:$0x3FA4] =	sst s5  }
0xe: {  	[smem:$0x3FA5] =	sst s6  }
0xf: {  	[smem:$0x3FA6] =	sst s7  }
0x10: {  	[smem:$0x3FA7] =	sst s8  }
0x11: {  	[smem:$0x3FA8] =	sst s9;
	s0 =	simm.s32 @!p0 $0x0  }
0x12: {  	s1 =	sld [smem:$0x3F8E];
	s0 =	simm.s32 @p0 $0x1  }
0x13: {  	[smem:$0x3FA9] =	sst s0;
	s0 =	simm.s32 @!p1 $0x0  }
0x14: {  	s2 =	sld [smem:$0x3F8D];
	s0 =	simm.s32 @p1 $0x1  }
0x15: {  	[smem:$0x3FAA] =	sst s0;
	s0 =	simm.s32 @!p2 $0x0  }
0x16: {  	s3 =	sld [smem:$0x3FDB];
	s0 =	simm.s32 @p2 $0x1  }
0x17: {  	s4 =	simm.s32 $0x1BF5;
	[smem:$0x3FAC] =	sst s0  }
0x18: {  	s0 =	sld [smem:$0x3F8F];
	_ =	swait.ge [sflag:s4], $0x0  }
0x19: {  	s7 =	sld [smem:$0x3F90]  }
0x1a: {  	s8 =	sadd.s32 $0xFFFFE003, lr  }
0x1b: {  	s9 =	sadd.s32 $0xFFFFFEF7, lr;
	s5 =	simm.s32 $0xFFFFFFFF;
	p2 =	slt.u32 s8, $0xFFFFF086  }
0x1c: {  	p1 =	slt.u32 s9, $0xF7A;
	s5 =	simm.s32 @!p2 $0x0  }
0x1d: {  	s5 =	simm.s32 @p1 $0x1;
	p0 =	seq.s32 s7, s2  }
0x1e: {  	s7 =	smul.u32 @!p0 $0xF7A, s2;
	p2 =	seq.s32 @!p0 s5, $0x0  }
0x1f: {  	s9 =	smul.u32 $0xF7A, s1;
	s8 =	simm.s32 @!p0 $0x1BF5;
	p2 =	por !p2, p0  }
0x20: {  	[sflag:s8] =	ssyncset.s32 @!p0 $0xFFFFF086;
	s6 =	sadd.s32 @!p0 s3, s7;
	s7 =	simm.s32 @!p0 $0x108  }
0x21: {  	s3 =	sadd.s32 s3, s9;
	s6 =	sadd.s32 @!p0 $0x88, s6;
	s7 =	simm.s32 @p2 $0x1082  }
0x22: {  	[simem:s7], [sflag:s8] =	dma.local @!p0 [hbm:s6], $0xF7A  }
0x23: {  	s9 =	sor.u32 $0xD0000000, s2;
	s6 =	simm.s32 $0x108;
	_ =	swait.ge @!p0 [sflag:s8], $0x0  }
0x24: {  	s3 =	sadd.s32 $0x88, s3;
	s6 =	simm.s32 @!p1 $0x1082;
	[sflag:s4] =	ssyncset.s32 $0xFFFFF086  }
0x25: {  	[simem:s6], [sflag:s4] =	dma.local [hbm:s3], $0xF7A  }
0x26: {  	[smem:$0x3F90] =	sst s1;
	(tag) =	ssettag s2;
	_ =	strace s9  }
0x27: {  	s1 =	sld [smem:$0x3FA0]  }
0x28: {  	s2 =	sld [smem:$0x3FA1]  }
0x29: {  	s4 =	sld [smem:$0x3FA3]  }
0x2a: {  	p0 =	seq.s32 s5, $0x0;
	s5 =	sld [smem:$0x3FA4]  }
0x2b: {  	s6 =	sld [smem:$0x3FA5]  }
0x2c: {  	s7 =	sld [smem:$0x3FA6]  }
0x2d: {  	s3 =	simm.s32 $0x108;
	s8 =	sld [smem:$0x3FA7]  }
0x2e: {  	s3 =	simm.s32 @!p0 $0x1082;
	s9 =	sld [smem:$0x3FA8]  }
0x2f: {  	lr =	sadd.s32 s0, s3;
	s0 =	sld [smem:$0x3F9F]  }
0x30: {  	s3 =	sld [smem:$0x3FA2]  }
0x31: {  	[smem:$0x3FAB] =	sst s10  }
0x32: {  	s10 =	sld [smem:$0x3FA9];
	_ =	sdelay $0x3  }
0x33: {  	p0 =	seq.s32 s10, $0x1;
	s10 =	sld [smem:$0x3FAB];
	_ =	sdelay $0x3  }
0x34: {  	[smem:$0x3FAB] =	sst s10  }
0x35: {  	s10 =	sld [smem:$0x3FAA];
	_ =	sdelay $0x3  }
0x36: {  	p1 =	seq.s32 s10, $0x1;
	s10 =	sld [smem:$0x3FAB];
	_ =	sdelay $0x3  }
0x37: {  	[smem:$0x3FAB] =	sst s10  }
0x38: {  	s10 =	sld [smem:$0x3FAC]  }
0x39: {  	_ = 	snop;
	(pc) =	sbr.ind lr, $3  }
0x3a: {  	_ = 	snop  }
0x3b: {  	_ = 	snop  }
0x3c: {  	p2 =	seq.s32 s10, $0x1;
	s10 =	sld [smem:$0x3FAB]  }
0x3d: {  	_ =	shalt  }
0x3e: {  	_ =	shalt  }
0x3f: {  	_ =	shalt  }
0x40: {  	_ =	shalt  }
0x41: {  	_ =	shalt  }
0x42: {  	_ =	shalt  }
0x43: {  	_ =	shalt  }
0x44: {  	_ =	shalt  }
0x45: {  	_ =	shalt  }
0x46: {  	_ =	shalt  }
0x47: {  	_ =	shalt  }
0x48: {  	_ =	shalt  }
0x49: {  	_ =	shalt  }
0x4a: {  	_ =	shalt  }
0x4b: {  	_ =	shalt  }
0x4c: {  	_ =	shalt  }
0x4d: {  	_ =	shalt  }
0x4e: {  	_ =	shalt  }
0x4f: {  	_ =	shalt  }
0x50: {  	_ =	shalt  }
0x51: {  	_ =	shalt  }
0x52: {  	_ =	shalt  }
0x53: {  	_ =	shalt  }
0x54: {  	_ =	shalt  }
0x55: {  	_ =	shalt  }
0x56: {  	_ =	shalt  }
0x57: {  	_ =	shalt  }
0x58: {  	_ =	shalt  }
0x59: {  	_ =	shalt  }
0x5a: {  	_ =	shalt  }
0x5b: {  	_ =	shalt  }
0x5c: {  	_ =	shalt  }
0x5d: {  	_ =	shalt  }
0x5e: {  	_ =	shalt  }
0x5f: {  	_ =	shalt  }
0x60: {  	_ =	shalt  }
0x61: {  	_ =	shalt  }
0x62: {  	_ =	shalt  }
0x63: {  	_ =	shalt  }
0x64: {  	_ =	shalt  }
0x65: {  	_ =	shalt  }
0x66: {  	_ =	shalt  }
0x67: {  	_ =	shalt  }
0x68: {  	_ =	shalt  }
0x69: {  	_ =	shalt  }
0x6a: {  	_ =	shalt  }
0x6b: {  	_ =	shalt  }
0x6c: {  	_ =	shalt  }
0x6d: {  	_ =	shalt  }
0x6e: {  	_ =	shalt  }
0x6f: {  	_ =	shalt  }
0x70: {  	_ =	shalt  }
0x71: {  	_ =	shalt  }
0x72: {  	_ =	shalt  }
0x73: {  	_ =	shalt  }
0x74: {  	_ =	shalt  }
0x75: {  	_ =	shalt  }
0x76: {  	_ =	shalt  }
0x77: {  	_ =	shalt  }
0x78: {  	_ =	shalt  }
0x79: {  	_ =	shalt  }
0x7a: {  	_ =	shalt  }
0x7b: {  	_ =	shalt  }
0x7c: {  	_ =	shalt  }
0x7d: {  	_ =	shalt  }
0x7e: {  	_ =	shalt  }
0x7f: {  	_ =	shalt  }
0x80: {  	_ =	shalt  }
0x81: {  	_ =	shalt  }
0x82: {  	_ =	shalt  }
0x83: {  	_ =	shalt  }
0x84: {  	_ =	shalt  }
0x85: {  	_ =	shalt  }
0x86: {  	_ =	shalt  }
0x87: {  	_ =	shalt  }
.Lfunc_end0:
.L_simem_size_0:
called_computation.1_lowered:
.L_overlay_start_0:
0x88: {  	s2 =	sld [smem:$0x3FD9]  }
0x89: {  	s3 =	sld [smem:$0x3FFE];
	_ =	sdelay $0x1  }
0x8a: {  	s1 =	srdreg.scid  }
0x8b: {  	s0 =	sand.u32 $0x1, s1  }
0x8c: {  	s16 =	sshll.u32 s0, $0xA;
	s2 =	sadd.s32 s3, s2  }
0x8d: {  	s2 =	sadd.s32 s2, s16  }
0x8e: {  	[smem:$0x3FB7] =	sst s2  }
0x8f: {  	_ = 	snop  }
0x90: {  	(tm) =	ssettm $0x1  }
0x91: {  	s17 =	sld [smem:$0x3FFB];
	_ =	sdelay $0x3  }
0x92: {  	_ =	strace s17  }
0x93: {  	s2 =	sld [smem:$0x3FFC];
	_ =	sdelay $0x3  }
0x94: {  	_ =	strace s2  }
0x95: {  	s2 =	sld [smem:$0x3FFD];
	_ =	sdelay $0x3  }
0x96: {  	_ =	strace s2  }
0x97: {  	_ =	strace $0x8FFFFFFF  }
0x98: {  	s18 =	sld [smem:$0x3FDB];
	_ =	sdelay $0x1  }
0x99: {  	s19 =	simm.s32 $_scs_section_size  }
0x9a: {  	s4 =	simm.s32 $_size__tile_overlayer_lowered;
	s5 =	simm.s32 $_tile_overlayer_lowered  }
0x9b: {  	s22 =	simm.s32 $0x1BFF;
	s21 =	sshll.u32 s5, $0x1;
	s2 =	sadd.s32 s19, s18  }
0x9c: {  	s6 =	simm.s32 $0x0;
	s20 =	sshll.u32 s4, $0x1;
	s4 =	sadd.s32 s21, s2  }
0x9d: {  	[timem:s6], [sflag:s22] =	dma.local [hbm:s4], s20  }
0x9e: {  	_ =	swait.ge [sflag:s22], s20  }
0x9f: {  	s3 =	ssub.s32 $0x0, s20;
	[sflag:s22] =	ssyncset.done $0x0  }
0xa0: {  	[sflag:s22] =	ssyncadd.s32 s3;
	_ =	sdelay $0x1  }
0xa1: {  	s23 =	simm.s32 $0x1B8B  }
0xa2: {  	_ =	swait.ge [sflag:s23], $0x1  }
0xa3: {  	[sflag:s23] =	ssyncset.done $0x0  }
0xa4: {  	s25 =	simm.s32 $0x1B8E;
	s24 =	sld [smem:$0x3FFE];
	[sflag:s23] =	ssyncadd.s32 $0xFFFFFFFF  }
0xa5: {  	s26 =	simm.s32 $execute0_lowered;
	[smem:$0x3FD2] =	sst s25  }
0xa6: {  	s4 =	sshll.u32 s26, $0x1;
	_ =	strace $0x80000049;
	[dreg:$0x1] =	wrdreg $0xFFFFFFFF  }
0xa7: {  	s28 =	simm.s32 $_size_execute0_lowered;
	s2 =	sadd.s32 s2, s4;
	[dreg:$0x0] =	wrdreg $0x0  }
0xa8: {  	s4 =	sshll.u32 s28, $0x1;
	[dreg:$0x2] =	wrdreg s2  }
0xa9: {  	[dreg:$0x3] =	wrdreg s4  }
0xaa: {  	[dreg:$0x4] =	wrdreg $0xC0  }
0xab: {  	_ =	task [dreg:s6], $0x5FFFF  }
0xac: {  	[dreg:$0x1] =	wrdreg $0xFFFFFFFF  }
0xad: {  	[dreg:$0x0] =	wrdreg $0x60  }
0xae: {  	[dreg:$0x2] =	wrdreg s24  }
0xaf: {  	[dreg:$0x3] =	wrdreg $0xA9000  }
0xb0: {  	[dreg:$0x4] =	wrdreg $0x9  }
0xb1: {  	_ =	task.clear_ibuf [dreg:s6], $0x5FFFF;
	_ =	strace $0x90000049  }
0xb2: {  	s29 =	simm.s32 $0x9;
	_ =	strace $0x8000004B  }
0xb3: {  	_ =	swait.ge [sflag:s29], $0x1  }
0xb4: {  	[sflag:s29] =	ssyncadd.s32 $0xFFFFFFFF  }
0xb5: {  	_ =	strace $0x9000004B  }
0xb6: {  	_ =	sfence  }
0xb7: {  	s30 =	sld [smem:$0x0];
	_ =	sdelay $0x2  }
0xb8: {  	s31 =	sshll.u32 s1, $0xD;
	s1 =	sshrl.u32 s1, $0x2  }
0xb9: {  	s3 =	sand.u32 $0x4000, s31;
	s1 =	sadd.s32 s1, s30  }
0xba: {  	s0 =	sor.u32 s3, s0;
	s1 =	sshll.u32 s1, $0x11  }
0xbb: {  	s0 =	sor.u32 s1, s0  }
0xbc: {  	s0 =	sadd.s32 $0x8F2B, s0  }
0xbd: {  	[sflag:s0] =	ssyncadd.remote.s32 $0x1  }
0xbe: {  	_ =	sfence.sel $0xFFFF  }
0xbf: {  	[dreg:$0x0] =	wrdreg $0xFFFFFFFF;
	(pc) =	sbr.abs _section_cstart, $3  }
0xc0: {  	[dreg:$0x1] =	wrdreg $0xFFFFFFFF  }
0xc1: {  	_ =	task.clear_ibuf [dreg:s6], $0x2FFFF;
	_ =	strace $0x9FFFFFFF  }
0xc2: {  	(tm) =	ssettm $0x7FFFFFFF  }
0xc3: {  	_ =	shalt  }
tec
execute0_lowered:
.L_overlay_start_1:
0x0: {  	(tag) =	ssettag $0x1  }
0x1: {  	s0 =	srdreg.scid;
	s6 =	rddreg [dreg:$0x0]  }
0x2: {  	s10 =	stileid.u32;
	s2 =	rddreg [dreg:$0x1]  }
0x3: {  	s3 =	simm.s32 $0x0;
	s19 =	simm.s32 $0x5;
	s21 =	simm.s32 $0x4  }
0x4: {  	s29 =	simm.s32 $0x2880;
	s30 =	simm.s32 $0x10;
	s8 =	smul.u32 $0x50000, s10  }
0x5: {  	s20 =	simm.s32 $0x0;
	s0 =	sand.u32 $0x1, s0;
	s13 =	smul.u32 $0x13800, s10  }
0x6: {  	s1 =	sshll.u32 s10, $0x1;
	[smem:$0x7FF] =	sst s3;
	s28 =	smul.u32 $0x4E000, s10  }
0x7: {  	s4 =	sadd.s32 $0x3600, s6;
	s5 =	sadd.s32 $0x17200, s6;
	s17 =	smul.u32 $0x4E20, s10  }
0x8: {  	s15 =	sadd.s32 $0x3E400, s6;
	p0 =	seq.s32 s10, $0xF;
	s14 =	smul.u32 $0x138800, s0  }
0x9: {  	s1 =	sor.u32 s0, s1;
	s9 =	ssub.s32 $0x2, s0;
	s0 =	smul.u32 $0x2710, s0  }
0xa: {  	_ =	strace $0x8000004A;
	s1 =	smul.u32 $0x2710, s1;
	s22 =	sshrl.u32 s9, $0x1  }
0xb: {  	s8 =	sshrl.u32 s8, $0x2;
	s16 =	ssub.s32 s9, s22;
	s26 =	sadd.s32 s13, s14  }
0xc: {  	s18 =	sshrl.u32 s14, $0x3;
	s0 =	sadd.s32 s0, s17;
	s22 =	simm.s32 $0x2  }
0xd: {  	s1 =	sshrl.u32 s1, $0x3;
	s31 =	sadd.s32 s15, s18;
	s16 =	smax.u32 s16, $0x1  }
0xe: {  	s17 =	sadd.s32 $0x80, s0;
	s18 =	simm.s32 $0x2900;
	s7 =	sadd.s32 s1, s6  }
0xf: {  	s6 =	sadd.s32 s8, s2;
	s12 =	sadd.s32 s4, s1;
	s1 =	sshrl.u32 s26, $0x3  }
0x10: {  	s8 =	sadd.s32 $0x4000, s6;
	s23 =	sadd.s32 $0x8000, s6;
	s24 =	sadd.s32 $0xC000, s6  }
0x11: {  	s25 =	sadd.s32 $0x10000, s6;
	s11 =	sadd.s32 $0xD400, s7;
	[dreg:$0x3] =	wrdreg s8  }
0x12: {  	s13 =	sadd.s32 $0x4E0, s12;
	s7 =	sshrl.u32 s28, $0x2;
	[dreg:$0x4] =	wrdreg s23  }
0x13: {  	s14 =	sadd.s32 s15, s1;
	s15 =	sadd.s32 $0x24900, s31;
	[dreg:$0x5] =	wrdreg s24  }
0x14: {  	[dreg:$0x6] =	wrdreg s25;
	s1 =	sadd.s32 s7, s2;
	s7 =	sadd.s32 $0x124800, s2  }
0x15: {  	v0 =	vimm.f32 $0.0e+00;
	s24 =	sshrl.u32 @p0 s7, $0x3;
	s25 =	sshrl.u32 @!p0 s1, $0x3;
	s1 =	simm.s32 $0x1  }
.LBB2_1:
0x16: {  	s0 =	sand.u32 $0xFE00, s3  }
0x17: {  	s7 =	sand.u32 $0x70, s3;
	s23 =	sshrl.u32 s0, $0x2  }
0x18: {  	s0 =	simm.s32 $0x40;
	s7 =	sor.u32 s7, s23;
	s23 =	simm.s32 $0x0  }
.LBB2_2:
0x19: {  	p1 =	sne.s32 s0, $0xFFC0  }
0x1a: {  	[tilespmem:s7+$0x2900] =	vst v0;
	s23 =	sadd.s32 $0x10, s23;
	s7 =	smov.u32 s0;
	s0 =	sadd.s32 $0x40, s0  }
.Ltmp0:
0x1b: {  	(pc) =	sbr.rel @p1 .LBB2_2-.Ltmp0, $4  }
0x1c: {  	_ = 	snop  }
0x1d: {  	s7 =	sand.u32 $0xFE00, s7  }
0x1e: {  	s26 =	sand.u32 $0x70, s23;
	s7 =	sshrl.u32 s7, $0x2  }
0x1f: {  	s7 =	sor.u32 s26, s7  }
0x20: {  	[tilespmem:s7+$0x2900] =	vst v0  }
0x21: {  	[spmem:s6] =	stream.linear.scatter [tilespmem:s18], [sflag:$0x5], $0x4000, $0x38;
	[tilespmem:$0x1E900] =	vst v63  }
0x22: {  	_ =	swait.ge [sflag:s19], $0x4000  }
0x23: {  	[sflag:s19] =	ssyncset.done $0x0  }
0x24: {  	s0 =	rddreg [dreg:$0x3];
	[sflag:s19] =	ssyncadd.s32 $0xFFFFC000  }
0x25: {  	[spmem:s0] =	stream.linear.scatter [tilespmem:s18], [sflag:$0x5], $0x4000, $0x38;
	[tilespmem:$0x1E900] =	vst v63  }
0x26: {  	_ =	swait.ge [sflag:s19], $0x4000  }
0x27: {  	[sflag:s19] =	ssyncset.done $0x0  }
0x28: {  	s23 =	rddreg [dreg:$0x4];
	[sflag:s19] =	ssyncadd.s32 $0xFFFFC000  }
0x29: {  	[spmem:s23] =	stream.linear.scatter [tilespmem:s18], [sflag:$0x5], $0x4000, $0x38;
	[tilespmem:$0x1E900] =	vst v63  }
0x2a: {  	_ =	swait.ge [sflag:s19], $0x4000  }
0x2b: {  	[sflag:s19] =	ssyncset.done $0x0  }
0x2c: {  	s26 =	rddreg [dreg:$0x5];
	[sflag:s19] =	ssyncadd.s32 $0xFFFFC000  }
0x2d: {  	[spmem:s26] =	stream.linear.scatter [tilespmem:s18], [sflag:$0x5], $0x4000, $0x38;
	[tilespmem:$0x1E900] =	vst v63  }
0x2e: {  	_ =	swait.ge [sflag:s19], $0x4000  }
0x2f: {  	[sflag:s19] =	ssyncset.done $0x0  }
0x30: {  	s7 =	rddreg [dreg:$0x6];
	[sflag:s19] =	ssyncadd.s32 $0xFFFFC000  }
0x31: {  	[spmem:s7] =	stream.linear.scatter [tilespmem:s18], [sflag:$0x5], $0x4000, $0x38;
	[tilespmem:$0x1E900] =	vst v63  }
0x32: {  	_ =	swait.ge [sflag:s19], $0x4000  }
0x33: {  	[sflag:s19] =	ssyncset.done $0x0  }
0x34: {  	[sflag:s19] =	ssyncadd.s32 $0xFFFFC000  }
0x35: {  	s8 =	simm.s32 $0x0;
	[bflag:$0x0] =	sbarrier.arrive $0xFFFF  }
0x36: {  	[tilespmem:s8], [sflag:$0x5] =	stream.linear.gather [hbm4b:s11+s8], $0x2710, $0x38;
	[tilespmem:$0x1E900] =	vst v63  }
0x37: {  	_ =	swait.ge [sflag:s19], $0x2710  }
0x38: {  	s0 =	sand.u32 $0x1, s8;
	[sflag:s19] =	ssyncset.done $0x0  }
0x39: {  	s9 =	simm.s32 $0x2780;
	p1 =	seq.s32 s0, $0x1;
	[sflag:s19] =	ssyncadd.s32 $0xFFFFD8F0  }
0x3a: {  	[tilespmem:s9], [sflag:$0x3] =	stream.linear.gather [hbm4b:s12+s8], $0x80, $0x38;
	[tilespmem:$0x1E900] =	vst v63  }
0x3b: {  	s0 =	sshrl.u32 @p1 s17, $0x3;
	s7 =	simm.s32 $0x80  }
0x3c: {  	[tilespmem:s18], [sflag:$0x1] =	stream.indirect.gather [hbm4b:s5+s7], $0x80, s8, s7, $0xb8;
	[tilespmem:$0x1E900] =	vst v63  }
0x3d: {  	s0 =	sadd.s32 @p1 s4, s0;
	s23 =	simm.s32 @p1 $0x0;
	s26 =	simm.s32 @p1 $0x2780  }
0x3e: {  	[tilespmem:s26], [sflag:$0x3] =	stream.linear.gather @p1 [hbm4b:s0+s23], $0x80, $0x38;
	[tilespmem:$0x1E900] =	vst v63  }
0x3f: {  	s0 =	simm.s32 @p1 $0x80;
	s23 =	simm.s32 @p1 $0x2900;
	s26 =	simm.s32 @p1 $0x4  }
0x40: {  	[tilespmem:s23], [sflag:$0x1] =	stream.indirect.gather @p1 [hbm4b:s5+s0], $0x80, s7, s0, $0xb8;
	[tilespmem:$0x1E900] =	vst v63  }
0x41: {  	_ =	swait.ge @p1 [sflag:s26], $0x80  }
0x42: {  	[sflag:s26] =	ssyncset.done @p1 $0x0  }
0x43: {  	s23 =	simm.s32 @p1 $0x2;
	[sflag:s26] =	ssyncadd.s32 @p1 $0xFFFFFF80  }
0x44: {  	_ =	swait.ge @p1 [sflag:s23], $0x4000  }
0x45: {  	s28 =	simm.s32 @p1 $0x6900;
	[sflag:s23] =	ssyncset.done @p1 $0x0  }
0x46: {  	s26 =	sshrl.u32 @!p1 s17, $0x3;
	[sflag:s23] =	ssyncadd.s32 @p1 $0xFFFFC000;
	s23 =	simm.s32 @p1 $0x2800  }
0x47: {  	[spmem:s2] =	stream.indirect.scatter.add.f32 @p1 [tilespmem:s28], [sflag:$0x5], $0x80, s23, s0, $0xb8;
	[tilespmem:$0x1E900] =	vst v63  }
0x48: {  	s0 =	sadd.s32 @!p1 s4, s26;
	s23 =	simm.s32 @!p1 $0x0;
	s26 =	simm.s32 @!p1 $0x2800  }
0x49: {  	[tilespmem:s26], [sflag:$0x4] =	stream.linear.gather @!p1 [hbm4b:s0+s23], $0x80, $0x38;
	[tilespmem:$0x1E900] =	vst v63  }
0x4a: {  	s26 =	simm.s32 @!p1 $0x80;
	s0 =	simm.s32 @!p1 $0x6900;
	s23 =	simm.s32 @!p1 $0x3  }
0x4b: {  	[tilespmem:s0], [sflag:$0x2] =	stream.indirect.gather @!p1 [hbm4b:s5+s26], $0x80, s7, s26, $0xb8;
	[tilespmem:$0x1E900] =	vst v63  }
0x4c: {  	_ =	swait.ge @!p1 [sflag:s23], $0x80  }
0x4d: {  	s10 =	simm.s32 $0x1;
	[sflag:s23] =	ssyncset.done @!p1 $0x0  }
0x4e: {  	s31 =	simm.s32 @!p1 $0x1;
	s8 =	simm.s32 @!p1 $0x2900;
	[sflag:s23] =	ssyncadd.s32 @!p1 $0xFFFFFF80  }
0x4f: {  	s28 =	simm.s32 $0x2;
	s0 =	simm.s32 @!p1 $0x6;
	_ =	swait.ge @!p1 [sflag:s31], $0x4000  }
0x50: {  	s7 =	sand.u32 $0x1, s10;
	s0 =	simm.s32 @p1 $0x5;
	[sflag:s31] =	ssyncset.done @!p1 $0x0  }
0x51: {  	s23 =	simm.s32 $0x100;
	[sflag:s31] =	ssyncadd.s32 @!p1 $0xFFFFC000;
	s31 =	simm.s32 @!p1 $0x2780  }
0x52: {  	[spmem:s2] =	stream.indirect.scatter.add.f32 @!p1 [tilespmem:s8], [sflag:$0x6], $0x80, s31, s26, $0xb8;
	[tilespmem:$0x1E900] =	vst v63  }
0x53: {  	p1 =	seq.s32 s7, $0x1;
	s26 =	sadd.s32 $0x80, s17;
	_ =	swait.ge [sflag:s0], $0x4000  }
0x54: {  	s7 =	sshrl.u32 @p1 s26, $0x3;
	s31 =	simm.s32 @p1 $0x0;
	[sflag:s0] =	ssyncset.done $0x0  }
.LBB2_4:
0x55: {  	s7 =	sadd.s32 @p1 s4, s7  }
0x56: {  	s8 =	simm.s32 @p1 $0x2780;
	[sflag:s0] =	ssyncadd.s32 $0xFFFFC000;
	s9 =	smov.u32 s28  }
0x57: {  	[tilespmem:s8], [sflag:$0x3] =	stream.linear.gather @p1 [hbm4b:s7+s31], $0x80, $0x38;
	[tilespmem:$0x1E900] =	vst v63  }
0x58: {  	s0 =	simm.s32 @p1 $0x2900;
	s7 =	simm.s32 @p1 $0x80;
	s8 =	simm.s32 @p1 $0x4  }
0x59: {  	[tilespmem:s0], [sflag:$0x1] =	stream.indirect.gather @p1 [hbm4b:s5+s7], $0x80, s23, s7, $0xb8;
	[tilespmem:$0x1E900] =	vst v63  }
0x5a: {  	s31 =	sshrl.u32 @!p1 s26, $0x3;
	s0 =	simm.s32 @!p1 $0x6;
	_ =	swait.ge @p1 [sflag:s8], $0x80  }
0x5b: {  	s28 =	sadd.s32 $0x1, s28;
	s31 =	sadd.s32 @!p1 s4, s31;
	[sflag:s8] =	ssyncset.done @p1 $0x0  }
0x5c: {  	p2 =	sne.s32 s28, $0x4D;
	[sflag:s8] =	ssyncadd.s32 @p1 $0xFFFFFF80;
	s8 =	simm.s32 @p1 $0x2  }
0x5d: {  	_ =	swait.ge @p1 [sflag:s8], $0x4000  }
0x5e: {  	[sflag:s8] =	ssyncset.done @p1 $0x0  }
0x5f: {  	s10 =	simm.s32 @p1 $0x6900;
	[sflag:s8] =	ssyncadd.s32 @p1 $0xFFFFC000;
	s8 =	simm.s32 @p1 $0x2800  }
0x60: {  	[spmem:s2] =	stream.indirect.scatter.add.f32 @p1 [tilespmem:s10], [sflag:$0x5], $0x80, s8, s7, $0xb8;
	[tilespmem:$0x1E900] =	vst v63  }
0x61: {  	s7 =	simm.s32 @!p1 $0x0;
	s8 =	simm.s32 @!p1 $0x2800  }
0x62: {  	[tilespmem:s8], [sflag:$0x4] =	stream.linear.gather @!p1 [hbm4b:s31+s7], $0x80, $0x38;
	[tilespmem:$0x1E900] =	vst v63  }
0x63: {  	s10 =	simm.s32 @!p1 $0x3;
	s7 =	simm.s32 @!p1 $0x80;
	s8 =	simm.s32 @!p1 $0x6900  }
0x64: {  	[tilespmem:s8], [sflag:$0x2] =	stream.indirect.gather @!p1 [hbm4b:s5+s7], $0x80, s23, s7, $0xb8;
	[tilespmem:$0x1E900] =	vst v63  }
0x65: {  	_ =	swait.ge @!p1 [sflag:s10], $0x80  }
0x66: {  	[sflag:s10] =	ssyncset.done @!p1 $0x0  }
0x67: {  	s8 =	simm.s32 @!p1 $0x1;
	[sflag:s10] =	ssyncadd.s32 @!p1 $0xFFFFFF80  }
0x68: {  	s0 =	simm.s32 @p1 $0x5;
	s23 =	sadd.s32 $0x80, s23;
	_ =	swait.ge @!p1 [sflag:s8], $0x4000  }
.Ltmp1:
0x69: {  	s10 =	simm.s32 @!p1 $0x2900;
	[sflag:s8] =	ssyncset.done @!p1 $0x0;
	(pc) =	sbr.rel @p2 .LBB2_4-.Ltmp1, $4  }
0x6a: {  	s9 =	sand.u32 $0x1, s9;
	[sflag:s8] =	ssyncadd.s32 @!p1 $0xFFFFC000;
	s8 =	simm.s32 @!p1 $0x2780  }
0x6b: {  	[spmem:s2] =	stream.indirect.scatter.add.f32 @!p1 [tilespmem:s10], [sflag:$0x6], $0x80, s8, s7, $0xb8;
	[tilespmem:$0x1E900] =	vst v63  }
0x6c: {  	s26 =	sadd.s32 $0x80, s26;
	p1 =	seq.s32 s9, $0x1;
	_ =	swait.ge [sflag:s0], $0x4000  }
0x6d: {  	s7 =	sshrl.u32 @p1 s26, $0x3;
	s31 =	simm.s32 @p1 $0x0;
	[sflag:s0] =	ssyncset.done $0x0  }
0x6e: {  	s7 =	sadd.s32 @p1 s4, s7;
	[sflag:s0] =	ssyncadd.s32 $0xFFFFC000;
	s0 =	simm.s32 @p1 $0x2780  }
0x6f: {  	[tilespmem:s0], [sflag:$0x3] =	stream.linear.gather @p1 [hbm4b:s7+s31], $0x80, $0x38;
	[tilespmem:$0x1E900] =	vst v63  }
0x70: {  	s8 =	simm.s32 @p1 $0x4;
	s0 =	simm.s32 @p1 $0x80;
	s7 =	simm.s32 @p1 $0x2900  }
0x71: {  	[tilespmem:s7], [sflag:$0x1] =	stream.indirect.gather @p1 [hbm4b:s5+s0], $0x80, s23, s0, $0xb8;
	[tilespmem:$0x1E900] =	vst v63  }
0x72: {  	_ =	swait.ge @p1 [sflag:s8], $0x80  }
0x73: {  	[sflag:s8] =	ssyncset.done @p1 $0x0  }
0x74: {  	s7 =	simm.s32 @p1 $0x2;
	[sflag:s8] =	ssyncadd.s32 @p1 $0xFFFFFF80  }
0x75: {  	_ =	swait.ge @p1 [sflag:s7], $0x4000  }
0x76: {  	[sflag:s7] =	ssyncset.done @p1 $0x0  }
0x77: {  	s8 =	simm.s32 @p1 $0x6900;
	[sflag:s7] =	ssyncadd.s32 @p1 $0xFFFFC000;
	s7 =	simm.s32 @p1 $0x2800  }
0x78: {  	[spmem:s2] =	stream.indirect.scatter.add.f32 @p1 [tilespmem:s8], [sflag:$0x5], $0x80, s7, s0, $0xb8;
	[tilespmem:$0x1E900] =	vst v63  }
0x79: {  	s0 =	sshrl.u32 @!p1 s26, $0x3  }
0x7a: {  	s7 =	simm.s32 @!p1 $0x0;
	s8 =	simm.s32 @!p1 $0x2800;
	s0 =	sadd.s32 @!p1 s4, s0  }
0x7b: {  	[tilespmem:s8], [sflag:$0x4] =	stream.linear.gather @!p1 [hbm4b:s0+s7], $0x80, $0x38;
	[tilespmem:$0x1E900] =	vst v63  }
0x7c: {  	s0 =	simm.s32 @!p1 $0x80;
	s7 =	simm.s32 @!p1 $0x6900  }
0x7d: {  	[tilespmem:s7], [sflag:$0x2] =	stream.indirect.gather @!p1 [hbm4b:s5+s0], $0x80, s23, s0, $0xb8;
	[tilespmem:$0x1E900] =	vst v63  }
0x7e: {  	s7 =	simm.s32 @!p1 $0x3  }
0x7f: {  	_ =	swait.ge @!p1 [sflag:s7], $0x80  }
0x80: {  	[sflag:s7] =	ssyncset.done @!p1 $0x0  }
0x81: {  	[sflag:s7] =	ssyncadd.s32 @!p1 $0xFFFFFF80;
	s7 =	simm.s32 @!p1 $0x1  }
0x82: {  	_ =	swait.ge @!p1 [sflag:s7], $0x4000  }
0x83: {  	[sflag:s7] =	ssyncset.done @!p1 $0x0  }
0x84: {  	s8 =	simm.s32 @!p1 $0x2900;
	[sflag:s7] =	ssyncadd.s32 @!p1 $0xFFFFC000;
	s7 =	simm.s32 @!p1 $0x2780  }
0x85: {  	[spmem:s2] =	stream.indirect.scatter.add.f32 @!p1 [tilespmem:s8], [sflag:$0x6], $0x80, s7, s0, $0xb8;
	[tilespmem:$0x1E900] =	vst v63  }
0x86: {  	s0 =	simm.s32 @!p1 $0x6  }
0x87: {  	s0 =	simm.s32 @p1 $0x5  }
0x88: {  	_ =	swait.ge [sflag:s0], $0x4000  }
0x89: {  	[sflag:s0] =	ssyncset.done $0x0  }
0x8a: {  	[sflag:s0] =	ssyncadd.s32 $0xFFFFC000  }
0x8b: {  	_ =	swait.ge [sflag:s21], $0x80  }
0x8c: {  	[sflag:s21] =	ssyncset.done $0x0  }
0x8d: {  	[sflag:s21] =	ssyncadd.s32 $0xFFFFFF80  }
0x8e: {  	_ =	swait.ge [sflag:s22], $0x4000  }
0x8f: {  	s28 =	simm.s32 $0x6900;
	[sflag:s22] =	ssyncset.done $0x0  }
0x90: {  	s26 =	simm.s32 $0x2800;
	s23 =	simm.s32 $0x80;
	[sflag:s22] =	ssyncadd.s32 $0xFFFFC000  }
0x91: {  	[spmem:s2] =	stream.indirect.scatter.add.f32 [tilespmem:s28], [sflag:$0x5], $0x80, s26, s23, $0xb8;
	[tilespmem:$0x1E900] =	vst v63  }
0x92: {  	_ =	swait.ge [sflag:s19], $0x4000  }
0x93: {  	[sflag:s19] =	ssyncset.done $0x0  }
0x94: {  	[sflag:s19] =	ssyncadd.s32 $0xFFFFC000  }
0x95: {  	[tilespmem:s29], [sflag:$0x5] =	stream.linear.gather [hbm4b:s13+s3], $0x10, $0x38;
	[tilespmem:$0x1E900] =	vst v63  }
0x96: {  	_ =	swait.ge [sflag:s19], $0x10  }
0x97: {  	[sflag:s19] =	ssyncset.done $0x0  }
0x98: {  	s31 =	simm.s32 $0x2700;
	[sflag:s19] =	ssyncadd.s32 $0xFFFFFFF0  }
0x99: {  	[tilespmem:s18], [sflag:$0x1] =	stream.indirect.gather [hbm4b:s5+s30], $0x80, s31, s30, $0xb8;
	[tilespmem:$0x1E900] =	vst v63  }
0x9a: {  	_ =	swait.ge [sflag:s1], $0x800  }
0x9b: {  	[sflag:s1] =	ssyncset.done $0x0  }
0x9c: {  	[sflag:s1] =	ssyncadd.s32 $0xFFFFF800  }
0x9d: {  	[spmem:s2] =	stream.indirect.scatter.add.f32 [tilespmem:s18], [sflag:$0x5], $0x80, s29, s30, $0xb8;
	[tilespmem:$0x1E900] =	vst v63  }
0x9e: {  	_ =	swait.ge [sflag:s19], $0x800  }
0x9f: {  	[sflag:s19] =	ssyncset.done $0x0  }
0xa0: {  	[sflag:s19] =	ssyncadd.s32 $0xFFFFF800  }
0xa1: {  	s0 =	simm.s32 @p0 $0x1FC5;
	[bflag:$0x0] =	sbarrier.arrive $0xFFFF  }
0xa2: {  	[hbm:s15], [sflag:s0] =	dma.local @p0 [spmem:s24], $0x2800  }
0xa3: {  	s0 =	simm.s32 @p0 $0x5  }
0xa4: {  	s7 =	stileid.u32;
	_ =	swait.ge @p0 [sflag:s0], $0x2800  }
0xa5: {  	s20 =	sadd.s32 $0x1, s20;
	s7 =	sshll.u32 @!p0 s7, $0x6;
	[sflag:s0] =	ssyncset.done @p0 $0x0  }
0xa6: {  	p1 =	sne.s32 s20, s16;
	[sflag:s0] =	ssyncadd.s32 @p0 $0xFFFFD800;
	s0 =	sor.u32 @!p0 $0x1C05, s7  }
0xa7: {  	[hbm:s14], [sflag:s0] =	dma.local @!p0 [spmem:s25], $0x2700  }
.Ltmp2:
0xa8: {  	_ = 	snop;
	(pc) =	sbr.rel @p1 .LBB2_1-.Ltmp2, $4  }
0xa9: {  	s0 =	simm.s32 @!p0 $0x5  }
0xaa: {  	_ =	swait.ge @!p0 [sflag:s0], $0x2700  }
0xab: {  	[sflag:s0] =	ssyncset.done @!p0 $0x0  }
0xac: {  	[sflag:s0] =	ssyncadd.s32 @!p0 $0xFFFFD900  }
0xad: {  	_ =	sfence.sel $0x180000  }
0xae: {  	[bflag:$0x0] =	sbarrier.arrive $0xFFFF  }
0xaf: {  	_ =	strace $0x9000004A  }
0xb0: {  	s0 =	stileid.u32;
	[bflag:$0x2] =	sbarrier.arrive $0xFFFF  }
0xb1: {  	p0 =	sne.s32 s0, $0x0;
	s0 =	rddreg [dreg:$0x2]  }
0xb2: {  	s0 =	sadd.s32 @!p0 $0x100000, s0  }
0xb3: {  	[sflag:s0] =	ssyncadd.tile.s32 @!p0 $0x1;
	_ =	shalt  }
.Lfunc_end2:
_tile_overlayer_lowered:
.L_overlay_start_2:
0xb4: {  	(tag) =	ssettag $0x2  }
0xb5: {  	s0 =	rddreg [dreg:$0x0];
	s2 =	stileid.u32  }
0xb6: {  	s1 =	rddreg [dreg:$0x1];
	p0 =	sne.s32 s2, $0x0  }
0xb7: {  	s3 =	rddreg [dreg:$0x2];
	[bflag:$0x3] =	sbarrier.arrive $0xFFFF;
	s2 =	simm.s32 @!p0 $0x1C05  }
0xb8: {  	[timem:s3], [sflag:s2] =	dma.local @!p0 [hbm:s0], s1  }
0xb9: {  	s0 =	simm.s32 @!p0 $0x5  }
0xba: {  	_ =	swait.ge @!p0 [sflag:s0], s1  }
0xbb: {  	s1 =	ssub.s32 @!p0 $0x0, s1;
	[sflag:s0] =	ssyncset.done @!p0 $0x0  }
0xbc: {  	[sflag:s0] =	ssyncadd.s32 @!p0 s1  }
0xbd: {  	[bflag:$0x3] =	sbarrier.arrive $0xFFFF  }
0xbe: {  	_ =	shalt  }

</sc_bundles>
